<compile_context>
chip_gen: v7x
topology: tpu7x:2x2x1
jax: 0.10.2.dev20260603
libtpu: 0.0.44.dev20260713+nightly
codegen_flags: <defaults>
</compile_context>

<pallas_src>
import functools

import jax
import jax.numpy as jnp
from jax import lax
from jax.experimental import pallas as pl
from jax.experimental.pallas import tpu as pltpu
from jax.experimental.pallas import tpu_sc as plsc

N = 10000
E = 320000
D = 128
NB = 8
KH = 3

NC = 2
NS = 16
NW = NC * NS

NPAD = 10240
RPT = NPAD // NS
ECH = 64
EW = 10240
NCHK = EW // ECH
HCHK = NCHK // 2
EPAD = NW * EW
CW = 128

@functools.cache
def _sc_kernels():
    mesh = plsc.VectorSubcoreMesh(
        core_axis_name="c", subcore_axis_name="s", num_cores=NC, num_subcores=NS
    )
    degree = functools.partial(
        pl.kernel,
        out_type=jax.ShapeDtypeStruct((NC, NPAD, CW), jnp.float32),
        mesh=mesh,
        scratch_types=[
            pltpu.VMEM((NCHK, ECH), jnp.int32),
            pltpu.VMEM((ECH, CW), jnp.float32),
            pltpu.VMEM_SHARED((NPAD, CW), jnp.float32),
        ],
    )(_sc_degree_body)
    hop = functools.partial(
        pl.kernel,
        out_type=jax.ShapeDtypeStruct((NC, NPAD, D), jnp.float32),
        mesh=mesh,
        scratch_types=[
            pltpu.VMEM((HCHK, ECH), jnp.int32),
            pltpu.VMEM((HCHK, ECH), jnp.int32),
            pltpu.VMEM((ECH, D), jnp.float32),
            pltpu.VMEM_SHARED((NPAD, D), jnp.float32),
        ],
    )(_sc_hop_body)
    return degree, hop


def _sc_degree_body(src_hbm, cnt_hbm, srcv, onesv, acc):
    c = lax.axis_index("c")
    s = lax.axis_index("s")
    wid = c * NS + s

    def fill(val, t, _):
        i = t // (CW // 16)
        k = t % (CW // 16)
        onesv[i, pl.ds(k * 16, 16)] = jnp.full((16,), val, jnp.float32)
        return 0

    lax.fori_loop(0, ECH * (CW // 16), functools.partial(fill, 0.0), 0)
    for r in range(RPT // ECH):
        pltpu.sync_copy(onesv, acc.at[pl.ds(s * RPT + r * ECH, ECH)])
    lax.fori_loop(0, ECH * (CW // 16), functools.partial(fill, 1.0), 0)
    plsc.subcore_barrier()

    pltpu.sync_copy(src_hbm.at[wid], srcv)

    def step(j, _):
        pltpu.sync_copy(onesv, acc.at[srcv.at[j]], add=True)
        return 0

    lax.fori_loop(0, NCHK, step, 0)
    plsc.subcore_barrier()

    pltpu.sync_copy(acc.at[pl.ds(s * RPT, RPT)],
                    cnt_hbm.at[c, pl.ds(s * RPT, RPT)])


def _sc_hop_body(hs_hbm, src_hbm, dst_hbm, par_hbm, srcv, dstv, rows, acc):
    c = lax.axis_index("c")
    s = lax.axis_index("s")
    wid = c * NS + s

    def fill_zero(t, _):
        i = t // (D // 16)
        k = t % (D // 16)
        rows[i, pl.ds(k * 16, 16)] = jnp.zeros((16,), jnp.float32)
        return 0

    lax.fori_loop(0, ECH * (D // 16), fill_zero, 0)
    for r in range(RPT // ECH):
        pltpu.sync_copy(rows, acc.at[pl.ds(s * RPT + r * ECH, ECH)])

    for h in range(2):
        pltpu.sync_copy(src_hbm.at[wid, pl.ds(h * HCHK, HCHK)], srcv)
        pltpu.sync_copy(dst_hbm.at[wid, pl.ds(h * HCHK, HCHK)], dstv)
        if h == 0:
            plsc.subcore_barrier()

        def step(j, _):
            pltpu.sync_copy(hs_hbm.at[srcv.at[j]], rows)
            pltpu.sync_copy(rows, acc.at[dstv.at[j]], add=True)
            return 0

        lax.fori_loop(0, HCHK, step, 0)

    plsc.subcore_barrier()

    pltpu.sync_copy(acc.at[pl.ds(s * RPT, RPT)],
                    par_hbm.at[c, pl.ds(s * RPT, RPT)])


BLK = 256
_GRID = NPAD // BLK


def _kan_body(first, last, *refs):
    if first:
        (h_ref, cnt_ref, w_ref, b_ref, out_ref, gs_ref) = refs
        g = h_ref[...]
        acc = b_ref[...] + jnp.zeros((BLK, D), jnp.float32)
    elif last:
        (p_ref, w_ref, b_ref, accin_ref, out_ref) = refs
        g = p_ref[0] + p_ref[1]
        acc = accin_ref[...] + b_ref[...]
    else:
        (p_ref, cnt_ref, w_ref, b_ref, accin_ref, out_ref, gs_ref) = refs
        g = p_ref[0] + p_ref[1]
        acc = accin_ref[...] + b_ref[...]

    if not last:
        cnt = cnt_ref[0] + cnt_ref[1]
        inv = 1.0 / jnp.maximum(cnt, 1.0)
        gs_ref[...] = g * inv

    mu = jnp.mean(g, axis=1, keepdims=True)
    var = jnp.mean((g - mu) ** 2, axis=1, keepdims=True)
    hn = (g - mu) * lax.rsqrt(var + 1e-5)
    scale = (NB - 1) / 4.0
    for j in range(NB):
        gj = -2.0 + j * (4.0 / (NB - 1))
        r = jnp.exp(-(((hn - gj) * scale) ** 2))
        acc = acc + jnp.dot(r, w_ref[j], preferred_element_type=jnp.float32)
    out_ref[...] = acc


def _make_kan(first, last):
    body = functools.partial(_kan_body, first, last)
    w_spec = pl.BlockSpec((NB, D, D), lambda i: (0, 0, 0))
    b_spec = pl.BlockSpec((1, D), lambda i: (0, 0))
    row_spec = pl.BlockSpec((BLK, D), lambda i: (i, 0))
    hpair_spec = pl.BlockSpec((NC, BLK, D), lambda i: (0, i, 0))
    cnt_spec = pl.BlockSpec((NC, BLK, CW), lambda i: (0, i, 0))
    row_shape = jax.ShapeDtypeStruct((NPAD, D), jnp.float32)

    if first:
        in_specs = [row_spec, cnt_spec, w_spec, b_spec]
        out_specs = [row_spec, row_spec]
        out_shape = [row_shape, row_shape]
        aliases = {}
    elif last:
        in_specs = [hpair_spec, w_spec, b_spec, row_spec]
        out_specs = row_spec
        out_shape = row_shape
        aliases = {3: 0}
    else:
        in_specs = [hpair_spec, cnt_spec, w_spec, b_spec, row_spec]
        out_specs = [row_spec, row_spec]
        out_shape = [row_shape, row_shape]
        aliases = {4: 0}

    return pl.pallas_call(
        body,
        grid=(_GRID,),
        in_specs=in_specs,
        out_specs=out_specs,
        out_shape=out_shape,
        input_output_aliases=aliases,
    )


_kan_first = _make_kan(True, False)
_kan_mid = _make_kan(False, False)
_kan_last = _make_kan(False, True)


def kernel(x, edge_index, kan_W, kan_b, hop_weights):
    src = edge_index[0]
    dst = edge_index[1]
    pad = jnp.full((EPAD - E,), N, jnp.int32)
    src_p = jnp.concatenate([src, pad]).reshape(NW, NCHK, ECH)
    dst_p = jnp.concatenate([dst, pad]).reshape(NW, NCHK, ECH)
    xp = jnp.pad(x, ((0, NPAD - N), (0, 0)))

    w = jax.nn.softmax(hop_weights)
    Wp = kan_W.reshape(KH + 1, D, NB, D).transpose(0, 2, 1, 3)
    Wp = Wp * w[:, None, None, None]
    bp = (kan_b * w[:, None])[:, None, :]

    sc_degree, sc_hop = _sc_kernels()
    cnt = sc_degree(src_p)
    out0, xs = _kan_first(xp, cnt, Wp[0], bp[0])
    p1 = sc_hop(xs, src_p, dst_p)
    out1, g1 = _kan_mid(p1, cnt, Wp[1], bp[1], out0)
    p2 = sc_hop(g1, src_p, dst_p)
    out2, g2 = _kan_mid(p2, cnt, Wp[2], bp[2], out1)
    p3 = sc_hop(g2, src_p, dst_p)
    out3 = _kan_last(p3, Wp[3], bp[3], out2)
    return out3[:N]

# --- scband reference (transcript-rebuilt; emitter-appended) ---
"""Pipeline reference for scband-khop-graph-conv-29300266893567 (READ-ONLY COPY).

The authoritative reference and input builder live on the scoring server;
editing this copy changes nothing except your own understanding.
"""

import jax, jax.numpy as jnp
import numpy as np

N = 10000
E = 320000
D_IN = 128
D_OUT = 128
K_HOPS = 3
N_BASES = 8


def setup_inputs(seed: int = 0) -> dict:
    key = jax.random.key(seed)
    ks = jax.random.split(key, 5)
    x = jax.random.normal(ks[0], (N, D_IN), dtype=jnp.float32)
    edge_index = jax.random.randint(ks[1], (2, E), 0, N, dtype=jnp.int32)
    # FastKAN parameters for k_hops+1 = 4 layers: linear over RBF basis features
    kan_W = jax.random.normal(ks[2], (K_HOPS + 1, D_IN * N_BASES, D_OUT), dtype=jnp.float32) * (1.0 / np.sqrt(D_IN * N_BASES))
    kan_b = jnp.zeros((K_HOPS + 1, D_OUT), dtype=jnp.float32)
    hop_weights = jnp.ones((K_HOPS + 1,), dtype=jnp.float32)
    return {"x": x, "edge_index": edge_index, "kan_W": kan_W, "kan_b": kan_b, "hop_weights": hop_weights}


def _fastkan(h, W, b):
    # LayerNorm (no affine) -> Gaussian RBF basis expansion -> linear
    mu = jnp.mean(h, axis=-1, keepdims=True)
    var = jnp.var(h, axis=-1, keepdims=True)
    hn = (h - mu) / jnp.sqrt(var + 1e-5)
    grid = jnp.linspace(-2.0, 2.0, N_BASES)
    denom = (grid[-1] - grid[0]) / (N_BASES - 1)
    rbf = jnp.exp(-(((hn[..., None] - grid) / denom) ** 2))
    basis = rbf.reshape(h.shape[0], D_IN * N_BASES)
    return basis @ W + b


def reference(x, edge_index, kan_W, kan_b, hop_weights):
    src = edge_index[0]
    dst = edge_index[1]
    edge_weight = jnp.ones((edge_index.shape[1],), dtype=jnp.float32)
    degree = jnp.zeros((N,), dtype=jnp.float32).at[src].add(edge_weight)
    degree = jnp.clip(degree, 1.0, None)
    edge_weight_norm = edge_weight / degree[src]

    hop_outputs = [_fastkan(x, kan_W[0], kan_b[0])]
    h_current = x
    for k in range(1, K_HOPS + 1):
        weighted_messages = edge_weight_norm[:, None] * h_current[src]
        h_aggregated = jnp.zeros((N, D_IN), dtype=jnp.float32).at[dst].add(weighted_messages)
        hop_outputs.append(_fastkan(h_aggregated, kan_W[k], kan_b[k]))
        h_current = h_aggregated

    w = jax.nn.softmax(hop_weights)
    out = hop_outputs[0] * w[0]
    for k in range(1, K_HOPS + 1):
        out = out + w[k] * hop_outputs[k]
    return out

if __name__ == "__main__":
    import jax
    _d = setup_inputs()
    print(jax.jit(kernel)(*tuple(_d.values())))

</pallas_src>

<mosaic_0001>
#map = affine_map<(d0, d1) -> (0, 0, 0)>
module attributes {stable_mosaic.version = 14 : i64} {
  func.func @_sc_degree_body(%arg0: i32, %arg1: i32, %arg2: memref<32x160x64xi32, #tpu.memory_space<hbm>>, %arg3: memref<2x10240x128xf32, #tpu.memory_space<hbm>>, %arg4: memref<160x64xi32, #tpu.memory_space<vmem>>, %arg5: memref<64x128xf32, #tpu.memory_space<vmem>>, %arg6: memref<10240x128xf32, #tpu.memory_space<vmem_shared>>) attributes {dimension_semantics = [#tpu.dimension_semantics<core_parallel>, #tpu.dimension_semantics<subcore_parallel>], iteration_bounds = array<i64: 2, 16>, scalar_prefetch = 0 : i64, scratch_operands = 3 : i64, tpu.core_type = #tpu.core_type<sc_vector_subcore>, window_params = [{transform_indices = #map}, {transform_indices = #map}]} {
    %mul3A = arith.constant 16 : i32
    %mul3A_0 = arith.muli %arg0, %mul3A : i32
    %add3A = arith.addi %mul3A_0, %arg1 : i32
    %scan3A = arith.constant 0 : i32
    %scan3A_1 = arith.constant 0 : i32
    %scan3A_2 = arith.constant 512 : i32
    %scan3A_3 = arith.addi %scan3A_1, %scan3A_2 : i32
    %scan3A_4 = arith.constant 1 : i32
    %scan3A_5 = scf.for %scan3A_66 = %scan3A_1 to %scan3A_3 step %scan3A_4 iter_args(%scan3A_67 = %scan3A) -> (i32)  : i32 {
      %jit3A = arith.constant 8 : i32
      %div3A = arith.divsi %scan3A_66, %jit3A : i32
      %sign3A = arith.constant 0 : i32
      %sign3A_68 = arith.cmpi sgt, %scan3A_66, %sign3A : i32
      %sign3A_69 = arith.extui %sign3A_68 : i1 to i32
      %sign3A_70 = arith.constant 0 : i32
      %sign3A_71 = arith.cmpi slt, %scan3A_66, %sign3A_70 : i32
      %sign3A_72 = arith.extui %sign3A_71 : i1 to i32
      %sign3A_73 = arith.subi %sign3A_69, %sign3A_72 : i32
      %sign3A_74 = arith.constant 0 : i32
      %sign3A_75 = arith.cmpi sgt, %jit3A, %sign3A_74 : i32
      %sign3A_76 = arith.extui %sign3A_75 : i1 to i32
      %sign3A_77 = arith.constant 0 : i32
      %sign3A_78 = arith.cmpi slt, %jit3A, %sign3A_77 : i32
      %sign3A_79 = arith.extui %sign3A_78 : i1 to i32
      %sign3A_80 = arith.subi %sign3A_76, %sign3A_79 : i32
      %ne3A = arith.cmpi ne, %sign3A_73, %sign3A_80 : i32
      %rem3A = arith.remsi %scan3A_66, %jit3A : i32
      %ne3A_81 = arith.constant 0 : i32
      %ne3A_82 = arith.cmpi ne, %rem3A, %ne3A_81 : i32
      %and3A = arith.andi %ne3A, %ne3A_82 : i1
      %sub3A = arith.constant 1 : i32
      %sub3A_83 = arith.subi %div3A, %sub3A : i32
      %select_n3A = arith.select %and3A, %sub3A_83, %div3A : i32
      %jit3A_84 = arith.constant 8 : i32
      %eq3A = arith.constant 0 : i32
      %eq3A_85 = arith.cmpi eq, %jit3A_84, %eq3A : i32
      %jit3A_86 = arith.constant 1 : i32
      %select_n3A_87 = arith.select %eq3A_85, %jit3A_86, %jit3A_84 : i32
      %rem3A_88 = arith.remsi %scan3A_66, %select_n3A_87 : i32
      %ne3A_89 = arith.constant 0 : i32
      %ne3A_90 = arith.cmpi ne, %rem3A_88, %ne3A_89 : i32
      %lt3A = arith.constant 0 : i32
      %lt3A_91 = arith.cmpi slt, %rem3A_88, %lt3A : i32
      %lt3A_92 = arith.constant 0 : i32
      %lt3A_93 = arith.cmpi slt, %select_n3A_87, %lt3A_92 : i32
      %ne3A_94 = arith.xori %lt3A_91, %lt3A_93 : i1
      %and3A_95 = arith.andi %ne3A_94, %ne3A_90 : i1
      %add3A_96 = arith.addi %rem3A_88, %select_n3A_87 : i32
      %select_n3A_97 = arith.select %and3A_95, %add3A_96, %rem3A_88 : i32
      %broadcast_in_dim3A = arith.constant 0.000000e+00 : f32
      %broadcast_in_dim3A_98 = vector.broadcast %broadcast_in_dim3A : f32 to vector<16xf32>
      %mul3A_99 = arith.constant 16 : i32
      %mul3A_100 = arith.muli %select_n3A_97, %mul3A_99 : i32
      %swap3A = arith.index_cast %select_n3A : i32 to index
      %swap3A_101 = arith.index_cast %mul3A_100 : i32 to index
      %swap3A_102 = tpu.vector_load %arg5[%swap3A, %swap3A_101] {strides = array<i32>} : memref<64x128xf32, #tpu.memory_space<vmem>>, vector<1x16xf32>,
      %swap3A_103 = vector.shape_cast %swap3A_102 : vector<1x16xf32> to vector<16xf32>
      %swap3A_104 = vector.shape_cast %broadcast_in_dim3A_98 : vector<16xf32> to vector<1x16xf32>
      tpu.vector_store %arg5[%swap3A, %swap3A_101], %swap3A_104 {strides = array<i32>} : memref<64x128xf32, #tpu.memory_space<vmem>>, vector<1x16xf32>,
      %scan3A_105 = arith.constant 0 : i32
      scf.yield %scan3A_105 : i32
    }
    %scan3A_6 = arith.constant 512 : i32
    %mul3A_7 = arith.constant 640 : i32
    %mul3A_8 = arith.muli %arg1, %mul3A_7 : i32
    %add3A_9 = arith.constant 0 : i32
    %add3A_10 = arith.addi %mul3A_8, %add3A_9 : i32
    "tpu.region"() ({
      %run_scoped3A = tpu.sem_alloc : memref<!tpu.dma_semaphore, #tpu.memory_space<semaphore_mem>>
      %dma_start3A = arith.constant 0 : i32
      %dma_start3A_66 = tpu.memref_slice %arg6[%add3A_10, %dma_start3A] : memref<10240x128xf32, #tpu.memory_space<vmem_shared>> -> memref<64x128xf32, #tpu.memory_space<vmem_shared>>
      %dma_start3A_67 = arith.constant 0 : i32
      %dma_start3A_68 = tpu.memref_slice %arg6[%add3A_10, %dma_start3A_67] : memref<10240x128xf32, #tpu.memory_space<vmem_shared>> -> memref<64x128xf32, #tpu.memory_space<vmem_shared>>
      tpu.enqueue_dma source(%arg5 : memref<64x128xf32, #tpu.memory_space<vmem>>) target(%dma_start3A_68 : memref<64x128xf32, #tpu.memory_space<vmem_shared>>) target_semaphore(%run_scoped3A : memref<!tpu.dma_semaphore, #tpu.memory_space<semaphore_mem>>)
      %dma_wait3A = arith.constant 0 : i32
      %dma_wait3A_69 = tpu.memref_slice %arg6[%add3A_10, %dma_wait3A] : memref<10240x128xf32, #tpu.memory_space<vmem_shared>> -> memref<64x128xf32, #tpu.memory_space<vmem_shared>>
      %dma_wait3A_70 = arith.constant 0 : i32
      %dma_wait3A_71 = tpu.memref_slice %arg6[%add3A_10, %dma_wait3A_70] : memref<10240x128xf32, #tpu.memory_space<vmem_shared>> -> memref<64x128xf32, #tpu.memory_space<vmem_shared>>
      tpu.wait_dma2 semaphore(%run_scoped3A : memref<!tpu.dma_semaphore, #tpu.memory_space<semaphore_mem>>) src(%arg5 : memref<64x128xf32, #tpu.memory_space<vmem>>) dst(%dma_wait3A_71 : memref<64x128xf32, #tpu.memory_space<vmem_shared>>)
      tpu.yield
    }) : () -> ()
    %mul3A_11 = arith.constant 640 : i32
    %mul3A_12 = arith.muli %arg1, %mul3A_11 : i32
    %add3A_13 = arith.constant 64 : i32
    %add3A_14 = arith.addi %mul3A_12, %add3A_13 : i32
    "tpu.region"() ({
      %run_scoped3A = tpu.sem_alloc : memref<!tpu.dma_semaphore, #tpu.memory_space<semaphore_mem>>
      %dma_start3A = arith.constant 0 : i32
      %dma_start3A_66 = tpu.memref_slice %arg6[%add3A_14, %dma_start3A] : memref<10240x128xf32, #tpu.memory_space<vmem_shared>> -> memref<64x128xf32, #tpu.memory_space<vmem_shared>>
      %dma_start3A_67 = arith.constant 0 : i32
      %dma_start3A_68 = tpu.memref_slice %arg6[%add3A_14, %dma_start3A_67] : memref<10240x128xf32, #tpu.memory_space<vmem_shared>> -> memref<64x128xf32, #tpu.memory_space<vmem_shared>>
      tpu.enqueue_dma source(%arg5 : memref<64x128xf32, #tpu.memory_space<vmem>>) target(%dma_start3A_68 : memref<64x128xf32, #tpu.memory_space<vmem_shared>>) target_semaphore(%run_scoped3A : memref<!tpu.dma_semaphore, #tpu.memory_space<semaphore_mem>>)
      %dma_wait3A = arith.constant 0 : i32
      %dma_wait3A_69 = tpu.memref_slice %arg6[%add3A_14, %dma_wait3A] : memref<10240x128xf32, #tpu.memory_space<vmem_shared>> -> memref<64x128xf32, #tpu.memory_space<vmem_shared>>
      %dma_wait3A_70 = arith.constant 0 : i32
      %dma_wait3A_71 = tpu.memref_slice %arg6[%add3A_14, %dma_wait3A_70] : memref<10240x128xf32, #tpu.memory_space<vmem_shared>> -> memref<64x128xf32, #tpu.memory_space<vmem_shared>>
      tpu.wait_dma2 semaphore(%run_scoped3A : memref<!tpu.dma_semaphore, #tpu.memory_space<semaphore_mem>>) src(%arg5 : memref<64x128xf32, #tpu.memory_space<vmem>>) dst(%dma_wait3A_71 : memref<64x128xf32, #tpu.memory_space<vmem_shared>>)
      tpu.yield
    }) : () -> ()
    %mul3A_15 = arith.constant 640 : i32
    %mul3A_16 = arith.muli %arg1, %mul3A_15 : i32
    %add3A_17 = arith.constant 128 : i32
    %add3A_18 = arith.addi %mul3A_16, %add3A_17 : i32
    "tpu.region"() ({
      %run_scoped3A = tpu.sem_alloc : memref<!tpu.dma_semaphore, #tpu.memory_space<semaphore_mem>>
      %dma_start3A = arith.constant 0 : i32
      %dma_start3A_66 = tpu.memref_slice %arg6[%add3A_18, %dma_start3A] : memref<10240x128xf32, #tpu.memory_space<vmem_shared>> -> memref<64x128xf32, #tpu.memory_space<vmem_shared>>
      %dma_start3A_67 = arith.constant 0 : i32
      %dma_start3A_68 = tpu.memref_slice %arg6[%add3A_18, %dma_start3A_67] : memref<10240x128xf32, #tpu.memory_space<vmem_shared>> -> memref<64x128xf32, #tpu.memory_space<vmem_shared>>
      tpu.enqueue_dma source(%arg5 : memref<64x128xf32, #tpu.memory_space<vmem>>) target(%dma_start3A_68 : memref<64x128xf32, #tpu.memory_space<vmem_shared>>) target_semaphore(%run_scoped3A : memref<!tpu.dma_semaphore, #tpu.memory_space<semaphore_mem>>)
      %dma_wait3A = arith.constant 0 : i32
      %dma_wait3A_69 = tpu.memref_slice %arg6[%add3A_18, %dma_wait3A] : memref<10240x128xf32, #tpu.memory_space<vmem_shared>> -> memref<64x128xf32, #tpu.memory_space<vmem_shared>>
      %dma_wait3A_70 = arith.constant 0 : i32
      %dma_wait3A_71 = tpu.memref_slice %arg6[%add3A_18, %dma_wait3A_70] : memref<10240x128xf32, #tpu.memory_space<vmem_shared>> -> memref<64x128xf32, #tpu.memory_space<vmem_shared>>
      tpu.wait_dma2 semaphore(%run_scoped3A : memref<!tpu.dma_semaphore, #tpu.memory_space<semaphore_mem>>) src(%arg5 : memref<64x128xf32, #tpu.memory_space<vmem>>) dst(%dma_wait3A_71 : memref<64x128xf32, #tpu.memory_space<vmem_shared>>)
      tpu.yield
    }) : () -> ()
    %mul3A_19 = arith.constant 640 : i32
    %mul3A_20 = arith.muli %arg1, %mul3A_19 : i32
    %add3A_21 = arith.constant 192 : i32
    %add3A_22 = arith.addi %mul3A_20, %add3A_21 : i32
    "tpu.region"() ({
      %run_scoped3A = tpu.sem_alloc : memref<!tpu.dma_semaphore, #tpu.memory_space<semaphore_mem>>
      %dma_start3A = arith.constant 0 : i32
      %dma_start3A_66 = tpu.memref_slice %arg6[%add3A_22, %dma_start3A] : memref<10240x128xf32, #tpu.memory_space<vmem_shared>> -> memref<64x128xf32, #tpu.memory_space<vmem_shared>>
      %dma_start3A_67 = arith.constant 0 : i32
      %dma_start3A_68 = tpu.memref_slice %arg6[%add3A_22, %dma_start3A_67] : memref<10240x128xf32, #tpu.memory_space<vmem_shared>> -> memref<64x128xf32, #tpu.memory_space<vmem_shared>>
      tpu.enqueue_dma source(%arg5 : memref<64x128xf32, #tpu.memory_space<vmem>>) target(%dma_start3A_68 : memref<64x128xf32, #tpu.memory_space<vmem_shared>>) target_semaphore(%run_scoped3A : memref<!tpu.dma_semaphore, #tpu.memory_space<semaphore_mem>>)
      %dma_wait3A = arith.constant 0 : i32
      %dma_wait3A_69 = tpu.memref_slice %arg6[%add3A_22, %dma_wait3A] : memref<10240x128xf32, #tpu.memory_space<vmem_shared>> -> memref<64x128xf32, #tpu.memory_space<vmem_shared>>
      %dma_wait3A_70 = arith.constant 0 : i32
      %dma_wait3A_71 = tpu.memref_slice %arg6[%add3A_22, %dma_wait3A_70] : memref<10240x128xf32, #tpu.memory_space<vmem_shared>> -> memref<64x128xf32, #tpu.memory_space<vmem_shared>>
      tpu.wait_dma2 semaphore(%run_scoped3A : memref<!tpu.dma_semaphore, #tpu.memory_space<semaphore_mem>>) src(%arg5 : memref<64x128xf32, #tpu.memory_space<vmem>>) dst(%dma_wait3A_71 : memref<64x128xf32, #tpu.memory_space<vmem_shared>>)
      tpu.yield
    }) : () -> ()
    %mul3A_23 = arith.constant 640 : i32
    %mul3A_24 = arith.muli %arg1, %mul3A_23 : i32
    %add3A_25 = arith.constant 256 : i32
    %add3A_26 = arith.addi %mul3A_24, %add3A_25 : i32
    "tpu.region"() ({
      %run_scoped3A = tpu.sem_alloc : memref<!tpu.dma_semaphore, #tpu.memory_space<semaphore_mem>>
      %dma_start3A = arith.constant 0 : i32
      %dma_start3A_66 = tpu.memref_slice %arg6[%add3A_26, %dma_start3A] : memref<10240x128xf32, #tpu.memory_space<vmem_shared>> -> memref<64x128xf32, #tpu.memory_space<vmem_shared>>
      %dma_start3A_67 = arith.constant 0 : i32
      %dma_start3A_68 = tpu.memref_slice %arg6[%add3A_26, %dma_start3A_67] : memref<10240x128xf32, #tpu.memory_space<vmem_shared>> -> memref<64x128xf32, #tpu.memory_space<vmem_shared>>
      tpu.enqueue_dma source(%arg5 : memref<64x128xf32, #tpu.memory_space<vmem>>) target(%dma_start3A_68 : memref<64x128xf32, #tpu.memory_space<vmem_shared>>) target_semaphore(%run_scoped3A : memref<!tpu.dma_semaphore, #tpu.memory_space<semaphore_mem>>)
      %dma_wait3A = arith.constant 0 : i32
      %dma_wait3A_69 = tpu.memref_slice %arg6[%add3A_26, %dma_wait3A] : memref<10240x128xf32, #tpu.memory_space<vmem_shared>> -> memref<64x128xf32, #tpu.memory_space<vmem_shared>>
      %dma_wait3A_70 = arith.constant 0 : i32
      %dma_wait3A_71 = tpu.memref_slice %arg6[%add3A_26, %dma_wait3A_70] : memref<10240x128xf32, #tpu.memory_space<vmem_shared>> -> memref<64x128xf32, #tpu.memory_space<vmem_shared>>
      tpu.wait_dma2 semaphore(%run_scoped3A : memref<!tpu.dma_semaphore, #tpu.memory_space<semaphore_mem>>) src(%arg5 : memref<64x128xf32, #tpu.memory_space<vmem>>) dst(%dma_wait3A_71 : memref<64x128xf32, #tpu.memory_space<vmem_shared>>)
      tpu.yield
    }) : () -> ()
    %mul3A_27 = arith.constant 640 : i32
    %mul3A_28 = arith.muli %arg1, %mul3A_27 : i32
    %add3A_29 = arith.constant 320 : i32
    %add3A_30 = arith.addi %mul3A_28, %add3A_29 : i32
    "tpu.region"() ({
      %run_scoped3A = tpu.sem_alloc : memref<!tpu.dma_semaphore, #tpu.memory_space<semaphore_mem>>
      %dma_start3A = arith.constant 0 : i32
      %dma_start3A_66 = tpu.memref_slice %arg6[%add3A_30, %dma_start3A] : memref<10240x128xf32, #tpu.memory_space<vmem_shared>> -> memref<64x128xf32, #tpu.memory_space<vmem_shared>>
      %dma_start3A_67 = arith.constant 0 : i32
      %dma_start3A_68 = tpu.memref_slice %arg6[%add3A_30, %dma_start3A_67] : memref<10240x128xf32, #tpu.memory_space<vmem_shared>> -> memref<64x128xf32, #tpu.memory_space<vmem_shared>>
      tpu.enqueue_dma source(%arg5 : memref<64x128xf32, #tpu.memory_space<vmem>>) target(%dma_start3A_68 : memref<64x128xf32, #tpu.memory_space<vmem_shared>>) target_semaphore(%run_scoped3A : memref<!tpu.dma_semaphore, #tpu.memory_space<semaphore_mem>>)
      %dma_wait3A = arith.constant 0 : i32
      %dma_wait3A_69 = tpu.memref_slice %arg6[%add3A_30, %dma_wait3A] : memref<10240x128xf32, #tpu.memory_space<vmem_shared>> -> memref<64x128xf32, #tpu.memory_space<vmem_shared>>
      %dma_wait3A_70 = arith.constant 0 : i32
      %dma_wait3A_71 = tpu.memref_slice %arg6[%add3A_30, %dma_wait3A_70] : memref<10240x128xf32, #tpu.memory_space<vmem_shared>> -> memref<64x128xf32, #tpu.memory_space<vmem_shared>>
      tpu.wait_dma2 semaphore(%run_scoped3A : memref<!tpu.dma_semaphore, #tpu.memory_space<semaphore_mem>>) src(%arg5 : memref<64x128xf32, #tpu.memory_space<vmem>>) dst(%dma_wait3A_71 : memref<64x128xf32, #tpu.memory_space<vmem_shared>>)
      tpu.yield
    }) : () -> ()
    %mul3A_31 = arith.constant 640 : i32
    %mul3A_32 = arith.muli %arg1, %mul3A_31 : i32
    %add3A_33 = arith.constant 384 : i32
    %add3A_34 = arith.addi %mul3A_32, %add3A_33 : i32
    "tpu.region"() ({
      %run_scoped3A = tpu.sem_alloc : memref<!tpu.dma_semaphore, #tpu.memory_space<semaphore_mem>>
      %dma_start3A = arith.constant 0 : i32
      %dma_start3A_66 = tpu.memref_slice %arg6[%add3A_34, %dma_start3A] : memref<10240x128xf32, #tpu.memory_space<vmem_shared>> -> memref<64x128xf32, #tpu.memory_space<vmem_shared>>
      %dma_start3A_67 = arith.constant 0 : i32
      %dma_start3A_68 = tpu.memref_slice %arg6[%add3A_34, %dma_start3A_67] : memref<10240x128xf32, #tpu.memory_space<vmem_shared>> -> memref<64x128xf32, #tpu.memory_space<vmem_shared>>
      tpu.enqueue_dma source(%arg5 : memref<64x128xf32, #tpu.memory_space<vmem>>) target(%dma_start3A_68 : memref<64x128xf32, #tpu.memory_space<vmem_shared>>) target_semaphore(%run_scoped3A : memref<!tpu.dma_semaphore, #tpu.memory_space<semaphore_mem>>)
      %dma_wait3A = arith.constant 0 : i32
      %dma_wait3A_69 = tpu.memref_slice %arg6[%add3A_34, %dma_wait3A] : memref<10240x128xf32, #tpu.memory_space<vmem_shared>> -> memref<64x128xf32, #tpu.memory_space<vmem_shared>>
      %dma_wait3A_70 = arith.constant 0 : i32
      %dma_wait3A_71 = tpu.memref_slice %arg6[%add3A_34, %dma_wait3A_70] : memref<10240x128xf32, #tpu.memory_space<vmem_shared>> -> memref<64x128xf32, #tpu.memory_space<vmem_shared>>
      tpu.wait_dma2 semaphore(%run_scoped3A : memref<!tpu.dma_semaphore, #tpu.memory_space<semaphore_mem>>) src(%arg5 : memref<64x128xf32, #tpu.memory_space<vmem>>) dst(%dma_wait3A_71 : memref<64x128xf32, #tpu.memory_space<vmem_shared>>)
      tpu.yield
    }) : () -> ()
    %mul3A_35 = arith.constant 640 : i32
    %mul3A_36 = arith.muli %arg1, %mul3A_35 : i32
    %add3A_37 = arith.constant 448 : i32
    %add3A_38 = arith.addi %mul3A_36, %add3A_37 : i32
    "tpu.region"() ({
      %run_scoped3A = tpu.sem_alloc : memref<!tpu.dma_semaphore, #tpu.memory_space<semaphore_mem>>
      %dma_start3A = arith.constant 0 : i32
      %dma_start3A_66 = tpu.memref_slice %arg6[%add3A_38, %dma_start3A] : memref<10240x128xf32, #tpu.memory_space<vmem_shared>> -> memref<64x128xf32, #tpu.memory_space<vmem_shared>>
      %dma_start3A_67 = arith.constant 0 : i32
      %dma_start3A_68 = tpu.memref_slice %arg6[%add3A_38, %dma_start3A_67] : memref<10240x128xf32, #tpu.memory_space<vmem_shared>> -> memref<64x128xf32, #tpu.memory_space<vmem_shared>>
      tpu.enqueue_dma source(%arg5 : memref<64x128xf32, #tpu.memory_space<vmem>>) target(%dma_start3A_68 : memref<64x128xf32, #tpu.memory_space<vmem_shared>>) target_semaphore(%run_scoped3A : memref<!tpu.dma_semaphore, #tpu.memory_space<semaphore_mem>>)
      %dma_wait3A = arith.constant 0 : i32
      %dma_wait3A_69 = tpu.memref_slice %arg6[%add3A_38, %dma_wait3A] : memref<10240x128xf32, #tpu.memory_space<vmem_shared>> -> memref<64x128xf32, #tpu.memory_space<vmem_shared>>
      %dma_wait3A_70 = arith.constant 0 : i32
      %dma_wait3A_71 = tpu.memref_slice %arg6[%add3A_38, %dma_wait3A_70] : memref<10240x128xf32, #tpu.memory_space<vmem_shared>> -> memref<64x128xf32, #tpu.memory_space<vmem_shared>>
      tpu.wait_dma2 semaphore(%run_scoped3A : memref<!tpu.dma_semaphore, #tpu.memory_space<semaphore_mem>>) src(%arg5 : memref<64x128xf32, #tpu.memory_space<vmem>>) dst(%dma_wait3A_71 : memref<64x128xf32, #tpu.memory_space<vmem_shared>>)
      tpu.yield
    }) : () -> ()
    %mul3A_39 = arith.constant 640 : i32
    %mul3A_40 = arith.muli %arg1, %mul3A_39 : i32
    %add3A_41 = arith.constant 512 : i32
    %add3A_42 = arith.addi %mul3A_40, %add3A_41 : i32
    "tpu.region"() ({
      %run_scoped3A = tpu.sem_alloc : memref<!tpu.dma_semaphore, #tpu.memory_space<semaphore_mem>>
      %dma_start3A = arith.constant 0 : i32
      %dma_start3A_66 = tpu.memref_slice %arg6[%add3A_42, %dma_start3A] : memref<10240x128xf32, #tpu.memory_space<vmem_shared>> -> memref<64x128xf32, #tpu.memory_space<vmem_shared>>
      %dma_start3A_67 = arith.constant 0 : i32
      %dma_start3A_68 = tpu.memref_slice %arg6[%add3A_42, %dma_start3A_67] : memref<10240x128xf32, #tpu.memory_space<vmem_shared>> -> memref<64x128xf32, #tpu.memory_space<vmem_shared>>
      tpu.enqueue_dma source(%arg5 : memref<64x128xf32, #tpu.memory_space<vmem>>) target(%dma_start3A_68 : memref<64x128xf32, #tpu.memory_space<vmem_shared>>) target_semaphore(%run_scoped3A : memref<!tpu.dma_semaphore, #tpu.memory_space<semaphore_mem>>)
      %dma_wait3A = arith.constant 0 : i32
      %dma_wait3A_69 = tpu.memref_slice %arg6[%add3A_42, %dma_wait3A] : memref<10240x128xf32, #tpu.memory_space<vmem_shared>> -> memref<64x128xf32, #tpu.memory_space<vmem_shared>>
      %dma_wait3A_70 = arith.constant 0 : i32
      %dma_wait3A_71 = tpu.memref_slice %arg6[%add3A_42, %dma_wait3A_70] : memref<10240x128xf32, #tpu.memory_space<vmem_shared>> -> memref<64x128xf32, #tpu.memory_space<vmem_shared>>
      tpu.wait_dma2 semaphore(%run_scoped3A : memref<!tpu.dma_semaphore, #tpu.memory_space<semaphore_mem>>) src(%arg5 : memref<64x128xf32, #tpu.memory_space<vmem>>) dst(%dma_wait3A_71 : memref<64x128xf32, #tpu.memory_space<vmem_shared>>)
      tpu.yield
    }) : () -> ()
    %mul3A_43 = arith.constant 640 : i32
    %mul3A_44 = arith.muli %arg1, %mul3A_43 : i32
    %add3A_45 = arith.constant 576 : i32
    %add3A_46 = arith.addi %mul3A_44, %add3A_45 : i32
    "tpu.region"() ({
      %run_scoped3A = tpu.sem_alloc : memref<!tpu.dma_semaphore, #tpu.memory_space<semaphore_mem>>
      %dma_start3A = arith.constant 0 : i32
      %dma_start3A_66 = tpu.memref_slice %arg6[%add3A_46, %dma_start3A] : memref<10240x128xf32, #tpu.memory_space<vmem_shared>> -> memref<64x128xf32, #tpu.memory_space<vmem_shared>>
      %dma_start3A_67 = arith.constant 0 : i32
      %dma_start3A_68 = tpu.memref_slice %arg6[%add3A_46, %dma_start3A_67] : memref<10240x128xf32, #tpu.memory_space<vmem_shared>> -> memref<64x128xf32, #tpu.memory_space<vmem_shared>>
      tpu.enqueue_dma source(%arg5 : memref<64x128xf32, #tpu.memory_space<vmem>>) target(%dma_start3A_68 : memref<64x128xf32, #tpu.memory_space<vmem_shared>>) target_semaphore(%run_scoped3A : memref<!tpu.dma_semaphore, #tpu.memory_space<semaphore_mem>>)
      %dma_wait3A = arith.constant 0 : i32
      %dma_wait3A_69 = tpu.memref_slice %arg6[%add3A_46, %dma_wait3A] : memref<10240x128xf32, #tpu.memory_space<vmem_shared>> -> memref<64x128xf32, #tpu.memory_space<vmem_shared>>
      %dma_wait3A_70 = arith.constant 0 : i32
      %dma_wait3A_71 = tpu.memref_slice %arg6[%add3A_46, %dma_wait3A_70] : memref<10240x128xf32, #tpu.memory_space<vmem_shared>> -> memref<64x128xf32, #tpu.memory_space<vmem_shared>>
      tpu.wait_dma2 semaphore(%run_scoped3A : memref<!tpu.dma_semaphore, #tpu.memory_space<semaphore_mem>>) src(%arg5 : memref<64x128xf32, #tpu.memory_space<vmem>>) dst(%dma_wait3A_71 : memref<64x128xf32, #tpu.memory_space<vmem_shared>>)
      tpu.yield
    }) : () -> ()
    %scan3A_47 = arith.constant 0 : i32
    %scan3A_48 = arith.constant 0 : i32
    %scan3A_49 = arith.constant 512 : i32
    %scan3A_50 = arith.addi %scan3A_48, %scan3A_49 : i32
    %scan3A_51 = arith.constant 1 : i32
    %scan3A_52 = scf.for %scan3A_66 = %scan3A_48 to %scan3A_50 step %scan3A_51 iter_args(%scan3A_67 = %scan3A_47) -> (i32)  : i32 {
      %jit3A = arith.constant 8 : i32
      %div3A = arith.divsi %scan3A_66, %jit3A : i32
      %sign3A = arith.constant 0 : i32
      %sign3A_68 = arith.cmpi sgt, %scan3A_66, %sign3A : i32
      %sign3A_69 = arith.extui %sign3A_68 : i1 to i32
      %sign3A_70 = arith.constant 0 : i32
      %sign3A_71 = arith.cmpi slt, %scan3A_66, %sign3A_70 : i32
      %sign3A_72 = arith.extui %sign3A_71 : i1 to i32
      %sign3A_73 = arith.subi %sign3A_69, %sign3A_72 : i32
      %sign3A_74 = arith.constant 0 : i32
      %sign3A_75 = arith.cmpi sgt, %jit3A, %sign3A_74 : i32
      %sign3A_76 = arith.extui %sign3A_75 : i1 to i32
      %sign3A_77 = arith.constant 0 : i32
      %sign3A_78 = arith.cmpi slt, %jit3A, %sign3A_77 : i32
      %sign3A_79 = arith.extui %sign3A_78 : i1 to i32
      %sign3A_80 = arith.subi %sign3A_76, %sign3A_79 : i32
      %ne3A = arith.cmpi ne, %sign3A_73, %sign3A_80 : i32
      %rem3A = arith.remsi %scan3A_66, %jit3A : i32
      %ne3A_81 = arith.constant 0 : i32
      %ne3A_82 = arith.cmpi ne, %rem3A, %ne3A_81 : i32
      %and3A = arith.andi %ne3A, %ne3A_82 : i1
      %sub3A = arith.constant 1 : i32
      %sub3A_83 = arith.subi %div3A, %sub3A : i32
      %select_n3A = arith.select %and3A, %sub3A_83, %div3A : i32
      %jit3A_84 = arith.constant 8 : i32
      %eq3A = arith.constant 0 : i32
      %eq3A_85 = arith.cmpi eq, %jit3A_84, %eq3A : i32
      %jit3A_86 = arith.constant 1 : i32
      %select_n3A_87 = arith.select %eq3A_85, %jit3A_86, %jit3A_84 : i32
      %rem3A_88 = arith.remsi %scan3A_66, %select_n3A_87 : i32
      %ne3A_89 = arith.constant 0 : i32
      %ne3A_90 = arith.cmpi ne, %rem3A_88, %ne3A_89 : i32
      %lt3A = arith.constant 0 : i32
      %lt3A_91 = arith.cmpi slt, %rem3A_88, %lt3A : i32
      %lt3A_92 = arith.constant 0 : i32
      %lt3A_93 = arith.cmpi slt, %select_n3A_87, %lt3A_92 : i32
      %ne3A_94 = arith.xori %lt3A_91, %lt3A_93 : i1
      %and3A_95 = arith.andi %ne3A_94, %ne3A_90 : i1
      %add3A_96 = arith.addi %rem3A_88, %select_n3A_87 : i32
      %select_n3A_97 = arith.select %and3A_95, %add3A_96, %rem3A_88 : i32
      %broadcast_in_dim3A = arith.constant 1.000000e+00 : f32
      %broadcast_in_dim3A_98 = vector.broadcast %broadcast_in_dim3A : f32 to vector<16xf32>
      %mul3A_99 = arith.constant 16 : i32
      %mul3A_100 = arith.muli %select_n3A_97, %mul3A_99 : i32
      %swap3A = arith.index_cast %select_n3A : i32 to index
      %swap3A_101 = arith.index_cast %mul3A_100 : i32 to index
      %swap3A_102 = tpu.vector_load %arg5[%swap3A, %swap3A_101] {strides = array<i32>} : memref<64x128xf32, #tpu.memory_space<vmem>>, vector<1x16xf32>,
      %swap3A_103 = vector.shape_cast %swap3A_102 : vector<1x16xf32> to vector<16xf32>
      %swap3A_104 = vector.shape_cast %broadcast_in_dim3A_98 : vector<16xf32> to vector<1x16xf32>
      tpu.vector_store %arg5[%swap3A, %swap3A_101], %swap3A_104 {strides = array<i32>} : memref<64x128xf32, #tpu.memory_space<vmem>>, vector<1x16xf32>,
      %scan3A_105 = arith.constant 0 : i32
      scf.yield %scan3A_105 : i32
    }
    %scan3A_53 = arith.constant 512 : i32
    %barrier3A = arith.constant 0 : index
    tpu.barrier barrier_id(%barrier3A)
    "tpu.region"() ({
      %run_scoped3A = tpu.sem_alloc : memref<!tpu.dma_semaphore, #tpu.memory_space<semaphore_mem>>
      %dma_start3A = arith.constant 0 : i32
      %dma_start3A_66 = arith.constant 0 : i32
      %dma_start3A_67 = tpu.memref_slice %arg2[%add3A, %dma_start3A, %dma_start3A_66] : memref<32x160x64xi32, #tpu.memory_space<hbm>> -> memref<1x160x64xi32, #tpu.memory_space<hbm>>
      %dma_start3A_68 = tpu.memref_squeeze %dma_start3A_67 : memref<1x160x64xi32, #tpu.memory_space<hbm>> -> memref<160x64xi32, #tpu.memory_space<hbm>>
      %dma_start3A_69 = arith.constant 0 : i32
      %dma_start3A_70 = arith.constant 0 : i32
      %dma_start3A_71 = tpu.memref_slice %arg2[%add3A, %dma_start3A_69, %dma_start3A_70] : memref<32x160x64xi32, #tpu.memory_space<hbm>> -> memref<1x160x64xi32, #tpu.memory_space<hbm>>
      %dma_start3A_72 = tpu.memref_squeeze %dma_start3A_71 : memref<1x160x64xi32, #tpu.memory_space<hbm>> -> memref<160x64xi32, #tpu.memory_space<hbm>>
      tpu.enqueue_dma source(%dma_start3A_72 : memref<160x64xi32, #tpu.memory_space<hbm>>) target(%arg4 : memref<160x64xi32, #tpu.memory_space<vmem>>) target_semaphore(%run_scoped3A : memref<!tpu.dma_semaphore, #tpu.memory_space<semaphore_mem>>)
      %dma_wait3A = arith.constant 0 : i32
      %dma_wait3A_73 = arith.constant 0 : i32
      %dma_wait3A_74 = tpu.memref_slice %arg2[%add3A, %dma_wait3A, %dma_wait3A_73] : memref<32x160x64xi32, #tpu.memory_space<hbm>> -> memref<1x160x64xi32, #tpu.memory_space<hbm>>
      %dma_wait3A_75 = tpu.memref_squeeze %dma_wait3A_74 : memref<1x160x64xi32, #tpu.memory_space<hbm>> -> memref<160x64xi32, #tpu.memory_space<hbm>>
      %dma_wait3A_76 = arith.constant 0 : i32
      %dma_wait3A_77 = arith.constant 0 : i32
      %dma_wait3A_78 = tpu.memref_slice %arg2[%add3A, %dma_wait3A_76, %dma_wait3A_77] : memref<32x160x64xi32, #tpu.memory_space<hbm>> -> memref<1x160x64xi32, #tpu.memory_space<hbm>>
      %dma_wait3A_79 = tpu.memref_squeeze %dma_wait3A_78 : memref<1x160x64xi32, #tpu.memory_space<hbm>> -> memref<160x64xi32, #tpu.memory_space<hbm>>
      tpu.wait_dma2 semaphore(%run_scoped3A : memref<!tpu.dma_semaphore, #tpu.memory_space<semaphore_mem>>) src(%dma_wait3A_79 : memref<160x64xi32, #tpu.memory_space<hbm>>) dst(%arg4 : memref<160x64xi32, #tpu.memory_space<vmem>>)
      tpu.yield
    }) : () -> ()
    %scan3A_54 = arith.constant 0 : i32
    %scan3A_55 = arith.constant 0 : i32
    %scan3A_56 = arith.constant 160 : i32
    %scan3A_57 = arith.addi %scan3A_55, %scan3A_56 : i32
    %scan3A_58 = arith.constant 1 : i32
    %scan3A_59 = scf.for %scan3A_66 = %scan3A_55 to %scan3A_57 step %scan3A_58 iter_args(%scan3A_67 = %scan3A_54) -> (i32)  : i32 {
      "tpu.region"() ({
        %run_scoped3A = tpu.sem_alloc : memref<!tpu.dma_semaphore, #tpu.memory_space<semaphore_mem>>
        %dma_start3A = arith.constant 0 : i32
        %dma_start3A_69 = tpu.memref_slice %arg4[%scan3A_66, %dma_start3A] : memref<160x64xi32, #tpu.memory_space<vmem>> -> memref<1x64xi32, #tpu.memory_space<vmem>>
        %dma_start3A_70 = tpu.memref_squeeze %dma_start3A_69 : memref<1x64xi32, #tpu.memory_space<vmem>> -> memref<64xi32, #tpu.memory_space<vmem>>
        %dma_start3A_71 = arith.constant 0 : i32
        %dma_start3A_72 = arith.constant 0 : i32
        %dma_start3A_73 = tpu.memref_slice %arg6[%dma_start3A_71, %dma_start3A_72] : memref<10240x128xf32, #tpu.memory_space<vmem_shared>> -> memref<10240x128xf32, #tpu.memory_space<vmem_shared>>
        tpu.enqueue_indirect_dma source(%arg5 : memref<64x128xf32, #tpu.memory_space<vmem>>) target(%dma_start3A_73 : memref<10240x128xf32, #tpu.memory_space<vmem_shared>>) offsets(%dma_start3A_70 : memref<64xi32, #tpu.memory_space<vmem>>) semaphore(%run_scoped3A : memref<!tpu.dma_semaphore, #tpu.memory_space<semaphore_mem>>) {add = true}
        %dma_wait3A = arith.constant 0 : i32
        %dma_wait3A_74 = tpu.memref_slice %arg4[%scan3A_66, %dma_wait3A] : memref<160x64xi32, #tpu.memory_space<vmem>> -> memref<1x64xi32, #tpu.memory_space<vmem>>
        %dma_wait3A_75 = tpu.memref_squeeze %dma_wait3A_74 : memref<1x64xi32, #tpu.memory_space<vmem>> -> memref<64xi32, #tpu.memory_space<vmem>>
        %dma_wait3A_76 = arith.constant 0 : i32
        %dma_wait3A_77 = arith.constant 0 : i32
        %dma_wait3A_78 = tpu.memref_slice %arg6[%dma_wait3A_76, %dma_wait3A_77] : memref<10240x128xf32, #tpu.memory_space<vmem_shared>> -> memref<10240x128xf32, #tpu.memory_space<vmem_shared>>
        tpu.wait_indirect_dma semaphore(%run_scoped3A : memref<!tpu.dma_semaphore, #tpu.memory_space<semaphore_mem>>) src(%arg5 : memref<64x128xf32, #tpu.memory_space<vmem>>) dst(%dma_wait3A_78 : memref<10240x128xf32, #tpu.memory_space<vmem_shared>>)
        tpu.yield
      }) : () -> ()
      %scan3A_68 = arith.constant 0 : i32
      scf.yield %scan3A_68 : i32
    }
    %scan3A_60 = arith.constant 160 : i32
    %barrier3A_61 = arith.constant 0 : index
    tpu.barrier barrier_id(%barrier3A_61)
    %mul3A_62 = arith.constant 640 : i32
    %mul3A_63 = arith.muli %arg1, %mul3A_62 : i32
    %mul3A_64 = arith.constant 640 : i32
    %mul3A_65 = arith.muli %arg1, %mul3A_64 : i32
    "tpu.region"() ({
      %run_scoped3A = tpu.sem_alloc : memref<!tpu.dma_semaphore, #tpu.memory_space<semaphore_mem>>
      %dma_start3A = arith.constant 0 : i32
      %dma_start3A_66 = tpu.memref_slice %arg3[%arg0, %mul3A_65, %dma_start3A] : memref<2x10240x128xf32, #tpu.memory_space<hbm>> -> memref<1x640x128xf32, #tpu.memory_space<hbm>>
      %dma_start3A_67 = tpu.memref_squeeze %dma_start3A_66 : memref<1x640x128xf32, #tpu.memory_space<hbm>> -> memref<640x128xf32, #tpu.memory_space<hbm>>
      %dma_start3A_68 = arith.constant 0 : i32
      %dma_start3A_69 = tpu.memref_slice %arg6[%mul3A_63, %dma_start3A_68] : memref<10240x128xf32, #tpu.memory_space<vmem_shared>> -> memref<640x128xf32, #tpu.memory_space<vmem_shared>>
      tpu.enqueue_dma source(%dma_start3A_69 : memref<640x128xf32, #tpu.memory_space<vmem_shared>>) target(%dma_start3A_67 : memref<640x128xf32, #tpu.memory_space<hbm>>) target_semaphore(%run_scoped3A : memref<!tpu.dma_semaphore, #tpu.memory_space<semaphore_mem>>)
      %dma_wait3A = arith.constant 0 : i32
      %dma_wait3A_70 = tpu.memref_slice %arg3[%arg0, %mul3A_65, %dma_wait3A] : memref<2x10240x128xf32, #tpu.memory_space<hbm>> -> memref<1x640x128xf32, #tpu.memory_space<hbm>>
      %dma_wait3A_71 = tpu.memref_squeeze %dma_wait3A_70 : memref<1x640x128xf32, #tpu.memory_space<hbm>> -> memref<640x128xf32, #tpu.memory_space<hbm>>
      %dma_wait3A_72 = arith.constant 0 : i32
      %dma_wait3A_73 = tpu.memref_slice %arg6[%mul3A_63, %dma_wait3A_72] : memref<10240x128xf32, #tpu.memory_space<vmem_shared>> -> memref<640x128xf32, #tpu.memory_space<vmem_shared>>
      tpu.wait_dma2 semaphore(%run_scoped3A : memref<!tpu.dma_semaphore, #tpu.memory_space<semaphore_mem>>) src(%dma_wait3A_73 : memref<640x128xf32, #tpu.memory_space<vmem_shared>>) dst(%dma_wait3A_71 : memref<640x128xf32, #tpu.memory_space<hbm>>)
      tpu.yield
    }) : () -> ()
    return
  }
}

#map = affine_map<(d0, d1) -> (0, 0)>
#map1 = affine_map<(d0, d1) -> (0, 0, 0)>
module attributes {stable_mosaic.version = 14 : i64} {
  func.func @_sc_hop_body(%arg0: i32, %arg1: i32, %arg2: memref<10240x128xf32, #tpu.memory_space<hbm>>, %arg3: memref<32x160x64xi32, #tpu.memory_space<hbm>>, %arg4: memref<32x160x64xi32, #tpu.memory_space<hbm>>, %arg5: memref<2x10240x128xf32, #tpu.memory_space<hbm>>, %arg6: memref<80x64xi32, #tpu.memory_space<vmem>>, %arg7: memref<80x64xi32, #tpu.memory_space<vmem>>, %arg8: memref<64x128xf32, #tpu.memory_space<vmem>>, %arg9: memref<10240x128xf32, #tpu.memory_space<vmem_shared>>) attributes {dimension_semantics = [#tpu.dimension_semantics<core_parallel>, #tpu.dimension_semantics<subcore_parallel>], iteration_bounds = array<i64: 2, 16>, scalar_prefetch = 0 : i64, scratch_operands = 4 : i64, tpu.core_type = #tpu.core_type<sc_vector_subcore>, window_params = [{transform_indices = #map}, {transform_indices = #map1}, {transform_indices = #map1}, {transform_indices = #map1}]} {
    %mul3A = arith.constant 16 : i32
    %mul3A_0 = arith.muli %arg0, %mul3A : i32
    %add3A = arith.addi %mul3A_0, %arg1 : i32
    %scan3A = arith.constant 0 : i32
    %scan3A_1 = arith.constant 0 : i32
    %scan3A_2 = arith.constant 512 : i32
    %scan3A_3 = arith.addi %scan3A_1, %scan3A_2 : i32
    %scan3A_4 = arith.constant 1 : i32
    %scan3A_5 = scf.for %scan3A_66 = %scan3A_1 to %scan3A_3 step %scan3A_4 iter_args(%scan3A_67 = %scan3A) -> (i32)  : i32 {
      %jit3A = arith.constant 8 : i32
      %div3A = arith.divsi %scan3A_66, %jit3A : i32
      %sign3A = arith.constant 0 : i32
      %sign3A_68 = arith.cmpi sgt, %scan3A_66, %sign3A : i32
      %sign3A_69 = arith.extui %sign3A_68 : i1 to i32
      %sign3A_70 = arith.constant 0 : i32
      %sign3A_71 = arith.cmpi slt, %scan3A_66, %sign3A_70 : i32
      %sign3A_72 = arith.extui %sign3A_71 : i1 to i32
      %sign3A_73 = arith.subi %sign3A_69, %sign3A_72 : i32
      %sign3A_74 = arith.constant 0 : i32
      %sign3A_75 = arith.cmpi sgt, %jit3A, %sign3A_74 : i32
      %sign3A_76 = arith.extui %sign3A_75 : i1 to i32
      %sign3A_77 = arith.constant 0 : i32
      %sign3A_78 = arith.cmpi slt, %jit3A, %sign3A_77 : i32
      %sign3A_79 = arith.extui %sign3A_78 : i1 to i32
      %sign3A_80 = arith.subi %sign3A_76, %sign3A_79 : i32
      %ne3A = arith.cmpi ne, %sign3A_73, %sign3A_80 : i32
      %rem3A = arith.remsi %scan3A_66, %jit3A : i32
      %ne3A_81 = arith.constant 0 : i32
      %ne3A_82 = arith.cmpi ne, %rem3A, %ne3A_81 : i32
      %and3A = arith.andi %ne3A, %ne3A_82 : i1
      %sub3A = arith.constant 1 : i32
      %sub3A_83 = arith.subi %div3A, %sub3A : i32
      %select_n3A = arith.select %and3A, %sub3A_83, %div3A : i32
      %jit3A_84 = arith.constant 8 : i32
      %eq3A = arith.constant 0 : i32
      %eq3A_85 = arith.cmpi eq, %jit3A_84, %eq3A : i32
      %jit3A_86 = arith.constant 1 : i32
      %select_n3A_87 = arith.select %eq3A_85, %jit3A_86, %jit3A_84 : i32
      %rem3A_88 = arith.remsi %scan3A_66, %select_n3A_87 : i32
      %ne3A_89 = arith.constant 0 : i32
      %ne3A_90 = arith.cmpi ne, %rem3A_88, %ne3A_89 : i32
      %lt3A = arith.constant 0 : i32
      %lt3A_91 = arith.cmpi slt, %rem3A_88, %lt3A : i32
      %lt3A_92 = arith.constant 0 : i32
      %lt3A_93 = arith.cmpi slt, %select_n3A_87, %lt3A_92 : i32
      %ne3A_94 = arith.xori %lt3A_91, %lt3A_93 : i1
      %and3A_95 = arith.andi %ne3A_94, %ne3A_90 : i1
      %add3A_96 = arith.addi %rem3A_88, %select_n3A_87 : i32
      %select_n3A_97 = arith.select %and3A_95, %add3A_96, %rem3A_88 : i32
      %broadcast_in_dim3A = arith.constant 0.000000e+00 : f32
      %broadcast_in_dim3A_98 = vector.broadcast %broadcast_in_dim3A : f32 to vector<16xf32>
      %mul3A_99 = arith.constant 16 : i32
      %mul3A_100 = arith.muli %select_n3A_97, %mul3A_99 : i32
      %swap3A = arith.index_cast %select_n3A : i32 to index
      %swap3A_101 = arith.index_cast %mul3A_100 : i32 to index
      %swap3A_102 = tpu.vector_load %arg8[%swap3A, %swap3A_101] {strides = array<i32>} : memref<64x128xf32, #tpu.memory_space<vmem>>, vector<1x16xf32>,
      %swap3A_103 = vector.shape_cast %swap3A_102 : vector<1x16xf32> to vector<16xf32>
      %swap3A_104 = vector.shape_cast %broadcast_in_dim3A_98 : vector<16xf32> to vector<1x16xf32>
      tpu.vector_store %arg8[%swap3A, %swap3A_101], %swap3A_104 {strides = array<i32>} : memref<64x128xf32, #tpu.memory_space<vmem>>, vector<1x16xf32>,
      %scan3A_105 = arith.constant 0 : i32
      scf.yield %scan3A_105 : i32
    }
    %scan3A_6 = arith.constant 512 : i32
    %mul3A_7 = arith.constant 640 : i32
    %mul3A_8 = arith.muli %arg1, %mul3A_7 : i32
    %add3A_9 = arith.constant 0 : i32
    %add3A_10 = arith.addi %mul3A_8, %add3A_9 : i32
    "tpu.region"() ({
      %run_scoped3A = tpu.sem_alloc : memref<!tpu.dma_semaphore, #tpu.memory_space<semaphore_mem>>
      %dma_start3A = arith.constant 0 : i32
      %dma_start3A_66 = tpu.memref_slice %arg9[%add3A_10, %dma_start3A] : memref<10240x128xf32, #tpu.memory_space<vmem_shared>> -> memref<64x128xf32, #tpu.memory_space<vmem_shared>>
      %dma_start3A_67 = arith.constant 0 : i32
      %dma_start3A_68 = tpu.memref_slice %arg9[%add3A_10, %dma_start3A_67] : memref<10240x128xf32, #tpu.memory_space<vmem_shared>> -> memref<64x128xf32, #tpu.memory_space<vmem_shared>>
      tpu.enqueue_dma source(%arg8 : memref<64x128xf32, #tpu.memory_space<vmem>>) target(%dma_start3A_68 : memref<64x128xf32, #tpu.memory_space<vmem_shared>>) target_semaphore(%run_scoped3A : memref<!tpu.dma_semaphore, #tpu.memory_space<semaphore_mem>>)
      %dma_wait3A = arith.constant 0 : i32
      %dma_wait3A_69 = tpu.memref_slice %arg9[%add3A_10, %dma_wait3A] : memref<10240x128xf32, #tpu.memory_space<vmem_shared>> -> memref<64x128xf32, #tpu.memory_space<vmem_shared>>
      %dma_wait3A_70 = arith.constant 0 : i32
      %dma_wait3A_71 = tpu.memref_slice %arg9[%add3A_10, %dma_wait3A_70] : memref<10240x128xf32, #tpu.memory_space<vmem_shared>> -> memref<64x128xf32, #tpu.memory_space<vmem_shared>>
      tpu.wait_dma2 semaphore(%run_scoped3A : memref<!tpu.dma_semaphore, #tpu.memory_space<semaphore_mem>>) src(%arg8 : memref<64x128xf32, #tpu.memory_space<vmem>>) dst(%dma_wait3A_71 : memref<64x128xf32, #tpu.memory_space<vmem_shared>>)
      tpu.yield
    }) : () -> ()
    %mul3A_11 = arith.constant 640 : i32
    %mul3A_12 = arith.muli %arg1, %mul3A_11 : i32
    %add3A_13 = arith.constant 64 : i32
    %add3A_14 = arith.addi %mul3A_12, %add3A_13 : i32
    "tpu.region"() ({
      %run_scoped3A = tpu.sem_alloc : memref<!tpu.dma_semaphore, #tpu.memory_space<semaphore_mem>>
      %dma_start3A = arith.constant 0 : i32
      %dma_start3A_66 = tpu.memref_slice %arg9[%add3A_14, %dma_start3A] : memref<10240x128xf32, #tpu.memory_space<vmem_shared>> -> memref<64x128xf32, #tpu.memory_space<vmem_shared>>
      %dma_start3A_67 = arith.constant 0 : i32
      %dma_start3A_68 = tpu.memref_slice %arg9[%add3A_14, %dma_start3A_67] : memref<10240x128xf32, #tpu.memory_space<vmem_shared>> -> memref<64x128xf32, #tpu.memory_space<vmem_shared>>
      tpu.enqueue_dma source(%arg8 : memref<64x128xf32, #tpu.memory_space<vmem>>) target(%dma_start3A_68 : memref<64x128xf32, #tpu.memory_space<vmem_shared>>) target_semaphore(%run_scoped3A : memref<!tpu.dma_semaphore, #tpu.memory_space<semaphore_mem>>)
      %dma_wait3A = arith.constant 0 : i32
      %dma_wait3A_69 = tpu.memref_slice %arg9[%add3A_14, %dma_wait3A] : memref<10240x128xf32, #tpu.memory_space<vmem_shared>> -> memref<64x128xf32, #tpu.memory_space<vmem_shared>>
      %dma_wait3A_70 = arith.constant 0 : i32
      %dma_wait3A_71 = tpu.memref_slice %arg9[%add3A_14, %dma_wait3A_70] : memref<10240x128xf32, #tpu.memory_space<vmem_shared>> -> memref<64x128xf32, #tpu.memory_space<vmem_shared>>
      tpu.wait_dma2 semaphore(%run_scoped3A : memref<!tpu.dma_semaphore, #tpu.memory_space<semaphore_mem>>) src(%arg8 : memref<64x128xf32, #tpu.memory_space<vmem>>) dst(%dma_wait3A_71 : memref<64x128xf32, #tpu.memory_space<vmem_shared>>)
      tpu.yield
    }) : () -> ()
    %mul3A_15 = arith.constant 640 : i32
    %mul3A_16 = arith.muli %arg1, %mul3A_15 : i32
    %add3A_17 = arith.constant 128 : i32
    %add3A_18 = arith.addi %mul3A_16, %add3A_17 : i32
    "tpu.region"() ({
      %run_scoped3A = tpu.sem_alloc : memref<!tpu.dma_semaphore, #tpu.memory_space<semaphore_mem>>
      %dma_start3A = arith.constant 0 : i32
      %dma_start3A_66 = tpu.memref_slice %arg9[%add3A_18, %dma_start3A] : memref<10240x128xf32, #tpu.memory_space<vmem_shared>> -> memref<64x128xf32, #tpu.memory_space<vmem_shared>>
      %dma_start3A_67 = arith.constant 0 : i32
      %dma_start3A_68 = tpu.memref_slice %arg9[%add3A_18, %dma_start3A_67] : memref<10240x128xf32, #tpu.memory_space<vmem_shared>> -> memref<64x128xf32, #tpu.memory_space<vmem_shared>>
      tpu.enqueue_dma source(%arg8 : memref<64x128xf32, #tpu.memory_space<vmem>>) target(%dma_start3A_68 : memref<64x128xf32, #tpu.memory_space<vmem_shared>>) target_semaphore(%run_scoped3A : memref<!tpu.dma_semaphore, #tpu.memory_space<semaphore_mem>>)
      %dma_wait3A = arith.constant 0 : i32
      %dma_wait3A_69 = tpu.memref_slice %arg9[%add3A_18, %dma_wait3A] : memref<10240x128xf32, #tpu.memory_space<vmem_shared>> -> memref<64x128xf32, #tpu.memory_space<vmem_shared>>
      %dma_wait3A_70 = arith.constant 0 : i32
      %dma_wait3A_71 = tpu.memref_slice %arg9[%add3A_18, %dma_wait3A_70] : memref<10240x128xf32, #tpu.memory_space<vmem_shared>> -> memref<64x128xf32, #tpu.memory_space<vmem_shared>>
      tpu.wait_dma2 semaphore(%run_scoped3A : memref<!tpu.dma_semaphore, #tpu.memory_space<semaphore_mem>>) src(%arg8 : memref<64x128xf32, #tpu.memory_space<vmem>>) dst(%dma_wait3A_71 : memref<64x128xf32, #tpu.memory_space<vmem_shared>>)
      tpu.yield
    }) : () -> ()
    %mul3A_19 = arith.constant 640 : i32
    %mul3A_20 = arith.muli %arg1, %mul3A_19 : i32
    %add3A_21 = arith.constant 192 : i32
    %add3A_22 = arith.addi %mul3A_20, %add3A_21 : i32
    "tpu.region"() ({
      %run_scoped3A = tpu.sem_alloc : memref<!tpu.dma_semaphore, #tpu.memory_space<semaphore_mem>>
      %dma_start3A = arith.constant 0 : i32
      %dma_start3A_66 = tpu.memref_slice %arg9[%add3A_22, %dma_start3A] : memref<10240x128xf32, #tpu.memory_space<vmem_shared>> -> memref<64x128xf32, #tpu.memory_space<vmem_shared>>
      %dma_start3A_67 = arith.constant 0 : i32
      %dma_start3A_68 = tpu.memref_slice %arg9[%add3A_22, %dma_start3A_67] : memref<10240x128xf32, #tpu.memory_space<vmem_shared>> -> memref<64x128xf32, #tpu.memory_space<vmem_shared>>
      tpu.enqueue_dma source(%arg8 : memref<64x128xf32, #tpu.memory_space<vmem>>) target(%dma_start3A_68 : memref<64x128xf32, #tpu.memory_space<vmem_shared>>) target_semaphore(%run_scoped3A : memref<!tpu.dma_semaphore, #tpu.memory_space<semaphore_mem>>)
      %dma_wait3A = arith.constant 0 : i32
      %dma_wait3A_69 = tpu.memref_slice %arg9[%add3A_22, %dma_wait3A] : memref<10240x128xf32, #tpu.memory_space<vmem_shared>> -> memref<64x128xf32, #tpu.memory_space<vmem_shared>>
      %dma_wait3A_70 = arith.constant 0 : i32
      %dma_wait3A_71 = tpu.memref_slice %arg9[%add3A_22, %dma_wait3A_70] : memref<10240x128xf32, #tpu.memory_space<vmem_shared>> -> memref<64x128xf32, #tpu.memory_space<vmem_shared>>
      tpu.wait_dma2 semaphore(%run_scoped3A : memref<!tpu.dma_semaphore, #tpu.memory_space<semaphore_mem>>) src(%arg8 : memref<64x128xf32, #tpu.memory_space<vmem>>) dst(%dma_wait3A_71 : memref<64x128xf32, #tpu.memory_space<vmem_shared>>)
      tpu.yield
    }) : () -> ()
    %mul3A_23 = arith.constant 640 : i32
    %mul3A_24 = arith.muli %arg1, %mul3A_23 : i32
    %add3A_25 = arith.constant 256 : i32
    %add3A_26 = arith.addi %mul3A_24, %add3A_25 : i32
    "tpu.region"() ({
      %run_scoped3A = tpu.sem_alloc : memref<!tpu.dma_semaphore, #tpu.memory_space<semaphore_mem>>
      %dma_start3A = arith.constant 0 : i32
      %dma_start3A_66 = tpu.memref_slice %arg9[%add3A_26, %dma_start3A] : memref<10240x128xf32, #tpu.memory_space<vmem_shared>> -> memref<64x128xf32, #tpu.memory_space<vmem_shared>>
      %dma_start3A_67 = arith.constant 0 : i32
      %dma_start3A_68 = tpu.memref_slice %arg9[%add3A_26, %dma_start3A_67] : memref<10240x128xf32, #tpu.memory_space<vmem_shared>> -> memref<64x128xf32, #tpu.memory_space<vmem_shared>>
      tpu.enqueue_dma source(%arg8 : memref<64x128xf32, #tpu.memory_space<vmem>>) target(%dma_start3A_68 : memref<64x128xf32, #tpu.memory_space<vmem_shared>>) target_semaphore(%run_scoped3A : memref<!tpu.dma_semaphore, #tpu.memory_space<semaphore_mem>>)
      %dma_wait3A = arith.constant 0 : i32
      %dma_wait3A_69 = tpu.memref_slice %arg9[%add3A_26, %dma_wait3A] : memref<10240x128xf32, #tpu.memory_space<vmem_shared>> -> memref<64x128xf32, #tpu.memory_space<vmem_shared>>
      %dma_wait3A_70 = arith.constant 0 : i32
      %dma_wait3A_71 = tpu.memref_slice %arg9[%add3A_26, %dma_wait3A_70] : memref<10240x128xf32, #tpu.memory_space<vmem_shared>> -> memref<64x128xf32, #tpu.memory_space<vmem_shared>>
      tpu.wait_dma2 semaphore(%run_scoped3A : memref<!tpu.dma_semaphore, #tpu.memory_space<semaphore_mem>>) src(%arg8 : memref<64x128xf32, #tpu.memory_space<vmem>>) dst(%dma_wait3A_71 : memref<64x128xf32, #tpu.memory_space<vmem_shared>>)
      tpu.yield
    }) : () -> ()
    %mul3A_27 = arith.constant 640 : i32
    %mul3A_28 = arith.muli %arg1, %mul3A_27 : i32
    %add3A_29 = arith.constant 320 : i32
    %add3A_30 = arith.addi %mul3A_28, %add3A_29 : i32
    "tpu.region"() ({
      %run_scoped3A = tpu.sem_alloc : memref<!tpu.dma_semaphore, #tpu.memory_space<semaphore_mem>>
      %dma_start3A = arith.constant 0 : i32
      %dma_start3A_66 = tpu.memref_slice %arg9[%add3A_30, %dma_start3A] : memref<10240x128xf32, #tpu.memory_space<vmem_shared>> -> memref<64x128xf32, #tpu.memory_space<vmem_shared>>
      %dma_start3A_67 = arith.constant 0 : i32
      %dma_start3A_68 = tpu.memref_slice %arg9[%add3A_30, %dma_start3A_67] : memref<10240x128xf32, #tpu.memory_space<vmem_shared>> -> memref<64x128xf32, #tpu.memory_space<vmem_shared>>
      tpu.enqueue_dma source(%arg8 : memref<64x128xf32, #tpu.memory_space<vmem>>) target(%dma_start3A_68 : memref<64x128xf32, #tpu.memory_space<vmem_shared>>) target_semaphore(%run_scoped3A : memref<!tpu.dma_semaphore, #tpu.memory_space<semaphore_mem>>)
      %dma_wait3A = arith.constant 0 : i32
      %dma_wait3A_69 = tpu.memref_slice %arg9[%add3A_30, %dma_wait3A] : memref<10240x128xf32, #tpu.memory_space<vmem_shared>> -> memref<64x128xf32, #tpu.memory_space<vmem_shared>>
      %dma_wait3A_70 = arith.constant 0 : i32
      %dma_wait3A_71 = tpu.memref_slice %arg9[%add3A_30, %dma_wait3A_70] : memref<10240x128xf32, #tpu.memory_space<vmem_shared>> -> memref<64x128xf32, #tpu.memory_space<vmem_shared>>
      tpu.wait_dma2 semaphore(%run_scoped3A : memref<!tpu.dma_semaphore, #tpu.memory_space<semaphore_mem>>) src(%arg8 : memref<64x128xf32, #tpu.memory_space<vmem>>) dst(%dma_wait3A_71 : memref<64x128xf32, #tpu.memory_space<vmem_shared>>)
      tpu.yield
    }) : () -> ()
    %mul3A_31 = arith.constant 640 : i32
    %mul3A_32 = arith.muli %arg1, %mul3A_31 : i32
    %add3A_33 = arith.constant 384 : i32
    %add3A_34 = arith.addi %mul3A_32, %add3A_33 : i32
    "tpu.region"() ({
      %run_scoped3A = tpu.sem_alloc : memref<!tpu.dma_semaphore, #tpu.memory_space<semaphore_mem>>
      %dma_start3A = arith.constant 0 : i32
      %dma_start3A_66 = tpu.memref_slice %arg9[%add3A_34, %dma_start3A] : memref<10240x128xf32, #tpu.memory_space<vmem_shared>> -> memref<64x128xf32, #tpu.memory_space<vmem_shared>>
      %dma_start3A_67 = arith.constant 0 : i32
      %dma_start3A_68 = tpu.memref_slice %arg9[%add3A_34, %dma_start3A_67] : memref<10240x128xf32, #tpu.memory_space<vmem_shared>> -> memref<64x128xf32, #tpu.memory_space<vmem_shared>>
      tpu.enqueue_dma source(%arg8 : memref<64x128xf32, #tpu.memory_space<vmem>>) target(%dma_start3A_68 : memref<64x128xf32, #tpu.memory_space<vmem_shared>>) target_semaphore(%run_scoped3A : memref<!tpu.dma_semaphore, #tpu.memory_space<semaphore_mem>>)
      %dma_wait3A = arith.constant 0 : i32
      %dma_wait3A_69 = tpu.memref_slice %arg9[%add3A_34, %dma_wait3A] : memref<10240x128xf32, #tpu.memory_space<vmem_shared>> -> memref<64x128xf32, #tpu.memory_space<vmem_shared>>
      %dma_wait3A_70 = arith.constant 0 : i32
      %dma_wait3A_71 = tpu.memref_slice %arg9[%add3A_34, %dma_wait3A_70] : memref<10240x128xf32, #tpu.memory_space<vmem_shared>> -> memref<64x128xf32, #tpu.memory_space<vmem_shared>>
      tpu.wait_dma2 semaphore(%run_scoped3A : memref<!tpu.dma_semaphore, #tpu.memory_space<semaphore_mem>>) src(%arg8 : memref<64x128xf32, #tpu.memory_space<vmem>>) dst(%dma_wait3A_71 : memref<64x128xf32, #tpu.memory_space<vmem_shared>>)
      tpu.yield
    }) : () -> ()
    %mul3A_35 = arith.constant 640 : i32
    %mul3A_36 = arith.muli %arg1, %mul3A_35 : i32
    %add3A_37 = arith.constant 448 : i32
    %add3A_38 = arith.addi %mul3A_36, %add3A_37 : i32
    "tpu.region"() ({
      %run_scoped3A = tpu.sem_alloc : memref<!tpu.dma_semaphore, #tpu.memory_space<semaphore_mem>>
      %dma_start3A = arith.constant 0 : i32
      %dma_start3A_66 = tpu.memref_slice %arg9[%add3A_38, %dma_start3A] : memref<10240x128xf32, #tpu.memory_space<vmem_shared>> -> memref<64x128xf32, #tpu.memory_space<vmem_shared>>
      %dma_start3A_67 = arith.constant 0 : i32
      %dma_start3A_68 = tpu.memref_slice %arg9[%add3A_38, %dma_start3A_67] : memref<10240x128xf32, #tpu.memory_space<vmem_shared>> -> memref<64x128xf32, #tpu.memory_space<vmem_shared>>
      tpu.enqueue_dma source(%arg8 : memref<64x128xf32, #tpu.memory_space<vmem>>) target(%dma_start3A_68 : memref<64x128xf32, #tpu.memory_space<vmem_shared>>) target_semaphore(%run_scoped3A : memref<!tpu.dma_semaphore, #tpu.memory_space<semaphore_mem>>)
      %dma_wait3A = arith.constant 0 : i32
      %dma_wait3A_69 = tpu.memref_slice %arg9[%add3A_38, %dma_wait3A] : memref<10240x128xf32, #tpu.memory_space<vmem_shared>> -> memref<64x128xf32, #tpu.memory_space<vmem_shared>>
      %dma_wait3A_70 = arith.constant 0 : i32
      %dma_wait3A_71 = tpu.memref_slice %arg9[%add3A_38, %dma_wait3A_70] : memref<10240x128xf32, #tpu.memory_space<vmem_shared>> -> memref<64x128xf32, #tpu.memory_space<vmem_shared>>
      tpu.wait_dma2 semaphore(%run_scoped3A : memref<!tpu.dma_semaphore, #tpu.memory_space<semaphore_mem>>) src(%arg8 : memref<64x128xf32, #tpu.memory_space<vmem>>) dst(%dma_wait3A_71 : memref<64x128xf32, #tpu.memory_space<vmem_shared>>)
      tpu.yield
    }) : () -> ()
    %mul3A_39 = arith.constant 640 : i32
    %mul3A_40 = arith.muli %arg1, %mul3A_39 : i32
    %add3A_41 = arith.constant 512 : i32
    %add3A_42 = arith.addi %mul3A_40, %add3A_41 : i32
    "tpu.region"() ({
      %run_scoped3A = tpu.sem_alloc : memref<!tpu.dma_semaphore, #tpu.memory_space<semaphore_mem>>
      %dma_start3A = arith.constant 0 : i32
      %dma_start3A_66 = tpu.memref_slice %arg9[%add3A_42, %dma_start3A] : memref<10240x128xf32, #tpu.memory_space<vmem_shared>> -> memref<64x128xf32, #tpu.memory_space<vmem_shared>>
      %dma_start3A_67 = arith.constant 0 : i32
      %dma_start3A_68 = tpu.memref_slice %arg9[%add3A_42, %dma_start3A_67] : memref<10240x128xf32, #tpu.memory_space<vmem_shared>> -> memref<64x128xf32, #tpu.memory_space<vmem_shared>>
      tpu.enqueue_dma source(%arg8 : memref<64x128xf32, #tpu.memory_space<vmem>>) target(%dma_start3A_68 : memref<64x128xf32, #tpu.memory_space<vmem_shared>>) target_semaphore(%run_scoped3A : memref<!tpu.dma_semaphore, #tpu.memory_space<semaphore_mem>>)
      %dma_wait3A = arith.constant 0 : i32
      %dma_wait3A_69 = tpu.memref_slice %arg9[%add3A_42, %dma_wait3A] : memref<10240x128xf32, #tpu.memory_space<vmem_shared>> -> memref<64x128xf32, #tpu.memory_space<vmem_shared>>
      %dma_wait3A_70 = arith.constant 0 : i32
      %dma_wait3A_71 = tpu.memref_slice %arg9[%add3A_42, %dma_wait3A_70] : memref<10240x128xf32, #tpu.memory_space<vmem_shared>> -> memref<64x128xf32, #tpu.memory_space<vmem_shared>>
      tpu.wait_dma2 semaphore(%run_scoped3A : memref<!tpu.dma_semaphore, #tpu.memory_space<semaphore_mem>>) src(%arg8 : memref<64x128xf32, #tpu.memory_space<vmem>>) dst(%dma_wait3A_71 : memref<64x128xf32, #tpu.memory_space<vmem_shared>>)
      tpu.yield
    }) : () -> ()
    %mul3A_43 = arith.constant 640 : i32
    %mul3A_44 = arith.muli %arg1, %mul3A_43 : i32
    %add3A_45 = arith.constant 576 : i32
    %add3A_46 = arith.addi %mul3A_44, %add3A_45 : i32
    "tpu.region"() ({
      %run_scoped3A = tpu.sem_alloc : memref<!tpu.dma_semaphore, #tpu.memory_space<semaphore_mem>>
      %dma_start3A = arith.constant 0 : i32
      %dma_start3A_66 = tpu.memref_slice %arg9[%add3A_46, %dma_start3A] : memref<10240x128xf32, #tpu.memory_space<vmem_shared>> -> memref<64x128xf32, #tpu.memory_space<vmem_shared>>
      %dma_start3A_67 = arith.constant 0 : i32
      %dma_start3A_68 = tpu.memref_slice %arg9[%add3A_46, %dma_start3A_67] : memref<10240x128xf32, #tpu.memory_space<vmem_shared>> -> memref<64x128xf32, #tpu.memory_space<vmem_shared>>
      tpu.enqueue_dma source(%arg8 : memref<64x128xf32, #tpu.memory_space<vmem>>) target(%dma_start3A_68 : memref<64x128xf32, #tpu.memory_space<vmem_shared>>) target_semaphore(%run_scoped3A : memref<!tpu.dma_semaphore, #tpu.memory_space<semaphore_mem>>)
      %dma_wait3A = arith.constant 0 : i32
      %dma_wait3A_69 = tpu.memref_slice %arg9[%add3A_46, %dma_wait3A] : memref<10240x128xf32, #tpu.memory_space<vmem_shared>> -> memref<64x128xf32, #tpu.memory_space<vmem_shared>>
      %dma_wait3A_70 = arith.constant 0 : i32
      %dma_wait3A_71 = tpu.memref_slice %arg9[%add3A_46, %dma_wait3A_70] : memref<10240x128xf32, #tpu.memory_space<vmem_shared>> -> memref<64x128xf32, #tpu.memory_space<vmem_shared>>
      tpu.wait_dma2 semaphore(%run_scoped3A : memref<!tpu.dma_semaphore, #tpu.memory_space<semaphore_mem>>) src(%arg8 : memref<64x128xf32, #tpu.memory_space<vmem>>) dst(%dma_wait3A_71 : memref<64x128xf32, #tpu.memory_space<vmem_shared>>)
      tpu.yield
    }) : () -> ()
    "tpu.region"() ({
      %run_scoped3A = tpu.sem_alloc : memref<!tpu.dma_semaphore, #tpu.memory_space<semaphore_mem>>
      %dma_start3A = arith.constant 0 : i32
      %dma_start3A_66 = arith.constant 0 : i32
      %dma_start3A_67 = tpu.memref_slice %arg3[%add3A, %dma_start3A, %dma_start3A_66] : memref<32x160x64xi32, #tpu.memory_space<hbm>> -> memref<1x80x64xi32, #tpu.memory_space<hbm>>
      %dma_start3A_68 = tpu.memref_squeeze %dma_start3A_67 : memref<1x80x64xi32, #tpu.memory_space<hbm>> -> memref<80x64xi32, #tpu.memory_space<hbm>>
      %dma_start3A_69 = arith.constant 0 : i32
      %dma_start3A_70 = arith.constant 0 : i32
      %dma_start3A_71 = tpu.memref_slice %arg3[%add3A, %dma_start3A_69, %dma_start3A_70] : memref<32x160x64xi32, #tpu.memory_space<hbm>> -> memref<1x80x64xi32, #tpu.memory_space<hbm>>
      %dma_start3A_72 = tpu.memref_squeeze %dma_start3A_71 : memref<1x80x64xi32, #tpu.memory_space<hbm>> -> memref<80x64xi32, #tpu.memory_space<hbm>>
      tpu.enqueue_dma source(%dma_start3A_72 : memref<80x64xi32, #tpu.memory_space<hbm>>) target(%arg6 : memref<80x64xi32, #tpu.memory_space<vmem>>) target_semaphore(%run_scoped3A : memref<!tpu.dma_semaphore, #tpu.memory_space<semaphore_mem>>)
      %dma_wait3A = arith.constant 0 : i32
      %dma_wait3A_73 = arith.constant 0 : i32
      %dma_wait3A_74 = tpu.memref_slice %arg3[%add3A, %dma_wait3A, %dma_wait3A_73] : memref<32x160x64xi32, #tpu.memory_space<hbm>> -> memref<1x80x64xi32, #tpu.memory_space<hbm>>
      %dma_wait3A_75 = tpu.memref_squeeze %dma_wait3A_74 : memref<1x80x64xi32, #tpu.memory_space<hbm>> -> memref<80x64xi32, #tpu.memory_space<hbm>>
      %dma_wait3A_76 = arith.constant 0 : i32
      %dma_wait3A_77 = arith.constant 0 : i32
      %dma_wait3A_78 = tpu.memref_slice %arg3[%add3A, %dma_wait3A_76, %dma_wait3A_77] : memref<32x160x64xi32, #tpu.memory_space<hbm>> -> memref<1x80x64xi32, #tpu.memory_space<hbm>>
      %dma_wait3A_79 = tpu.memref_squeeze %dma_wait3A_78 : memref<1x80x64xi32, #tpu.memory_space<hbm>> -> memref<80x64xi32, #tpu.memory_space<hbm>>
      tpu.wait_dma2 semaphore(%run_scoped3A : memref<!tpu.dma_semaphore, #tpu.memory_space<semaphore_mem>>) src(%dma_wait3A_79 : memref<80x64xi32, #tpu.memory_space<hbm>>) dst(%arg6 : memref<80x64xi32, #tpu.memory_space<vmem>>)
      tpu.yield
    }) : () -> ()
    "tpu.region"() ({
      %run_scoped3A = tpu.sem_alloc : memref<!tpu.dma_semaphore, #tpu.memory_space<semaphore_mem>>
      %dma_start3A = arith.constant 0 : i32
      %dma_start3A_66 = arith.constant 0 : i32
      %dma_start3A_67 = tpu.memref_slice %arg4[%add3A, %dma_start3A, %dma_start3A_66] : memref<32x160x64xi32, #tpu.memory_space<hbm>> -> memref<1x80x64xi32, #tpu.memory_space<hbm>>
      %dma_start3A_68 = tpu.memref_squeeze %dma_start3A_67 : memref<1x80x64xi32, #tpu.memory_space<hbm>> -> memref<80x64xi32, #tpu.memory_space<hbm>>
      %dma_start3A_69 = arith.constant 0 : i32
      %dma_start3A_70 = arith.constant 0 : i32
      %dma_start3A_71 = tpu.memref_slice %arg4[%add3A, %dma_start3A_69, %dma_start3A_70] : memref<32x160x64xi32, #tpu.memory_space<hbm>> -> memref<1x80x64xi32, #tpu.memory_space<hbm>>
      %dma_start3A_72 = tpu.memref_squeeze %dma_start3A_71 : memref<1x80x64xi32, #tpu.memory_space<hbm>> -> memref<80x64xi32, #tpu.memory_space<hbm>>
      tpu.enqueue_dma source(%dma_start3A_72 : memref<80x64xi32, #tpu.memory_space<hbm>>) target(%arg7 : memref<80x64xi32, #tpu.memory_space<vmem>>) target_semaphore(%run_scoped3A : memref<!tpu.dma_semaphore, #tpu.memory_space<semaphore_mem>>)
      %dma_wait3A = arith.constant 0 : i32
      %dma_wait3A_73 = arith.constant 0 : i32
      %dma_wait3A_74 = tpu.memref_slice %arg4[%add3A, %dma_wait3A, %dma_wait3A_73] : memref<32x160x64xi32, #tpu.memory_space<hbm>> -> memref<1x80x64xi32, #tpu.memory_space<hbm>>
      %dma_wait3A_75 = tpu.memref_squeeze %dma_wait3A_74 : memref<1x80x64xi32, #tpu.memory_space<hbm>> -> memref<80x64xi32, #tpu.memory_space<hbm>>
      %dma_wait3A_76 = arith.constant 0 : i32
      %dma_wait3A_77 = arith.constant 0 : i32
      %dma_wait3A_78 = tpu.memref_slice %arg4[%add3A, %dma_wait3A_76, %dma_wait3A_77] : memref<32x160x64xi32, #tpu.memory_space<hbm>> -> memref<1x80x64xi32, #tpu.memory_space<hbm>>
      %dma_wait3A_79 = tpu.memref_squeeze %dma_wait3A_78 : memref<1x80x64xi32, #tpu.memory_space<hbm>> -> memref<80x64xi32, #tpu.memory_space<hbm>>
      tpu.wait_dma2 semaphore(%run_scoped3A : memref<!tpu.dma_semaphore, #tpu.memory_space<semaphore_mem>>) src(%dma_wait3A_79 : memref<80x64xi32, #tpu.memory_space<hbm>>) dst(%arg7 : memref<80x64xi32, #tpu.memory_space<vmem>>)
      tpu.yield
    }) : () -> ()
    %barrier3A = arith.constant 0 : index
    tpu.barrier barrier_id(%barrier3A)
    %scan3A_47 = arith.constant 0 : i32
    %scan3A_48 = arith.constant 0 : i32
    %scan3A_49 = arith.constant 80 : i32
    %scan3A_50 = arith.addi %scan3A_48, %scan3A_49 : i32
    %scan3A_51 = arith.constant 1 : i32
    %scan3A_52 = scf.for %scan3A_66 = %scan3A_48 to %scan3A_50 step %scan3A_51 iter_args(%scan3A_67 = %scan3A_47) -> (i32)  : i32 {
      "tpu.region"() ({
        %run_scoped3A = tpu.sem_alloc : memref<!tpu.dma_semaphore, #tpu.memory_space<semaphore_mem>>
        %dma_start3A = arith.constant 0 : i32
        %dma_start3A_69 = tpu.memref_slice %arg6[%scan3A_66, %dma_start3A] : memref<80x64xi32, #tpu.memory_space<vmem>> -> memref<1x64xi32, #tpu.memory_space<vmem>>
        %dma_start3A_70 = tpu.memref_squeeze %dma_start3A_69 : memref<1x64xi32, #tpu.memory_space<vmem>> -> memref<64xi32, #tpu.memory_space<vmem>>
        %dma_start3A_71 = arith.constant 0 : i32
        %dma_start3A_72 = arith.constant 0 : i32
        %dma_start3A_73 = tpu.memref_slice %arg2[%dma_start3A_71, %dma_start3A_72] : memref<10240x128xf32, #tpu.memory_space<hbm>> -> memref<10240x128xf32, #tpu.memory_space<hbm>>
        tpu.enqueue_indirect_dma source(%dma_start3A_73 : memref<10240x128xf32, #tpu.memory_space<hbm>>) target(%arg8 : memref<64x128xf32, #tpu.memory_space<vmem>>) offsets(%dma_start3A_70 : memref<64xi32, #tpu.memory_space<vmem>>) semaphore(%run_scoped3A : memref<!tpu.dma_semaphore, #tpu.memory_space<semaphore_mem>>)
        %dma_wait3A = arith.constant 0 : i32
        %dma_wait3A_74 = tpu.memref_slice %arg6[%scan3A_66, %dma_wait3A] : memref<80x64xi32, #tpu.memory_space<vmem>> -> memref<1x64xi32, #tpu.memory_space<vmem>>
        %dma_wait3A_75 = tpu.memref_squeeze %dma_wait3A_74 : memref<1x64xi32, #tpu.memory_space<vmem>> -> memref<64xi32, #tpu.memory_space<vmem>>
        %dma_wait3A_76 = arith.constant 0 : i32
        %dma_wait3A_77 = arith.constant 0 : i32
        %dma_wait3A_78 = tpu.memref_slice %arg2[%dma_wait3A_76, %dma_wait3A_77] : memref<10240x128xf32, #tpu.memory_space<hbm>> -> memref<10240x128xf32, #tpu.memory_space<hbm>>
        tpu.wait_indirect_dma semaphore(%run_scoped3A : memref<!tpu.dma_semaphore, #tpu.memory_space<semaphore_mem>>) src(%dma_wait3A_78 : memref<10240x128xf32, #tpu.memory_space<hbm>>) dst(%arg8 : memref<64x128xf32, #tpu.memory_space<vmem>>)
        tpu.yield
      }) : () -> ()
      "tpu.region"() ({
        %run_scoped3A = tpu.sem_alloc : memref<!tpu.dma_semaphore, #tpu.memory_space<semaphore_mem>>
        %dma_start3A = arith.constant 0 : i32
        %dma_start3A_69 = tpu.memref_slice %arg7[%scan3A_66, %dma_start3A] : memref<80x64xi32, #tpu.memory_space<vmem>> -> memref<1x64xi32, #tpu.memory_space<vmem>>
        %dma_start3A_70 = tpu.memref_squeeze %dma_start3A_69 : memref<1x64xi32, #tpu.memory_space<vmem>> -> memref<64xi32, #tpu.memory_space<vmem>>
        %dma_start3A_71 = arith.constant 0 : i32
        %dma_start3A_72 = arith.constant 0 : i32
        %dma_start3A_73 = tpu.memref_slice %arg9[%dma_start3A_71, %dma_start3A_72] : memref<10240x128xf32, #tpu.memory_space<vmem_shared>> -> memref<10240x128xf32, #tpu.memory_space<vmem_shared>>
        tpu.enqueue_indirect_dma source(%arg8 : memref<64x128xf32, #tpu.memory_space<vmem>>) target(%dma_start3A_73 : memref<10240x128xf32, #tpu.memory_space<vmem_shared>>) offsets(%dma_start3A_70 : memref<64xi32, #tpu.memory_space<vmem>>) semaphore(%run_scoped3A : memref<!tpu.dma_semaphore, #tpu.memory_space<semaphore_mem>>) {add = true}
        %dma_wait3A = arith.constant 0 : i32
        %dma_wait3A_74 = tpu.memref_slice %arg7[%scan3A_66, %dma_wait3A] : memref<80x64xi32, #tpu.memory_space<vmem>> -> memref<1x64xi32, #tpu.memory_space<vmem>>
        %dma_wait3A_75 = tpu.memref_squeeze %dma_wait3A_74 : memref<1x64xi32, #tpu.memory_space<vmem>> -> memref<64xi32, #tpu.memory_space<vmem>>
        %dma_wait3A_76 = arith.constant 0 : i32
        %dma_wait3A_77 = arith.constant 0 : i32
        %dma_wait3A_78 = tpu.memref_slice %arg9[%dma_wait3A_76, %dma_wait3A_77] : memref<10240x128xf32, #tpu.memory_space<vmem_shared>> -> memref<10240x128xf32, #tpu.memory_space<vmem_shared>>
        tpu.wait_indirect_dma semaphore(%run_scoped3A : memref<!tpu.dma_semaphore, #tpu.memory_space<semaphore_mem>>) src(%arg8 : memref<64x128xf32, #tpu.memory_space<vmem>>) dst(%dma_wait3A_78 : memref<10240x128xf32, #tpu.memory_space<vmem_shared>>)
        tpu.yield
      }) : () -> ()
      %scan3A_68 = arith.constant 0 : i32
      scf.yield %scan3A_68 : i32
    }
    %scan3A_53 = arith.constant 80 : i32
    "tpu.region"() ({
      %run_scoped3A = tpu.sem_alloc : memref<!tpu.dma_semaphore, #tpu.memory_space<semaphore_mem>>
      %dma_start3A = arith.constant 80 : i32
      %dma_start3A_66 = arith.constant 0 : i32
      %dma_start3A_67 = tpu.memref_slice %arg3[%add3A, %dma_start3A, %dma_start3A_66] : memref<32x160x64xi32, #tpu.memory_space<hbm>> -> memref<1x80x64xi32, #tpu.memory_space<hbm>>
      %dma_start3A_68 = tpu.memref_squeeze %dma_start3A_67 : memref<1x80x64xi32, #tpu.memory_space<hbm>> -> memref<80x64xi32, #tpu.memory_space<hbm>>
      %dma_start3A_69 = arith.constant 80 : i32
      %dma_start3A_70 = arith.constant 0 : i32
      %dma_start3A_71 = tpu.memref_slice %arg3[%add3A, %dma_start3A_69, %dma_start3A_70] : memref<32x160x64xi32, #tpu.memory_space<hbm>> -> memref<1x80x64xi32, #tpu.memory_space<hbm>>
      %dma_start3A_72 = tpu.memref_squeeze %dma_start3A_71 : memref<1x80x64xi32, #tpu.memory_space<hbm>> -> memref<80x64xi32, #tpu.memory_space<hbm>>
      tpu.enqueue_dma source(%dma_start3A_72 : memref<80x64xi32, #tpu.memory_space<hbm>>) target(%arg6 : memref<80x64xi32, #tpu.memory_space<vmem>>) target_semaphore(%run_scoped3A : memref<!tpu.dma_semaphore, #tpu.memory_space<semaphore_mem>>)
      %dma_wait3A = arith.constant 80 : i32
      %dma_wait3A_73 = arith.constant 0 : i32
      %dma_wait3A_74 = tpu.memref_slice %arg3[%add3A, %dma_wait3A, %dma_wait3A_73] : memref<32x160x64xi32, #tpu.memory_space<hbm>> -> memref<1x80x64xi32, #tpu.memory_space<hbm>>
      %dma_wait3A_75 = tpu.memref_squeeze %dma_wait3A_74 : memref<1x80x64xi32, #tpu.memory_space<hbm>> -> memref<80x64xi32, #tpu.memory_space<hbm>>
      %dma_wait3A_76 = arith.constant 80 : i32
      %dma_wait3A_77 = arith.constant 0 : i32
      %dma_wait3A_78 = tpu.memref_slice %arg3[%add3A, %dma_wait3A_76, %dma_wait3A_77] : memref<32x160x64xi32, #tpu.memory_space<hbm>> -> memref<1x80x64xi32, #tpu.memory_space<hbm>>
      %dma_wait3A_79 = tpu.memref_squeeze %dma_wait3A_78 : memref<1x80x64xi32, #tpu.memory_space<hbm>> -> memref<80x64xi32, #tpu.memory_space<hbm>>
      tpu.wait_dma2 semaphore(%run_scoped3A : memref<!tpu.dma_semaphore, #tpu.memory_space<semaphore_mem>>) src(%dma_wait3A_79 : memref<80x64xi32, #tpu.memory_space<hbm>>) dst(%arg6 : memref<80x64xi32, #tpu.memory_space<vmem>>)
      tpu.yield
    }) : () -> ()
    "tpu.region"() ({
      %run_scoped3A = tpu.sem_alloc : memref<!tpu.dma_semaphore, #tpu.memory_space<semaphore_mem>>
      %dma_start3A = arith.constant 80 : i32
      %dma_start3A_66 = arith.constant 0 : i32
      %dma_start3A_67 = tpu.memref_slice %arg4[%add3A, %dma_start3A, %dma_start3A_66] : memref<32x160x64xi32, #tpu.memory_space<hbm>> -> memref<1x80x64xi32, #tpu.memory_space<hbm>>
      %dma_start3A_68 = tpu.memref_squeeze %dma_start3A_67 : memref<1x80x64xi32, #tpu.memory_space<hbm>> -> memref<80x64xi32, #tpu.memory_space<hbm>>
      %dma_start3A_69 = arith.constant 80 : i32
      %dma_start3A_70 = arith.constant 0 : i32
      %dma_start3A_71 = tpu.memref_slice %arg4[%add3A, %dma_start3A_69, %dma_start3A_70] : memref<32x160x64xi32, #tpu.memory_space<hbm>> -> memref<1x80x64xi32, #tpu.memory_space<hbm>>
      %dma_start3A_72 = tpu.memref_squeeze %dma_start3A_71 : memref<1x80x64xi32, #tpu.memory_space<hbm>> -> memref<80x64xi32, #tpu.memory_space<hbm>>
      tpu.enqueue_dma source(%dma_start3A_72 : memref<80x64xi32, #tpu.memory_space<hbm>>) target(%arg7 : memref<80x64xi32, #tpu.memory_space<vmem>>) target_semaphore(%run_scoped3A : memref<!tpu.dma_semaphore, #tpu.memory_space<semaphore_mem>>)
      %dma_wait3A = arith.constant 80 : i32
      %dma_wait3A_73 = arith.constant 0 : i32
      %dma_wait3A_74 = tpu.memref_slice %arg4[%add3A, %dma_wait3A, %dma_wait3A_73] : memref<32x160x64xi32, #tpu.memory_space<hbm>> -> memref<1x80x64xi32, #tpu.memory_space<hbm>>
      %dma_wait3A_75 = tpu.memref_squeeze %dma_wait3A_74 : memref<1x80x64xi32, #tpu.memory_space<hbm>> -> memref<80x64xi32, #tpu.memory_space<hbm>>
      %dma_wait3A_76 = arith.constant 80 : i32
      %dma_wait3A_77 = arith.constant 0 : i32
      %dma_wait3A_78 = tpu.memref_slice %arg4[%add3A, %dma_wait3A_76, %dma_wait3A_77] : memref<32x160x64xi32, #tpu.memory_space<hbm>> -> memref<1x80x64xi32, #tpu.memory_space<hbm>>
      %dma_wait3A_79 = tpu.memref_squeeze %dma_wait3A_78 : memref<1x80x64xi32, #tpu.memory_space<hbm>> -> memref<80x64xi32, #tpu.memory_space<hbm>>
      tpu.wait_dma2 semaphore(%run_scoped3A : memref<!tpu.dma_semaphore, #tpu.memory_space<semaphore_mem>>) src(%dma_wait3A_79 : memref<80x64xi32, #tpu.memory_space<hbm>>) dst(%arg7 : memref<80x64xi32, #tpu.memory_space<vmem>>)
      tpu.yield
    }) : () -> ()
    %scan3A_54 = arith.constant 0 : i32
    %scan3A_55 = arith.constant 0 : i32
    %scan3A_56 = arith.constant 80 : i32
    %scan3A_57 = arith.addi %scan3A_55, %scan3A_56 : i32
    %scan3A_58 = arith.constant 1 : i32
    %scan3A_59 = scf.for %scan3A_66 = %scan3A_55 to %scan3A_57 step %scan3A_58 iter_args(%scan3A_67 = %scan3A_54) -> (i32)  : i32 {
      "tpu.region"() ({
        %run_scoped3A = tpu.sem_alloc : memref<!tpu.dma_semaphore, #tpu.memory_space<semaphore_mem>>
        %dma_start3A = arith.constant 0 : i32
        %dma_start3A_69 = tpu.memref_slice %arg6[%scan3A_66, %dma_start3A] : memref<80x64xi32, #tpu.memory_space<vmem>> -> memref<1x64xi32, #tpu.memory_space<vmem>>
        %dma_start3A_70 = tpu.memref_squeeze %dma_start3A_69 : memref<1x64xi32, #tpu.memory_space<vmem>> -> memref<64xi32, #tpu.memory_space<vmem>>
        %dma_start3A_71 = arith.constant 0 : i32
        %dma_start3A_72 = arith.constant 0 : i32
        %dma_start3A_73 = tpu.memref_slice %arg2[%dma_start3A_71, %dma_start3A_72] : memref<10240x128xf32, #tpu.memory_space<hbm>> -> memref<10240x128xf32, #tpu.memory_space<hbm>>
        tpu.enqueue_indirect_dma source(%dma_start3A_73 : memref<10240x128xf32, #tpu.memory_space<hbm>>) target(%arg8 : memref<64x128xf32, #tpu.memory_space<vmem>>) offsets(%dma_start3A_70 : memref<64xi32, #tpu.memory_space<vmem>>) semaphore(%run_scoped3A : memref<!tpu.dma_semaphore, #tpu.memory_space<semaphore_mem>>)
        %dma_wait3A = arith.constant 0 : i32
        %dma_wait3A_74 = tpu.memref_slice %arg6[%scan3A_66, %dma_wait3A] : memref<80x64xi32, #tpu.memory_space<vmem>> -> memref<1x64xi32, #tpu.memory_space<vmem>>
        %dma_wait3A_75 = tpu.memref_squeeze %dma_wait3A_74 : memref<1x64xi32, #tpu.memory_space<vmem>> -> memref<64xi32, #tpu.memory_space<vmem>>
        %dma_wait3A_76 = arith.constant 0 : i32
        %dma_wait3A_77 = arith.constant 0 : i32
        %dma_wait3A_78 = tpu.memref_slice %arg2[%dma_wait3A_76, %dma_wait3A_77] : memref<10240x128xf32, #tpu.memory_space<hbm>> -> memref<10240x128xf32, #tpu.memory_space<hbm>>
        tpu.wait_indirect_dma semaphore(%run_scoped3A : memref<!tpu.dma_semaphore, #tpu.memory_space<semaphore_mem>>) src(%dma_wait3A_78 : memref<10240x128xf32, #tpu.memory_space<hbm>>) dst(%arg8 : memref<64x128xf32, #tpu.memory_space<vmem>>)
        tpu.yield
      }) : () -> ()
      "tpu.region"() ({
        %run_scoped3A = tpu.sem_alloc : memref<!tpu.dma_semaphore, #tpu.memory_space<semaphore_mem>>
        %dma_start3A = arith.constant 0 : i32
        %dma_start3A_69 = tpu.memref_slice %arg7[%scan3A_66, %dma_start3A] : memref<80x64xi32, #tpu.memory_space<vmem>> -> memref<1x64xi32, #tpu.memory_space<vmem>>
        %dma_start3A_70 = tpu.memref_squeeze %dma_start3A_69 : memref<1x64xi32, #tpu.memory_space<vmem>> -> memref<64xi32, #tpu.memory_space<vmem>>
        %dma_start3A_71 = arith.constant 0 : i32
        %dma_start3A_72 = arith.constant 0 : i32
        %dma_start3A_73 = tpu.memref_slice %arg9[%dma_start3A_71, %dma_start3A_72] : memref<10240x128xf32, #tpu.memory_space<vmem_shared>> -> memref<10240x128xf32, #tpu.memory_space<vmem_shared>>
        tpu.enqueue_indirect_dma source(%arg8 : memref<64x128xf32, #tpu.memory_space<vmem>>) target(%dma_start3A_73 : memref<10240x128xf32, #tpu.memory_space<vmem_shared>>) offsets(%dma_start3A_70 : memref<64xi32, #tpu.memory_space<vmem>>) semaphore(%run_scoped3A : memref<!tpu.dma_semaphore, #tpu.memory_space<semaphore_mem>>) {add = true}
        %dma_wait3A = arith.constant 0 : i32
        %dma_wait3A_74 = tpu.memref_slice %arg7[%scan3A_66, %dma_wait3A] : memref<80x64xi32, #tpu.memory_space<vmem>> -> memref<1x64xi32, #tpu.memory_space<vmem>>
        %dma_wait3A_75 = tpu.memref_squeeze %dma_wait3A_74 : memref<1x64xi32, #tpu.memory_space<vmem>> -> memref<64xi32, #tpu.memory_space<vmem>>
        %dma_wait3A_76 = arith.constant 0 : i32
        %dma_wait3A_77 = arith.constant 0 : i32
        %dma_wait3A_78 = tpu.memref_slice %arg9[%dma_wait3A_76, %dma_wait3A_77] : memref<10240x128xf32, #tpu.memory_space<vmem_shared>> -> memref<10240x128xf32, #tpu.memory_space<vmem_shared>>
        tpu.wait_indirect_dma semaphore(%run_scoped3A : memref<!tpu.dma_semaphore, #tpu.memory_space<semaphore_mem>>) src(%arg8 : memref<64x128xf32, #tpu.memory_space<vmem>>) dst(%dma_wait3A_78 : memref<10240x128xf32, #tpu.memory_space<vmem_shared>>)
        tpu.yield
      }) : () -> ()
      %scan3A_68 = arith.constant 0 : i32
      scf.yield %scan3A_68 : i32
    }
    %scan3A_60 = arith.constant 80 : i32
    %barrier3A_61 = arith.constant 0 : index
    tpu.barrier barrier_id(%barrier3A_61)
    %mul3A_62 = arith.constant 640 : i32
    %mul3A_63 = arith.muli %arg1, %mul3A_62 : i32
    %mul3A_64 = arith.constant 640 : i32
    %mul3A_65 = arith.muli %arg1, %mul3A_64 : i32
    "tpu.region"() ({
      %run_scoped3A = tpu.sem_alloc : memref<!tpu.dma_semaphore, #tpu.memory_space<semaphore_mem>>
      %dma_start3A = arith.constant 0 : i32
      %dma_start3A_66 = tpu.memref_slice %arg5[%arg0, %mul3A_65, %dma_start3A] : memref<2x10240x128xf32, #tpu.memory_space<hbm>> -> memref<1x640x128xf32, #tpu.memory_space<hbm>>
      %dma_start3A_67 = tpu.memref_squeeze %dma_start3A_66 : memref<1x640x128xf32, #tpu.memory_space<hbm>> -> memref<640x128xf32, #tpu.memory_space<hbm>>
      %dma_start3A_68 = arith.constant 0 : i32
      %dma_start3A_69 = tpu.memref_slice %arg9[%mul3A_63, %dma_start3A_68] : memref<10240x128xf32, #tpu.memory_space<vmem_shared>> -> memref<640x128xf32, #tpu.memory_space<vmem_shared>>
      tpu.enqueue_dma source(%dma_start3A_69 : memref<640x128xf32, #tpu.memory_space<vmem_shared>>) target(%dma_start3A_67 : memref<640x128xf32, #tpu.memory_space<hbm>>) target_semaphore(%run_scoped3A : memref<!tpu.dma_semaphore, #tpu.memory_space<semaphore_mem>>)
      %dma_wait3A = arith.constant 0 : i32
      %dma_wait3A_70 = tpu.memref_slice %arg5[%arg0, %mul3A_65, %dma_wait3A] : memref<2x10240x128xf32, #tpu.memory_space<hbm>> -> memref<1x640x128xf32, #tpu.memory_space<hbm>>
      %dma_wait3A_71 = tpu.memref_squeeze %dma_wait3A_70 : memref<1x640x128xf32, #tpu.memory_space<hbm>> -> memref<640x128xf32, #tpu.memory_space<hbm>>
      %dma_wait3A_72 = arith.constant 0 : i32
      %dma_wait3A_73 = tpu.memref_slice %arg9[%mul3A_63, %dma_wait3A_72] : memref<10240x128xf32, #tpu.memory_space<vmem_shared>> -> memref<640x128xf32, #tpu.memory_space<vmem_shared>>
      tpu.wait_dma2 semaphore(%run_scoped3A : memref<!tpu.dma_semaphore, #tpu.memory_space<semaphore_mem>>) src(%dma_wait3A_73 : memref<640x128xf32, #tpu.memory_space<vmem_shared>>) dst(%dma_wait3A_71 : memref<640x128xf32, #tpu.memory_space<hbm>>)
      tpu.yield
    }) : () -> ()
    return
  }
}

#map = affine_map<(d0, d1) -> (0, 0)>
#map1 = affine_map<(d0, d1) -> (0, 0, 0)>
module attributes {stable_mosaic.version = 14 : i64} {
  func.func @_sc_hop_body(%arg0: i32, %arg1: i32, %arg2: memref<10240x128xf32, #tpu.memory_space<hbm>>, %arg3: memref<32x160x64xi32, #tpu.memory_space<hbm>>, %arg4: memref<32x160x64xi32, #tpu.memory_space<hbm>>, %arg5: memref<2x10240x128xf32, #tpu.memory_space<hbm>>, %arg6: memref<80x64xi32, #tpu.memory_space<vmem>>, %arg7: memref<80x64xi32, #tpu.memory_space<vmem>>, %arg8: memref<64x128xf32, #tpu.memory_space<vmem>>, %arg9: memref<10240x128xf32, #tpu.memory_space<vmem_shared>>) attributes {dimension_semantics = [#tpu.dimension_semantics<core_parallel>, #tpu.dimension_semantics<subcore_parallel>], iteration_bounds = array<i64: 2, 16>, scalar_prefetch = 0 : i64, scratch_operands = 4 : i64, tpu.core_type = #tpu.core_type<sc_vector_subcore>, window_params = [{transform_indices = #map}, {transform_indices = #map1}, {transform_indices = #map1}, {transform_indices = #map1}]} {
    %mul3A = arith.constant 16 : i32
    %mul3A_0 = arith.muli %arg0, %mul3A : i32
    %add3A = arith.addi %mul3A_0, %arg1 : i32
    %scan3A = arith.constant 0 : i32
    %scan3A_1 = arith.constant 0 : i32
    %scan3A_2 = arith.constant 512 : i32
    %scan3A_3 = arith.addi %scan3A_1, %scan3A_2 : i32
    %scan3A_4 = arith.constant 1 : i32
    %scan3A_5 = scf.for %scan3A_66 = %scan3A_1 to %scan3A_3 step %scan3A_4 iter_args(%scan3A_67 = %scan3A) -> (i32)  : i32 {
      %jit3A = arith.constant 8 : i32
      %div3A = arith.divsi %scan3A_66, %jit3A : i32
      %sign3A = arith.constant 0 : i32
      %sign3A_68 = arith.cmpi sgt, %scan3A_66, %sign3A : i32
      %sign3A_69 = arith.extui %sign3A_68 : i1 to i32
      %sign3A_70 = arith.constant 0 : i32
      %sign3A_71 = arith.cmpi slt, %scan3A_66, %sign3A_70 : i32
      %sign3A_72 = arith.extui %sign3A_71 : i1 to i32
      %sign3A_73 = arith.subi %sign3A_69, %sign3A_72 : i32
      %sign3A_74 = arith.constant 0 : i32
      %sign3A_75 = arith.cmpi sgt, %jit3A, %sign3A_74 : i32
      %sign3A_76 = arith.extui %sign3A_75 : i1 to i32
      %sign3A_77 = arith.constant 0 : i32
      %sign3A_78 = arith.cmpi slt, %jit3A, %sign3A_77 : i32
      %sign3A_79 = arith.extui %sign3A_78 : i1 to i32
      %sign3A_80 = arith.subi %sign3A_76, %sign3A_79 : i32
      %ne3A = arith.cmpi ne, %sign3A_73, %sign3A_80 : i32
      %rem3A = arith.remsi %scan3A_66, %jit3A : i32
      %ne3A_81 = arith.constant 0 : i32
      %ne3A_82 = arith.cmpi ne, %rem3A, %ne3A_81 : i32
      %and3A = arith.andi %ne3A, %ne3A_82 : i1
      %sub3A = arith.constant 1 : i32
      %sub3A_83 = arith.subi %div3A, %sub3A : i32
      %select_n3A = arith.select %and3A, %sub3A_83, %div3A : i32
      %jit3A_84 = arith.constant 8 : i32
      %eq3A = arith.constant 0 : i32
      %eq3A_85 = arith.cmpi eq, %jit3A_84, %eq3A : i32
      %jit3A_86 = arith.constant 1 : i32
      %select_n3A_87 = arith.select %eq3A_85, %jit3A_86, %jit3A_84 : i32
      %rem3A_88 = arith.remsi %scan3A_66, %select_n3A_87 : i32
      %ne3A_89 = arith.constant 0 : i32
      %ne3A_90 = arith.cmpi ne, %rem3A_88, %ne3A_89 : i32
      %lt3A = arith.constant 0 : i32
      %lt3A_91 = arith.cmpi slt, %rem3A_88, %lt3A : i32
      %lt3A_92 = arith.constant 0 : i32
      %lt3A_93 = arith.cmpi slt, %select_n3A_87, %lt3A_92 : i32
      %ne3A_94 = arith.xori %lt3A_91, %lt3A_93 : i1
      %and3A_95 = arith.andi %ne3A_94, %ne3A_90 : i1
      %add3A_96 = arith.addi %rem3A_88, %select_n3A_87 : i32
      %select_n3A_97 = arith.select %and3A_95, %add3A_96, %rem3A_88 : i32
      %broadcast_in_dim3A = arith.constant 0.000000e+00 : f32
      %broadcast_in_dim3A_98 = vector.broadcast %broadcast_in_dim3A : f32 to vector<16xf32>
      %mul3A_99 = arith.constant 16 : i32
      %mul3A_100 = arith.muli %select_n3A_97, %mul3A_99 : i32
      %swap3A = arith.index_cast %select_n3A : i32 to index
      %swap3A_101 = arith.index_cast %mul3A_100 : i32 to index
      %swap3A_102 = tpu.vector_load %arg8[%swap3A, %swap3A_101] {strides = array<i32>} : memref<64x128xf32, #tpu.memory_space<vmem>>, vector<1x16xf32>,
      %swap3A_103 = vector.shape_cast %swap3A_102 : vector<1x16xf32> to vector<16xf32>
      %swap3A_104 = vector.shape_cast %broadcast_in_dim3A_98 : vector<16xf32> to vector<1x16xf32>
      tpu.vector_store %arg8[%swap3A, %swap3A_101], %swap3A_104 {strides = array<i32>} : memref<64x128xf32, #tpu.memory_space<vmem>>, vector<1x16xf32>,
      %scan3A_105 = arith.constant 0 : i32
      scf.yield %scan3A_105 : i32
    }
    %scan3A_6 = arith.constant 512 : i32
    %mul3A_7 = arith.constant 640 : i32
    %mul3A_8 = arith.muli %arg1, %mul3A_7 : i32
    %add3A_9 = arith.constant 0 : i32
    %add3A_10 = arith.addi %mul3A_8, %add3A_9 : i32
    "tpu.region"() ({
      %run_scoped3A = tpu.sem_alloc : memref<!tpu.dma_semaphore, #tpu.memory_space<semaphore_mem>>
      %dma_start3A = arith.constant 0 : i32
      %dma_start3A_66 = tpu.memref_slice %arg9[%add3A_10, %dma_start3A] : memref<10240x128xf32, #tpu.memory_space<vmem_shared>> -> memref<64x128xf32, #tpu.memory_space<vmem_shared>>
      %dma_start3A_67 = arith.constant 0 : i32
      %dma_start3A_68 = tpu.memref_slice %arg9[%add3A_10, %dma_start3A_67] : memref<10240x128xf32, #tpu.memory_space<vmem_shared>> -> memref<64x128xf32, #tpu.memory_space<vmem_shared>>
      tpu.enqueue_dma source(%arg8 : memref<64x128xf32, #tpu.memory_space<vmem>>) target(%dma_start3A_68 : memref<64x128xf32, #tpu.memory_space<vmem_shared>>) target_semaphore(%run_scoped3A : memref<!tpu.dma_semaphore, #tpu.memory_space<semaphore_mem>>)
      %dma_wait3A = arith.constant 0 : i32
      %dma_wait3A_69 = tpu.memref_slice %arg9[%add3A_10, %dma_wait3A] : memref<10240x128xf32, #tpu.memory_space<vmem_shared>> -> memref<64x128xf32, #tpu.memory_space<vmem_shared>>
      %dma_wait3A_70 = arith.constant 0 : i32
      %dma_wait3A_71 = tpu.memref_slice %arg9[%add3A_10, %dma_wait3A_70] : memref<10240x128xf32, #tpu.memory_space<vmem_shared>> -> memref<64x128xf32, #tpu.memory_space<vmem_shared>>
      tpu.wait_dma2 semaphore(%run_scoped3A : memref<!tpu.dma_semaphore, #tpu.memory_space<semaphore_mem>>) src(%arg8 : memref<64x128xf32, #tpu.memory_space<vmem>>) dst(%dma_wait3A_71 : memref<64x128xf32, #tpu.memory_space<vmem_shared>>)
      tpu.yield
    }) : () -> ()
    %mul3A_11 = arith.constant 640 : i32
    %mul3A_12 = arith.muli %arg1, %mul3A_11 : i32
    %add3A_13 = arith.constant 64 : i32
    %add3A_14 = arith.addi %mul3A_12, %add3A_13 : i32
    "tpu.region"() ({
      %run_scoped3A = tpu.sem_alloc : memref<!tpu.dma_semaphore, #tpu.memory_space<semaphore_mem>>
      %dma_start3A = arith.constant 0 : i32
      %dma_start3A_66 = tpu.memref_slice %arg9[%add3A_14, %dma_start3A] : memref<10240x128xf32, #tpu.memory_space<vmem_shared>> -> memref<64x128xf32, #tpu.memory_space<vmem_shared>>
      %dma_start3A_67 = arith.constant 0 : i32
      %dma_start3A_68 = tpu.memref_slice %arg9[%add3A_14, %dma_start3A_67] : memref<10240x128xf32, #tpu.memory_space<vmem_shared>> -> memref<64x128xf32, #tpu.memory_space<vmem_shared>>
      tpu.enqueue_dma source(%arg8 : memref<64x128xf32, #tpu.memory_space<vmem>>) target(%dma_start3A_68 : memref<64x128xf32, #tpu.memory_space<vmem_shared>>) target_semaphore(%run_scoped3A : memref<!tpu.dma_semaphore, #tpu.memory_space<semaphore_mem>>)
      %dma_wait3A = arith.constant 0 : i32
      %dma_wait3A_69 = tpu.memref_slice %arg9[%add3A_14, %dma_wait3A] : memref<10240x128xf32, #tpu.memory_space<vmem_shared>> -> memref<64x128xf32, #tpu.memory_space<vmem_shared>>
      %dma_wait3A_70 = arith.constant 0 : i32
      %dma_wait3A_71 = tpu.memref_slice %arg9[%add3A_14, %dma_wait3A_70] : memref<10240x128xf32, #tpu.memory_space<vmem_shared>> -> memref<64x128xf32, #tpu.memory_space<vmem_shared>>
      tpu.wait_dma2 semaphore(%run_scoped3A : memref<!tpu.dma_semaphore, #tpu.memory_space<semaphore_mem>>) src(%arg8 : memref<64x128xf32, #tpu.memory_space<vmem>>) dst(%dma_wait3A_71 : memref<64x128xf32, #tpu.memory_space<vmem_shared>>)
      tpu.yield
    }) : () -> ()
    %mul3A_15 = arith.constant 640 : i32
    %mul3A_16 = arith.muli %arg1, %mul3A_15 : i32
    %add3A_17 = arith.constant 128 : i32
    %add3A_18 = arith.addi %mul3A_16, %add3A_17 : i32
    "tpu.region"() ({
      %run_scoped3A = tpu.sem_alloc : memref<!tpu.dma_semaphore, #tpu.memory_space<semaphore_mem>>
      %dma_start3A = arith.constant 0 : i32
      %dma_start3A_66 = tpu.memref_slice %arg9[%add3A_18, %dma_start3A] : memref<10240x128xf32, #tpu.memory_space<vmem_shared>> -> memref<64x128xf32, #tpu.memory_space<vmem_shared>>
      %dma_start3A_67 = arith.constant 0 : i32
      %dma_start3A_68 = tpu.memref_slice %arg9[%add3A_18, %dma_start3A_67] : memref<10240x128xf32, #tpu.memory_space<vmem_shared>> -> memref<64x128xf32, #tpu.memory_space<vmem_shared>>
      tpu.enqueue_dma source(%arg8 : memref<64x128xf32, #tpu.memory_space<vmem>>) target(%dma_start3A_68 : memref<64x128xf32, #tpu.memory_space<vmem_shared>>) target_semaphore(%run_scoped3A : memref<!tpu.dma_semaphore, #tpu.memory_space<semaphore_mem>>)
      %dma_wait3A = arith.constant 0 : i32
      %dma_wait3A_69 = tpu.memref_slice %arg9[%add3A_18, %dma_wait3A] : memref<10240x128xf32, #tpu.memory_space<vmem_shared>> -> memref<64x128xf32, #tpu.memory_space<vmem_shared>>
      %dma_wait3A_70 = arith.constant 0 : i32
      %dma_wait3A_71 = tpu.memref_slice %arg9[%add3A_18, %dma_wait3A_70] : memref<10240x128xf32, #tpu.memory_space<vmem_shared>> -> memref<64x128xf32, #tpu.memory_space<vmem_shared>>
      tpu.wait_dma2 semaphore(%run_scoped3A : memref<!tpu.dma_semaphore, #tpu.memory_space<semaphore_mem>>) src(%arg8 : memref<64x128xf32, #tpu.memory_space<vmem>>) dst(%dma_wait3A_71 : memref<64x128xf32, #tpu.memory_space<vmem_shared>>)
      tpu.yield
    }) : () -> ()
    %mul3A_19 = arith.constant 640 : i32
    %mul3A_20 = arith.muli %arg1, %mul3A_19 : i32
    %add3A_21 = arith.constant 192 : i32
    %add3A_22 = arith.addi %mul3A_20, %add3A_21 : i32
    "tpu.region"() ({
      %run_scoped3A = tpu.sem_alloc : memref<!tpu.dma_semaphore, #tpu.memory_space<semaphore_mem>>
      %dma_start3A = arith.constant 0 : i32
      %dma_start3A_66 = tpu.memref_slice %arg9[%add3A_22, %dma_start3A] : memref<10240x128xf32, #tpu.memory_space<vmem_shared>> -> memref<64x128xf32, #tpu.memory_space<vmem_shared>>
      %dma_start3A_67 = arith.constant 0 : i32
      %dma_start3A_68 = tpu.memref_slice %arg9[%add3A_22, %dma_start3A_67] : memref<10240x128xf32, #tpu.memory_space<vmem_shared>> -> memref<64x128xf32, #tpu.memory_space<vmem_shared>>
      tpu.enqueue_dma source(%arg8 : memref<64x128xf32, #tpu.memory_space<vmem>>) target(%dma_start3A_68 : memref<64x128xf32, #tpu.memory_space<vmem_shared>>) target_semaphore(%run_scoped3A : memref<!tpu.dma_semaphore, #tpu.memory_space<semaphore_mem>>)
      %dma_wait3A = arith.constant 0 : i32
      %dma_wait3A_69 = tpu.memref_slice %arg9[%add3A_22, %dma_wait3A] : memref<10240x128xf32, #tpu.memory_space<vmem_shared>> -> memref<64x128xf32, #tpu.memory_space<vmem_shared>>
      %dma_wait3A_70 = arith.constant 0 : i32
      %dma_wait3A_71 = tpu.memref_slice %arg9[%add3A_22, %dma_wait3A_70] : memref<10240x128xf32, #tpu.memory_space<vmem_shared>> -> memref<64x128xf32, #tpu.memory_space<vmem_shared>>
      tpu.wait_dma2 semaphore(%run_scoped3A : memref<!tpu.dma_semaphore, #tpu.memory_space<semaphore_mem>>) src(%arg8 : memref<64x128xf32, #tpu.memory_space<vmem>>) dst(%dma_wait3A_71 : memref<64x128xf32, #tpu.memory_space<vmem_shared>>)
      tpu.yield
    }) : () -> ()
    %mul3A_23 = arith.constant 640 : i32
    %mul3A_24 = arith.muli %arg1, %mul3A_23 : i32
    %add3A_25 = arith.constant 256 : i32
    %add3A_26 = arith.addi %mul3A_24, %add3A_25 : i32
    "tpu.region"() ({
      %run_scoped3A = tpu.sem_alloc : memref<!tpu.dma_semaphore, #tpu.memory_space<semaphore_mem>>
      %dma_start3A = arith.constant 0 : i32
      %dma_start3A_66 = tpu.memref_slice %arg9[%add3A_26, %dma_start3A] : memref<10240x128xf32, #tpu.memory_space<vmem_shared>> -> memref<64x128xf32, #tpu.memory_space<vmem_shared>>
      %dma_start3A_67 = arith.constant 0 : i32
      %dma_start3A_68 = tpu.memref_slice %arg9[%add3A_26, %dma_start3A_67] : memref<10240x128xf32, #tpu.memory_space<vmem_shared>> -> memref<64x128xf32, #tpu.memory_space<vmem_shared>>
      tpu.enqueue_dma source(%arg8 : memref<64x128xf32, #tpu.memory_space<vmem>>) target(%dma_start3A_68 : memref<64x128xf32, #tpu.memory_space<vmem_shared>>) target_semaphore(%run_scoped3A : memref<!tpu.dma_semaphore, #tpu.memory_space<semaphore_mem>>)
      %dma_wait3A = arith.constant 0 : i32
      %dma_wait3A_69 = tpu.memref_slice %arg9[%add3A_26, %dma_wait3A] : memref<10240x128xf32, #tpu.memory_space<vmem_shared>> -> memref<64x128xf32, #tpu.memory_space<vmem_shared>>
      %dma_wait3A_70 = arith.constant 0 : i32
      %dma_wait3A_71 = tpu.memref_slice %arg9[%add3A_26, %dma_wait3A_70] : memref<10240x128xf32, #tpu.memory_space<vmem_shared>> -> memref<64x128xf32, #tpu.memory_space<vmem_shared>>
      tpu.wait_dma2 semaphore(%run_scoped3A : memref<!tpu.dma_semaphore, #tpu.memory_space<semaphore_mem>>) src(%arg8 : memref<64x128xf32, #tpu.memory_space<vmem>>) dst(%dma_wait3A_71 : memref<64x128xf32, #tpu.memory_space<vmem_shared>>)
      tpu.yield
    }) : () -> ()
    %mul3A_27 = arith.constant 640 : i32
    %mul3A_28 = arith.muli %arg1, %mul3A_27 : i32
    %add3A_29 = arith.constant 320 : i32
    %add3A_30 = arith.addi %mul3A_28, %add3A_29 : i32
    "tpu.region"() ({
      %run_scoped3A = tpu.sem_alloc : memref<!tpu.dma_semaphore, #tpu.memory_space<semaphore_mem>>
      %dma_start3A = arith.constant 0 : i32
      %dma_start3A_66 = tpu.memref_slice %arg9[%add3A_30, %dma_start3A] : memref<10240x128xf32, #tpu.memory_space<vmem_shared>> -> memref<64x128xf32, #tpu.memory_space<vmem_shared>>
      %dma_start3A_67 = arith.constant 0 : i32
      %dma_start3A_68 = tpu.memref_slice %arg9[%add3A_30, %dma_start3A_67] : memref<10240x128xf32, #tpu.memory_space<vmem_shared>> -> memref<64x128xf32, #tpu.memory_space<vmem_shared>>
      tpu.enqueue_dma source(%arg8 : memref<64x128xf32, #tpu.memory_space<vmem>>) target(%dma_start3A_68 : memref<64x128xf32, #tpu.memory_space<vmem_shared>>) target_semaphore(%run_scoped3A : memref<!tpu.dma_semaphore, #tpu.memory_space<semaphore_mem>>)
      %dma_wait3A = arith.constant 0 : i32
      %dma_wait3A_69 = tpu.memref_slice %arg9[%add3A_30, %dma_wait3A] : memref<10240x128xf32, #tpu.memory_space<vmem_shared>> -> memref<64x128xf32, #tpu.memory_space<vmem_shared>>
      %dma_wait3A_70 = arith.constant 0 : i32
      %dma_wait3A_71 = tpu.memref_slice %arg9[%add3A_30, %dma_wait3A_70] : memref<10240x128xf32, #tpu.memory_space<vmem_shared>> -> memref<64x128xf32, #tpu.memory_space<vmem_shared>>
      tpu.wait_dma2 semaphore(%run_scoped3A : memref<!tpu.dma_semaphore, #tpu.memory_space<semaphore_mem>>) src(%arg8 : memref<64x128xf32, #tpu.memory_space<vmem>>) dst(%dma_wait3A_71 : memref<64x128xf32, #tpu.memory_space<vmem_shared>>)
      tpu.yield
    }) : () -> ()
    %mul3A_31 = arith.constant 640 : i32
    %mul3A_32 = arith.muli %arg1, %mul3A_31 : i32
    %add3A_33 = arith.constant 384 : i32
    %add3A_34 = arith.addi %mul3A_32, %add3A_33 : i32
    "tpu.region"() ({
      %run_scoped3A = tpu.sem_alloc : memref<!tpu.dma_semaphore, #tpu.memory_space<semaphore_mem>>
      %dma_start3A = arith.constant 0 : i32
      %dma_start3A_66 = tpu.memref_slice %arg9[%add3A_34, %dma_start3A] : memref<10240x128xf32, #tpu.memory_space<vmem_shared>> -> memref<64x128xf32, #tpu.memory_space<vmem_shared>>
      %dma_start3A_67 = arith.constant 0 : i32
      %dma_start3A_68 = tpu.memref_slice %arg9[%add3A_34, %dma_start3A_67] : memref<10240x128xf32, #tpu.memory_space<vmem_shared>> -> memref<64x128xf32, #tpu.memory_space<vmem_shared>>
      tpu.enqueue_dma source(%arg8 : memref<64x128xf32, #tpu.memory_space<vmem>>) target(%dma_start3A_68 : memref<64x128xf32, #tpu.memory_space<vmem_shared>>) target_semaphore(%run_scoped3A : memref<!tpu.dma_semaphore, #tpu.memory_space<semaphore_mem>>)
      %dma_wait3A = arith.constant 0 : i32
      %dma_wait3A_69 = tpu.memref_slice %arg9[%add3A_34, %dma_wait3A] : memref<10240x128xf32, #tpu.memory_space<vmem_shared>> -> memref<64x128xf32, #tpu.memory_space<vmem_shared>>
      %dma_wait3A_70 = arith.constant 0 : i32
      %dma_wait3A_71 = tpu.memref_slice %arg9[%add3A_34, %dma_wait3A_70] : memref<10240x128xf32, #tpu.memory_space<vmem_shared>> -> memref<64x128xf32, #tpu.memory_space<vmem_shared>>
      tpu.wait_dma2 semaphore(%run_scoped3A : memref<!tpu.dma_semaphore, #tpu.memory_space<semaphore_mem>>) src(%arg8 : memref<64x128xf32, #tpu.memory_space<vmem>>) dst(%dma_wait3A_71 : memref<64x128xf32, #tpu.memory_space<vmem_shared>>)
      tpu.yield
    }) : () -> ()
    %mul3A_35 = arith.constant 640 : i32
    %mul3A_36 = arith.muli %arg1, %mul3A_35 : i32
    %add3A_37 = arith.constant 448 : i32
    %add3A_38 = arith.addi %mul3A_36, %add3A_37 : i32
    "tpu.region"() ({
      %run_scoped3A = tpu.sem_alloc : memref<!tpu.dma_semaphore, #tpu.memory_space<semaphore_mem>>
      %dma_start3A = arith.constant 0 : i32
      %dma_start3A_66 = tpu.memref_slice %arg9[%add3A_38, %dma_start3A] : memref<10240x128xf32, #tpu.memory_space<vmem_shared>> -> memref<64x128xf32, #tpu.memory_space<vmem_shared>>
      %dma_start3A_67 = arith.constant 0 : i32
      %dma_start3A_68 = tpu.memref_slice %arg9[%add3A_38, %dma_start3A_67] : memref<10240x128xf32, #tpu.memory_space<vmem_shared>> -> memref<64x128xf32, #tpu.memory_space<vmem_shared>>
      tpu.enqueue_dma source(%arg8 : memref<64x128xf32, #tpu.memory_space<vmem>>) target(%dma_start3A_68 : memref<64x128xf32, #tpu.memory_space<vmem_shared>>) target_semaphore(%run_scoped3A : memref<!tpu.dma_semaphore, #tpu.memory_space<semaphore_mem>>)
      %dma_wait3A = arith.constant 0 : i32
      %dma_wait3A_69 = tpu.memref_slice %arg9[%add3A_38, %dma_wait3A] : memref<10240x128xf32, #tpu.memory_space<vmem_shared>> -> memref<64x128xf32, #tpu.memory_space<vmem_shared>>
      %dma_wait3A_70 = arith.constant 0 : i32
      %dma_wait3A_71 = tpu.memref_slice %arg9[%add3A_38, %dma_wait3A_70] : memref<10240x128xf32, #tpu.memory_space<vmem_shared>> -> memref<64x128xf32, #tpu.memory_space<vmem_shared>>
      tpu.wait_dma2 semaphore(%run_scoped3A : memref<!tpu.dma_semaphore, #tpu.memory_space<semaphore_mem>>) src(%arg8 : memref<64x128xf32, #tpu.memory_space<vmem>>) dst(%dma_wait3A_71 : memref<64x128xf32, #tpu.memory_space<vmem_shared>>)
      tpu.yield
    }) : () -> ()
    %mul3A_39 = arith.constant 640 : i32
    %mul3A_40 = arith.muli %arg1, %mul3A_39 : i32
    %add3A_41 = arith.constant 512 : i32
    %add3A_42 = arith.addi %mul3A_40, %add3A_41 : i32
    "tpu.region"() ({
      %run_scoped3A = tpu.sem_alloc : memref<!tpu.dma_semaphore, #tpu.memory_space<semaphore_mem>>
      %dma_start3A = arith.constant 0 : i32
      %dma_start3A_66 = tpu.memref_slice %arg9[%add3A_42, %dma_start3A] : memref<10240x128xf32, #tpu.memory_space<vmem_shared>> -> memref<64x128xf32, #tpu.memory_space<vmem_shared>>
      %dma_start3A_67 = arith.constant 0 : i32
      %dma_start3A_68 = tpu.memref_slice %arg9[%add3A_42, %dma_start3A_67] : memref<10240x128xf32, #tpu.memory_space<vmem_shared>> -> memref<64x128xf32, #tpu.memory_space<vmem_shared>>
      tpu.enqueue_dma source(%arg8 : memref<64x128xf32, #tpu.memory_space<vmem>>) target(%dma_start3A_68 : memref<64x128xf32, #tpu.memory_space<vmem_shared>>) target_semaphore(%run_scoped3A : memref<!tpu.dma_semaphore, #tpu.memory_space<semaphore_mem>>)
      %dma_wait3A = arith.constant 0 : i32
      %dma_wait3A_69 = tpu.memref_slice %arg9[%add3A_42, %dma_wait3A] : memref<10240x128xf32, #tpu.memory_space<vmem_shared>> -> memref<64x128xf32, #tpu.memory_space<vmem_shared>>
      %dma_wait3A_70 = arith.constant 0 : i32
      %dma_wait3A_71 = tpu.memref_slice %arg9[%add3A_42, %dma_wait3A_70] : memref<10240x128xf32, #tpu.memory_space<vmem_shared>> -> memref<64x128xf32, #tpu.memory_space<vmem_shared>>
      tpu.wait_dma2 semaphore(%run_scoped3A : memref<!tpu.dma_semaphore, #tpu.memory_space<semaphore_mem>>) src(%arg8 : memref<64x128xf32, #tpu.memory_space<vmem>>) dst(%dma_wait3A_71 : memref<64x128xf32, #tpu.memory_space<vmem_shared>>)
      tpu.yield
    }) : () -> ()
    %mul3A_43 = arith.constant 640 : i32
    %mul3A_44 = arith.muli %arg1, %mul3A_43 : i32
    %add3A_45 = arith.constant 576 : i32
    %add3A_46 = arith.addi %mul3A_44, %add3A_45 : i32
    "tpu.region"() ({
      %run_scoped3A = tpu.sem_alloc : memref<!tpu.dma_semaphore, #tpu.memory_space<semaphore_mem>>
      %dma_start3A = arith.constant 0 : i32
      %dma_start3A_66 = tpu.memref_slice %arg9[%add3A_46, %dma_start3A] : memref<10240x128xf32, #tpu.memory_space<vmem_shared>> -> memref<64x128xf32, #tpu.memory_space<vmem_shared>>
      %dma_start3A_67 = arith.constant 0 : i32
      %dma_start3A_68 = tpu.memref_slice %arg9[%add3A_46, %dma_start3A_67] : memref<10240x128xf32, #tpu.memory_space<vmem_shared>> -> memref<64x128xf32, #tpu.memory_space<vmem_shared>>
      tpu.enqueue_dma source(%arg8 : memref<64x128xf32, #tpu.memory_space<vmem>>) target(%dma_start3A_68 : memref<64x128xf32, #tpu.memory_space<vmem_shared>>) target_semaphore(%run_scoped3A : memref<!tpu.dma_semaphore, #tpu.memory_space<semaphore_mem>>)
      %dma_wait3A = arith.constant 0 : i32
      %dma_wait3A_69 = tpu.memref_slice %arg9[%add3A_46, %dma_wait3A] : memref<10240x128xf32, #tpu.memory_space<vmem_shared>> -> memref<64x128xf32, #tpu.memory_space<vmem_shared>>
      %dma_wait3A_70 = arith.constant 0 : i32
      %dma_wait3A_71 = tpu.memref_slice %arg9[%add3A_46, %dma_wait3A_70] : memref<10240x128xf32, #tpu.memory_space<vmem_shared>> -> memref<64x128xf32, #tpu.memory_space<vmem_shared>>
      tpu.wait_dma2 semaphore(%run_scoped3A : memref<!tpu.dma_semaphore, #tpu.memory_space<semaphore_mem>>) src(%arg8 : memref<64x128xf32, #tpu.memory_space<vmem>>) dst(%dma_wait3A_71 : memref<64x128xf32, #tpu.memory_space<vmem_shared>>)
      tpu.yield
    }) : () -> ()
    "tpu.region"() ({
      %run_scoped3A = tpu.sem_alloc : memref<!tpu.dma_semaphore, #tpu.memory_space<semaphore_mem>>
      %dma_start3A = arith.constant 0 : i32
      %dma_start3A_66 = arith.constant 0 : i32
      %dma_start3A_67 = tpu.memref_slice %arg3[%add3A, %dma_start3A, %dma_start3A_66] : memref<32x160x64xi32, #tpu.memory_space<hbm>> -> memref<1x80x64xi32, #tpu.memory_space<hbm>>
      %dma_start3A_68 = tpu.memref_squeeze %dma_start3A_67 : memref<1x80x64xi32, #tpu.memory_space<hbm>> -> memref<80x64xi32, #tpu.memory_space<hbm>>
      %dma_start3A_69 = arith.constant 0 : i32
      %dma_start3A_70 = arith.constant 0 : i32
      %dma_start3A_71 = tpu.memref_slice %arg3[%add3A, %dma_start3A_69, %dma_start3A_70] : memref<32x160x64xi32, #tpu.memory_space<hbm>> -> memref<1x80x64xi32, #tpu.memory_space<hbm>>
      %dma_start3A_72 = tpu.memref_squeeze %dma_start3A_71 : memref<1x80x64xi32, #tpu.memory_space<hbm>> -> memref<80x64xi32, #tpu.memory_space<hbm>>
      tpu.enqueue_dma source(%dma_start3A_72 : memref<80x64xi32, #tpu.memory_space<hbm>>) target(%arg6 : memref<80x64xi32, #tpu.memory_space<vmem>>) target_semaphore(%run_scoped3A : memref<!tpu.dma_semaphore, #tpu.memory_space<semaphore_mem>>)
      %dma_wait3A = arith.constant 0 : i32
      %dma_wait3A_73 = arith.constant 0 : i32
      %dma_wait3A_74 = tpu.memref_slice %arg3[%add3A, %dma_wait3A, %dma_wait3A_73] : memref<32x160x64xi32, #tpu.memory_space<hbm>> -> memref<1x80x64xi32, #tpu.memory_space<hbm>>
      %dma_wait3A_75 = tpu.memref_squeeze %dma_wait3A_74 : memref<1x80x64xi32, #tpu.memory_space<hbm>> -> memref<80x64xi32, #tpu.memory_space<hbm>>
      %dma_wait3A_76 = arith.constant 0 : i32
      %dma_wait3A_77 = arith.constant 0 : i32
      %dma_wait3A_78 = tpu.memref_slice %arg3[%add3A, %dma_wait3A_76, %dma_wait3A_77] : memref<32x160x64xi32, #tpu.memory_space<hbm>> -> memref<1x80x64xi32, #tpu.memory_space<hbm>>
      %dma_wait3A_79 = tpu.memref_squeeze %dma_wait3A_78 : memref<1x80x64xi32, #tpu.memory_space<hbm>> -> memref<80x64xi32, #tpu.memory_space<hbm>>
      tpu.wait_dma2 semaphore(%run_scoped3A : memref<!tpu.dma_semaphore, #tpu.memory_space<semaphore_mem>>) src(%dma_wait3A_79 : memref<80x64xi32, #tpu.memory_space<hbm>>) dst(%arg6 : memref<80x64xi32, #tpu.memory_space<vmem>>)
      tpu.yield
    }) : () -> ()
    "tpu.region"() ({
      %run_scoped3A = tpu.sem_alloc : memref<!tpu.dma_semaphore, #tpu.memory_space<semaphore_mem>>
      %dma_start3A = arith.constant 0 : i32
      %dma_start3A_66 = arith.constant 0 : i32
      %dma_start3A_67 = tpu.memref_slice %arg4[%add3A, %dma_start3A, %dma_start3A_66] : memref<32x160x64xi32, #tpu.memory_space<hbm>> -> memref<1x80x64xi32, #tpu.memory_space<hbm>>
      %dma_start3A_68 = tpu.memref_squeeze %dma_start3A_67 : memref<1x80x64xi32, #tpu.memory_space<hbm>> -> memref<80x64xi32, #tpu.memory_space<hbm>>
      %dma_start3A_69 = arith.constant 0 : i32
      %dma_start3A_70 = arith.constant 0 : i32
      %dma_start3A_71 = tpu.memref_slice %arg4[%add3A, %dma_start3A_69, %dma_start3A_70] : memref<32x160x64xi32, #tpu.memory_space<hbm>> -> memref<1x80x64xi32, #tpu.memory_space<hbm>>
      %dma_start3A_72 = tpu.memref_squeeze %dma_start3A_71 : memref<1x80x64xi32, #tpu.memory_space<hbm>> -> memref<80x64xi32, #tpu.memory_space<hbm>>
      tpu.enqueue_dma source(%dma_start3A_72 : memref<80x64xi32, #tpu.memory_space<hbm>>) target(%arg7 : memref<80x64xi32, #tpu.memory_space<vmem>>) target_semaphore(%run_scoped3A : memref<!tpu.dma_semaphore, #tpu.memory_space<semaphore_mem>>)
      %dma_wait3A = arith.constant 0 : i32
      %dma_wait3A_73 = arith.constant 0 : i32
      %dma_wait3A_74 = tpu.memref_slice %arg4[%add3A, %dma_wait3A, %dma_wait3A_73] : memref<32x160x64xi32, #tpu.memory_space<hbm>> -> memref<1x80x64xi32, #tpu.memory_space<hbm>>
      %dma_wait3A_75 = tpu.memref_squeeze %dma_wait3A_74 : memref<1x80x64xi32, #tpu.memory_space<hbm>> -> memref<80x64xi32, #tpu.memory_space<hbm>>
      %dma_wait3A_76 = arith.constant 0 : i32
      %dma_wait3A_77 = arith.constant 0 : i32
      %dma_wait3A_78 = tpu.memref_slice %arg4[%add3A, %dma_wait3A_76, %dma_wait3A_77] : memref<32x160x64xi32, #tpu.memory_space<hbm>> -> memref<1x80x64xi32, #tpu.memory_space<hbm>>
      %dma_wait3A_79 = tpu.memref_squeeze %dma_wait3A_78 : memref<1x80x64xi32, #tpu.memory_space<hbm>> -> memref<80x64xi32, #tpu.memory_space<hbm>>
      tpu.wait_dma2 semaphore(%run_scoped3A : memref<!tpu.dma_semaphore, #tpu.memory_space<semaphore_mem>>) src(%dma_wait3A_79 : memref<80x64xi32, #tpu.memory_space<hbm>>) dst(%arg7 : memref<80x64xi32, #tpu.memory_space<vmem>>)
      tpu.yield
    }) : () -> ()
    %barrier3A = arith.constant 0 : index
    tpu.barrier barrier_id(%barrier3A)
    %scan3A_47 = arith.constant 0 : i32
    %scan3A_48 = arith.constant 0 : i32
    %scan3A_49 = arith.constant 80 : i32
    %scan3A_50 = arith.addi %scan3A_48, %scan3A_49 : i32
    %scan3A_51 = arith.constant 1 : i32
    %scan3A_52 = scf.for %scan3A_66 = %scan3A_48 to %scan3A_50 step %scan3A_51 iter_args(%scan3A_67 = %scan3A_47) -> (i32)  : i32 {
      "tpu.region"() ({
        %run_scoped3A = tpu.sem_alloc : memref<!tpu.dma_semaphore, #tpu.memory_space<semaphore_mem>>
        %dma_start3A = arith.constant 0 : i32
        %dma_start3A_69 = tpu.memref_slice %arg6[%scan3A_66, %dma_start3A] : memref<80x64xi32, #tpu.memory_space<vmem>> -> memref<1x64xi32, #tpu.memory_space<vmem>>
        %dma_start3A_70 = tpu.memref_squeeze %dma_start3A_69 : memref<1x64xi32, #tpu.memory_space<vmem>> -> memref<64xi32, #tpu.memory_space<vmem>>
        %dma_start3A_71 = arith.constant 0 : i32
        %dma_start3A_72 = arith.constant 0 : i32
        %dma_start3A_73 = tpu.memref_slice %arg2[%dma_start3A_71, %dma_start3A_72] : memref<10240x128xf32, #tpu.memory_space<hbm>> -> memref<10240x128xf32, #tpu.memory_space<hbm>>
        tpu.enqueue_indirect_dma source(%dma_start3A_73 : memref<10240x128xf32, #tpu.memory_space<hbm>>) target(%arg8 : memref<64x128xf32, #tpu.memory_space<vmem>>) offsets(%dma_start3A_70 : memref<64xi32, #tpu.memory_space<vmem>>) semaphore(%run_scoped3A : memref<!tpu.dma_semaphore, #tpu.memory_space<semaphore_mem>>)
        %dma_wait3A = arith.constant 0 : i32
        %dma_wait3A_74 = tpu.memref_slice %arg6[%scan3A_66, %dma_wait3A] : memref<80x64xi32, #tpu.memory_space<vmem>> -> memref<1x64xi32, #tpu.memory_space<vmem>>
        %dma_wait3A_75 = tpu.memref_squeeze %dma_wait3A_74 : memref<1x64xi32, #tpu.memory_space<vmem>> -> memref<64xi32, #tpu.memory_space<vmem>>
        %dma_wait3A_76 = arith.constant 0 : i32
        %dma_wait3A_77 = arith.constant 0 : i32
        %dma_wait3A_78 = tpu.memref_slice %arg2[%dma_wait3A_76, %dma_wait3A_77] : memref<10240x128xf32, #tpu.memory_space<hbm>> -> memref<10240x128xf32, #tpu.memory_space<hbm>>
        tpu.wait_indirect_dma semaphore(%run_scoped3A : memref<!tpu.dma_semaphore, #tpu.memory_space<semaphore_mem>>) src(%dma_wait3A_78 : memref<10240x128xf32, #tpu.memory_space<hbm>>) dst(%arg8 : memref<64x128xf32, #tpu.memory_space<vmem>>)
        tpu.yield
      }) : () -> ()
      "tpu.region"() ({
        %run_scoped3A = tpu.sem_alloc : memref<!tpu.dma_semaphore, #tpu.memory_space<semaphore_mem>>
        %dma_start3A = arith.constant 0 : i32
        %dma_start3A_69 = tpu.memref_slice %arg7[%scan3A_66, %dma_start3A] : memref<80x64xi32, #tpu.memory_space<vmem>> -> memref<1x64xi32, #tpu.memory_space<vmem>>
        %dma_start3A_70 = tpu.memref_squeeze %dma_start3A_69 : memref<1x64xi32, #tpu.memory_space<vmem>> -> memref<64xi32, #tpu.memory_space<vmem>>
        %dma_start3A_71 = arith.constant 0 : i32
        %dma_start3A_72 = arith.constant 0 : i32
        %dma_start3A_73 = tpu.memref_slice %arg9[%dma_start3A_71, %dma_start3A_72] : memref<10240x128xf32, #tpu.memory_space<vmem_shared>> -> memref<10240x128xf32, #tpu.memory_space<vmem_shared>>
        tpu.enqueue_indirect_dma source(%arg8 : memref<64x128xf32, #tpu.memory_space<vmem>>) target(%dma_start3A_73 : memref<10240x128xf32, #tpu.memory_space<vmem_shared>>) offsets(%dma_start3A_70 : memref<64xi32, #tpu.memory_space<vmem>>) semaphore(%run_scoped3A : memref<!tpu.dma_semaphore, #tpu.memory_space<semaphore_mem>>) {add = true}
        %dma_wait3A = arith.constant 0 : i32
        %dma_wait3A_74 = tpu.memref_slice %arg7[%scan3A_66, %dma_wait3A] : memref<80x64xi32, #tpu.memory_space<vmem>> -> memref<1x64xi32, #tpu.memory_space<vmem>>
        %dma_wait3A_75 = tpu.memref_squeeze %dma_wait3A_74 : memref<1x64xi32, #tpu.memory_space<vmem>> -> memref<64xi32, #tpu.memory_space<vmem>>
        %dma_wait3A_76 = arith.constant 0 : i32
        %dma_wait3A_77 = arith.constant 0 : i32
        %dma_wait3A_78 = tpu.memref_slice %arg9[%dma_wait3A_76, %dma_wait3A_77] : memref<10240x128xf32, #tpu.memory_space<vmem_shared>> -> memref<10240x128xf32, #tpu.memory_space<vmem_shared>>
        tpu.wait_indirect_dma semaphore(%run_scoped3A : memref<!tpu.dma_semaphore, #tpu.memory_space<semaphore_mem>>) src(%arg8 : memref<64x128xf32, #tpu.memory_space<vmem>>) dst(%dma_wait3A_78 : memref<10240x128xf32, #tpu.memory_space<vmem_shared>>)
        tpu.yield
      }) : () -> ()
      %scan3A_68 = arith.constant 0 : i32
      scf.yield %scan3A_68 : i32
    }
    %scan3A_53 = arith.constant 80 : i32
    "tpu.region"() ({
      %run_scoped3A = tpu.sem_alloc : memref<!tpu.dma_semaphore, #tpu.memory_space<semaphore_mem>>
      %dma_start3A = arith.constant 80 : i32
      %dma_start3A_66 = arith.constant 0 : i32
      %dma_start3A_67 = tpu.memref_slice %arg3[%add3A, %dma_start3A, %dma_start3A_66] : memref<32x160x64xi32, #tpu.memory_space<hbm>> -> memref<1x80x64xi32, #tpu.memory_space<hbm>>
      %dma_start3A_68 = tpu.memref_squeeze %dma_start3A_67 : memref<1x80x64xi32, #tpu.memory_space<hbm>> -> memref<80x64xi32, #tpu.memory_space<hbm>>
      %dma_start3A_69 = arith.constant 80 : i32
      %dma_start3A_70 = arith.constant 0 : i32
      %dma_start3A_71 = tpu.memref_slice %arg3[%add3A, %dma_start3A_69, %dma_start3A_70] : memref<32x160x64xi32, #tpu.memory_space<hbm>> -> memref<1x80x64xi32, #tpu.memory_space<hbm>>
      %dma_start3A_72 = tpu.memref_squeeze %dma_start3A_71 : memref<1x80x64xi32, #tpu.memory_space<hbm>> -> memref<80x64xi32, #tpu.memory_space<hbm>>
      tpu.enqueue_dma source(%dma_start3A_72 : memref<80x64xi32, #tpu.memory_space<hbm>>) target(%arg6 : memref<80x64xi32, #tpu.memory_space<vmem>>) target_semaphore(%run_scoped3A : memref<!tpu.dma_semaphore, #tpu.memory_space<semaphore_mem>>)
      %dma_wait3A = arith.constant 80 : i32
      %dma_wait3A_73 = arith.constant 0 : i32
      %dma_wait3A_74 = tpu.memref_slice %arg3[%add3A, %dma_wait3A, %dma_wait3A_73] : memref<32x160x64xi32, #tpu.memory_space<hbm>> -> memref<1x80x64xi32, #tpu.memory_space<hbm>>
      %dma_wait3A_75 = tpu.memref_squeeze %dma_wait3A_74 : memref<1x80x64xi32, #tpu.memory_space<hbm>> -> memref<80x64xi32, #tpu.memory_space<hbm>>
      %dma_wait3A_76 = arith.constant 80 : i32
      %dma_wait3A_77 = arith.constant 0 : i32
      %dma_wait3A_78 = tpu.memref_slice %arg3[%add3A, %dma_wait3A_76, %dma_wait3A_77] : memref<32x160x64xi32, #tpu.memory_space<hbm>> -> memref<1x80x64xi32, #tpu.memory_space<hbm>>
      %dma_wait3A_79 = tpu.memref_squeeze %dma_wait3A_78 : memref<1x80x64xi32, #tpu.memory_space<hbm>> -> memref<80x64xi32, #tpu.memory_space<hbm>>
      tpu.wait_dma2 semaphore(%run_scoped3A : memref<!tpu.dma_semaphore, #tpu.memory_space<semaphore_mem>>) src(%dma_wait3A_79 : memref<80x64xi32, #tpu.memory_space<hbm>>) dst(%arg6 : memref<80x64xi32, #tpu.memory_space<vmem>>)
      tpu.yield
    }) : () -> ()
    "tpu.region"() ({
      %run_scoped3A = tpu.sem_alloc : memref<!tpu.dma_semaphore, #tpu.memory_space<semaphore_mem>>
      %dma_start3A = arith.constant 80 : i32
      %dma_start3A_66 = arith.constant 0 : i32
      %dma_start3A_67 = tpu.memref_slice %arg4[%add3A, %dma_start3A, %dma_start3A_66] : memref<32x160x64xi32, #tpu.memory_space<hbm>> -> memref<1x80x64xi32, #tpu.memory_space<hbm>>
      %dma_start3A_68 = tpu.memref_squeeze %dma_start3A_67 : memref<1x80x64xi32, #tpu.memory_space<hbm>> -> memref<80x64xi32, #tpu.memory_space<hbm>>
      %dma_start3A_69 = arith.constant 80 : i32
      %dma_start3A_70 = arith.constant 0 : i32
      %dma_start3A_71 = tpu.memref_slice %arg4[%add3A, %dma_start3A_69, %dma_start3A_70] : memref<32x160x64xi32, #tpu.memory_space<hbm>> -> memref<1x80x64xi32, #tpu.memory_space<hbm>>
      %dma_start3A_72 = tpu.memref_squeeze %dma_start3A_71 : memref<1x80x64xi32, #tpu.memory_space<hbm>> -> memref<80x64xi32, #tpu.memory_space<hbm>>
      tpu.enqueue_dma source(%dma_start3A_72 : memref<80x64xi32, #tpu.memory_space<hbm>>) target(%arg7 : memref<80x64xi32, #tpu.memory_space<vmem>>) target_semaphore(%run_scoped3A : memref<!tpu.dma_semaphore, #tpu.memory_space<semaphore_mem>>)
      %dma_wait3A = arith.constant 80 : i32
      %dma_wait3A_73 = arith.constant 0 : i32
      %dma_wait3A_74 = tpu.memref_slice %arg4[%add3A, %dma_wait3A, %dma_wait3A_73] : memref<32x160x64xi32, #tpu.memory_space<hbm>> -> memref<1x80x64xi32, #tpu.memory_space<hbm>>
      %dma_wait3A_75 = tpu.memref_squeeze %dma_wait3A_74 : memref<1x80x64xi32, #tpu.memory_space<hbm>> -> memref<80x64xi32, #tpu.memory_space<hbm>>
      %dma_wait3A_76 = arith.constant 80 : i32
      %dma_wait3A_77 = arith.constant 0 : i32
      %dma_wait3A_78 = tpu.memref_slice %arg4[%add3A, %dma_wait3A_76, %dma_wait3A_77] : memref<32x160x64xi32, #tpu.memory_space<hbm>> -> memref<1x80x64xi32, #tpu.memory_space<hbm>>
      %dma_wait3A_79 = tpu.memref_squeeze %dma_wait3A_78 : memref<1x80x64xi32, #tpu.memory_space<hbm>> -> memref<80x64xi32, #tpu.memory_space<hbm>>
      tpu.wait_dma2 semaphore(%run_scoped3A : memref<!tpu.dma_semaphore, #tpu.memory_space<semaphore_mem>>) src(%dma_wait3A_79 : memref<80x64xi32, #tpu.memory_space<hbm>>) dst(%arg7 : memref<80x64xi32, #tpu.memory_space<vmem>>)
      tpu.yield
    }) : () -> ()
    %scan3A_54 = arith.constant 0 : i32
    %scan3A_55 = arith.constant 0 : i32
    %scan3A_56 = arith.constant 80 : i32
    %scan3A_57 = arith.addi %scan3A_55, %scan3A_56 : i32
    %scan3A_58 = arith.constant 1 : i32
    %scan3A_59 = scf.for %scan3A_66 = %scan3A_55 to %scan3A_57 step %scan3A_58 iter_args(%scan3A_67 = %scan3A_54) -> (i32)  : i32 {
      "tpu.region"() ({
        %run_scoped3A = tpu.sem_alloc : memref<!tpu.dma_semaphore, #tpu.memory_space<semaphore_mem>>
        %dma_start3A = arith.constant 0 : i32
        %dma_start3A_69 = tpu.memref_slice %arg6[%scan3A_66, %dma_start3A] : memref<80x64xi32, #tpu.memory_space<vmem>> -> memref<1x64xi32, #tpu.memory_space<vmem>>
        %dma_start3A_70 = tpu.memref_squeeze %dma_start3A_69 : memref<1x64xi32, #tpu.memory_space<vmem>> -> memref<64xi32, #tpu.memory_space<vmem>>
        %dma_start3A_71 = arith.constant 0 : i32
        %dma_start3A_72 = arith.constant 0 : i32
        %dma_start3A_73 = tpu.memref_slice %arg2[%dma_start3A_71, %dma_start3A_72] : memref<10240x128xf32, #tpu.memory_space<hbm>> -> memref<10240x128xf32, #tpu.memory_space<hbm>>
        tpu.enqueue_indirect_dma source(%dma_start3A_73 : memref<10240x128xf32, #tpu.memory_space<hbm>>) target(%arg8 : memref<64x128xf32, #tpu.memory_space<vmem>>) offsets(%dma_start3A_70 : memref<64xi32, #tpu.memory_space<vmem>>) semaphore(%run_scoped3A : memref<!tpu.dma_semaphore, #tpu.memory_space<semaphore_mem>>)
        %dma_wait3A = arith.constant 0 : i32
        %dma_wait3A_74 = tpu.memref_slice %arg6[%scan3A_66, %dma_wait3A] : memref<80x64xi32, #tpu.memory_space<vmem>> -> memref<1x64xi32, #tpu.memory_space<vmem>>
        %dma_wait3A_75 = tpu.memref_squeeze %dma_wait3A_74 : memref<1x64xi32, #tpu.memory_space<vmem>> -> memref<64xi32, #tpu.memory_space<vmem>>
        %dma_wait3A_76 = arith.constant 0 : i32
        %dma_wait3A_77 = arith.constant 0 : i32
        %dma_wait3A_78 = tpu.memref_slice %arg2[%dma_wait3A_76, %dma_wait3A_77] : memref<10240x128xf32, #tpu.memory_space<hbm>> -> memref<10240x128xf32, #tpu.memory_space<hbm>>
        tpu.wait_indirect_dma semaphore(%run_scoped3A : memref<!tpu.dma_semaphore, #tpu.memory_space<semaphore_mem>>) src(%dma_wait3A_78 : memref<10240x128xf32, #tpu.memory_space<hbm>>) dst(%arg8 : memref<64x128xf32, #tpu.memory_space<vmem>>)
        tpu.yield
      }) : () -> ()
      "tpu.region"() ({
        %run_scoped3A = tpu.sem_alloc : memref<!tpu.dma_semaphore, #tpu.memory_space<semaphore_mem>>
        %dma_start3A = arith.constant 0 : i32
        %dma_start3A_69 = tpu.memref_slice %arg7[%scan3A_66, %dma_start3A] : memref<80x64xi32, #tpu.memory_space<vmem>> -> memref<1x64xi32, #tpu.memory_space<vmem>>
        %dma_start3A_70 = tpu.memref_squeeze %dma_start3A_69 : memref<1x64xi32, #tpu.memory_space<vmem>> -> memref<64xi32, #tpu.memory_space<vmem>>
        %dma_start3A_71 = arith.constant 0 : i32
        %dma_start3A_72 = arith.constant 0 : i32
        %dma_start3A_73 = tpu.memref_slice %arg9[%dma_start3A_71, %dma_start3A_72] : memref<10240x128xf32, #tpu.memory_space<vmem_shared>> -> memref<10240x128xf32, #tpu.memory_space<vmem_shared>>
        tpu.enqueue_indirect_dma source(%arg8 : memref<64x128xf32, #tpu.memory_space<vmem>>) target(%dma_start3A_73 : memref<10240x128xf32, #tpu.memory_space<vmem_shared>>) offsets(%dma_start3A_70 : memref<64xi32, #tpu.memory_space<vmem>>) semaphore(%run_scoped3A : memref<!tpu.dma_semaphore, #tpu.memory_space<semaphore_mem>>) {add = true}
        %dma_wait3A = arith.constant 0 : i32
        %dma_wait3A_74 = tpu.memref_slice %arg7[%scan3A_66, %dma_wait3A] : memref<80x64xi32, #tpu.memory_space<vmem>> -> memref<1x64xi32, #tpu.memory_space<vmem>>
        %dma_wait3A_75 = tpu.memref_squeeze %dma_wait3A_74 : memref<1x64xi32, #tpu.memory_space<vmem>> -> memref<64xi32, #tpu.memory_space<vmem>>
        %dma_wait3A_76 = arith.constant 0 : i32
        %dma_wait3A_77 = arith.constant 0 : i32
        %dma_wait3A_78 = tpu.memref_slice %arg9[%dma_wait3A_76, %dma_wait3A_77] : memref<10240x128xf32, #tpu.memory_space<vmem_shared>> -> memref<10240x128xf32, #tpu.memory_space<vmem_shared>>
        tpu.wait_indirect_dma semaphore(%run_scoped3A : memref<!tpu.dma_semaphore, #tpu.memory_space<semaphore_mem>>) src(%arg8 : memref<64x128xf32, #tpu.memory_space<vmem>>) dst(%dma_wait3A_78 : memref<10240x128xf32, #tpu.memory_space<vmem_shared>>)
        tpu.yield
      }) : () -> ()
      %scan3A_68 = arith.constant 0 : i32
      scf.yield %scan3A_68 : i32
    }
    %scan3A_60 = arith.constant 80 : i32
    %barrier3A_61 = arith.constant 0 : index
    tpu.barrier barrier_id(%barrier3A_61)
    %mul3A_62 = arith.constant 640 : i32
    %mul3A_63 = arith.muli %arg1, %mul3A_62 : i32
    %mul3A_64 = arith.constant 640 : i32
    %mul3A_65 = arith.muli %arg1, %mul3A_64 : i32
    "tpu.region"() ({
      %run_scoped3A = tpu.sem_alloc : memref<!tpu.dma_semaphore, #tpu.memory_space<semaphore_mem>>
      %dma_start3A = arith.constant 0 : i32
      %dma_start3A_66 = tpu.memref_slice %arg5[%arg0, %mul3A_65, %dma_start3A] : memref<2x10240x128xf32, #tpu.memory_space<hbm>> -> memref<1x640x128xf32, #tpu.memory_space<hbm>>
      %dma_start3A_67 = tpu.memref_squeeze %dma_start3A_66 : memref<1x640x128xf32, #tpu.memory_space<hbm>> -> memref<640x128xf32, #tpu.memory_space<hbm>>
      %dma_start3A_68 = arith.constant 0 : i32
      %dma_start3A_69 = tpu.memref_slice %arg9[%mul3A_63, %dma_start3A_68] : memref<10240x128xf32, #tpu.memory_space<vmem_shared>> -> memref<640x128xf32, #tpu.memory_space<vmem_shared>>
      tpu.enqueue_dma source(%dma_start3A_69 : memref<640x128xf32, #tpu.memory_space<vmem_shared>>) target(%dma_start3A_67 : memref<640x128xf32, #tpu.memory_space<hbm>>) target_semaphore(%run_scoped3A : memref<!tpu.dma_semaphore, #tpu.memory_space<semaphore_mem>>)
      %dma_wait3A = arith.constant 0 : i32
      %dma_wait3A_70 = tpu.memref_slice %arg5[%arg0, %mul3A_65, %dma_wait3A] : memref<2x10240x128xf32, #tpu.memory_space<hbm>> -> memref<1x640x128xf32, #tpu.memory_space<hbm>>
      %dma_wait3A_71 = tpu.memref_squeeze %dma_wait3A_70 : memref<1x640x128xf32, #tpu.memory_space<hbm>> -> memref<640x128xf32, #tpu.memory_space<hbm>>
      %dma_wait3A_72 = arith.constant 0 : i32
      %dma_wait3A_73 = tpu.memref_slice %arg9[%mul3A_63, %dma_wait3A_72] : memref<10240x128xf32, #tpu.memory_space<vmem_shared>> -> memref<640x128xf32, #tpu.memory_space<vmem_shared>>
      tpu.wait_dma2 semaphore(%run_scoped3A : memref<!tpu.dma_semaphore, #tpu.memory_space<semaphore_mem>>) src(%dma_wait3A_73 : memref<640x128xf32, #tpu.memory_space<vmem_shared>>) dst(%dma_wait3A_71 : memref<640x128xf32, #tpu.memory_space<hbm>>)
      tpu.yield
    }) : () -> ()
    return
  }
}

#map = affine_map<(d0, d1) -> (0, 0)>
#map1 = affine_map<(d0, d1) -> (0, 0, 0)>
module attributes {stable_mosaic.version = 14 : i64} {
  func.func @_sc_hop_body(%arg0: i32, %arg1: i32, %arg2: memref<10240x128xf32, #tpu.memory_space<hbm>>, %arg3: memref<32x160x64xi32, #tpu.memory_space<hbm>>, %arg4: memref<32x160x64xi32, #tpu.memory_space<hbm>>, %arg5: memref<2x10240x128xf32, #tpu.memory_space<hbm>>, %arg6: memref<80x64xi32, #tpu.memory_space<vmem>>, %arg7: memref<80x64xi32, #tpu.memory_space<vmem>>, %arg8: memref<64x128xf32, #tpu.memory_space<vmem>>, %arg9: memref<10240x128xf32, #tpu.memory_space<vmem_shared>>) attributes {dimension_semantics = [#tpu.dimension_semantics<core_parallel>, #tpu.dimension_semantics<subcore_parallel>], iteration_bounds = array<i64: 2, 16>, scalar_prefetch = 0 : i64, scratch_operands = 4 : i64, tpu.core_type = #tpu.core_type<sc_vector_subcore>, window_params = [{transform_indices = #map}, {transform_indices = #map1}, {transform_indices = #map1}, {transform_indices = #map1}]} {
    %mul3A = arith.constant 16 : i32
    %mul3A_0 = arith.muli %arg0, %mul3A : i32
    %add3A = arith.addi %mul3A_0, %arg1 : i32
    %scan3A = arith.constant 0 : i32
    %scan3A_1 = arith.constant 0 : i32
    %scan3A_2 = arith.constant 512 : i32
    %scan3A_3 = arith.addi %scan3A_1, %scan3A_2 : i32
    %scan3A_4 = arith.constant 1 : i32
    %scan3A_5 = scf.for %scan3A_66 = %scan3A_1 to %scan3A_3 step %scan3A_4 iter_args(%scan3A_67 = %scan3A) -> (i32)  : i32 {
      %jit3A = arith.constant 8 : i32
      %div3A = arith.divsi %scan3A_66, %jit3A : i32
      %sign3A = arith.constant 0 : i32
      %sign3A_68 = arith.cmpi sgt, %scan3A_66, %sign3A : i32
      %sign3A_69 = arith.extui %sign3A_68 : i1 to i32
      %sign3A_70 = arith.constant 0 : i32
      %sign3A_71 = arith.cmpi slt, %scan3A_66, %sign3A_70 : i32
      %sign3A_72 = arith.extui %sign3A_71 : i1 to i32
      %sign3A_73 = arith.subi %sign3A_69, %sign3A_72 : i32
      %sign3A_74 = arith.constant 0 : i32
      %sign3A_75 = arith.cmpi sgt, %jit3A, %sign3A_74 : i32
      %sign3A_76 = arith.extui %sign3A_75 : i1 to i32
      %sign3A_77 = arith.constant 0 : i32
      %sign3A_78 = arith.cmpi slt, %jit3A, %sign3A_77 : i32
      %sign3A_79 = arith.extui %sign3A_78 : i1 to i32
      %sign3A_80 = arith.subi %sign3A_76, %sign3A_79 : i32
      %ne3A = arith.cmpi ne, %sign3A_73, %sign3A_80 : i32
      %rem3A = arith.remsi %scan3A_66, %jit3A : i32
      %ne3A_81 = arith.constant 0 : i32
      %ne3A_82 = arith.cmpi ne, %rem3A, %ne3A_81 : i32
      %and3A = arith.andi %ne3A, %ne3A_82 : i1
      %sub3A = arith.constant 1 : i32
      %sub3A_83 = arith.subi %div3A, %sub3A : i32
      %select_n3A = arith.select %and3A, %sub3A_83, %div3A : i32
      %jit3A_84 = arith.constant 8 : i32
      %eq3A = arith.constant 0 : i32
      %eq3A_85 = arith.cmpi eq, %jit3A_84, %eq3A : i32
      %jit3A_86 = arith.constant 1 : i32
      %select_n3A_87 = arith.select %eq3A_85, %jit3A_86, %jit3A_84 : i32
      %rem3A_88 = arith.remsi %scan3A_66, %select_n3A_87 : i32
      %ne3A_89 = arith.constant 0 : i32
      %ne3A_90 = arith.cmpi ne, %rem3A_88, %ne3A_89 : i32
      %lt3A = arith.constant 0 : i32
      %lt3A_91 = arith.cmpi slt, %rem3A_88, %lt3A : i32
      %lt3A_92 = arith.constant 0 : i32
      %lt3A_93 = arith.cmpi slt, %select_n3A_87, %lt3A_92 : i32
      %ne3A_94 = arith.xori %lt3A_91, %lt3A_93 : i1
      %and3A_95 = arith.andi %ne3A_94, %ne3A_90 : i1
      %add3A_96 = arith.addi %rem3A_88, %select_n3A_87 : i32
      %select_n3A_97 = arith.select %and3A_95, %add3A_96, %rem3A_88 : i32
      %broadcast_in_dim3A = arith.constant 0.000000e+00 : f32
      %broadcast_in_dim3A_98 = vector.broadcast %broadcast_in_dim3A : f32 to vector<16xf32>
      %mul3A_99 = arith.constant 16 : i32
      %mul3A_100 = arith.muli %select_n3A_97, %mul3A_99 : i32
      %swap3A = arith.index_cast %select_n3A : i32 to index
      %swap3A_101 = arith.index_cast %mul3A_100 : i32 to index
      %swap3A_102 = tpu.vector_load %arg8[%swap3A, %swap3A_101] {strides = array<i32>} : memref<64x128xf32, #tpu.memory_space<vmem>>, vector<1x16xf32>,
      %swap3A_103 = vector.shape_cast %swap3A_102 : vector<1x16xf32> to vector<16xf32>
      %swap3A_104 = vector.shape_cast %broadcast_in_dim3A_98 : vector<16xf32> to vector<1x16xf32>
      tpu.vector_store %arg8[%swap3A, %swap3A_101], %swap3A_104 {strides = array<i32>} : memref<64x128xf32, #tpu.memory_space<vmem>>, vector<1x16xf32>,
      %scan3A_105 = arith.constant 0 : i32
      scf.yield %scan3A_105 : i32
    }
    %scan3A_6 = arith.constant 512 : i32
    %mul3A_7 = arith.constant 640 : i32
    %mul3A_8 = arith.muli %arg1, %mul3A_7 : i32
    %add3A_9 = arith.constant 0 : i32
    %add3A_10 = arith.addi %mul3A_8, %add3A_9 : i32
    "tpu.region"() ({
      %run_scoped3A = tpu.sem_alloc : memref<!tpu.dma_semaphore, #tpu.memory_space<semaphore_mem>>
      %dma_start3A = arith.constant 0 : i32
      %dma_start3A_66 = tpu.memref_slice %arg9[%add3A_10, %dma_start3A] : memref<10240x128xf32, #tpu.memory_space<vmem_shared>> -> memref<64x128xf32, #tpu.memory_space<vmem_shared>>
      %dma_start3A_67 = arith.constant 0 : i32
      %dma_start3A_68 = tpu.memref_slice %arg9[%add3A_10, %dma_start3A_67] : memref<10240x128xf32, #tpu.memory_space<vmem_shared>> -> memref<64x128xf32, #tpu.memory_space<vmem_shared>>
      tpu.enqueue_dma source(%arg8 : memref<64x128xf32, #tpu.memory_space<vmem>>) target(%dma_start3A_68 : memref<64x128xf32, #tpu.memory_space<vmem_shared>>) target_semaphore(%run_scoped3A : memref<!tpu.dma_semaphore, #tpu.memory_space<semaphore_mem>>)
      %dma_wait3A = arith.constant 0 : i32
      %dma_wait3A_69 = tpu.memref_slice %arg9[%add3A_10, %dma_wait3A] : memref<10240x128xf32, #tpu.memory_space<vmem_shared>> -> memref<64x128xf32, #tpu.memory_space<vmem_shared>>
      %dma_wait3A_70 = arith.constant 0 : i32
      %dma_wait3A_71 = tpu.memref_slice %arg9[%add3A_10, %dma_wait3A_70] : memref<10240x128xf32, #tpu.memory_space<vmem_shared>> -> memref<64x128xf32, #tpu.memory_space<vmem_shared>>
      tpu.wait_dma2 semaphore(%run_scoped3A : memref<!tpu.dma_semaphore, #tpu.memory_space<semaphore_mem>>) src(%arg8 : memref<64x128xf32, #tpu.memory_space<vmem>>) dst(%dma_wait3A_71 : memref<64x128xf32, #tpu.memory_space<vmem_shared>>)
      tpu.yield
    }) : () -> ()
    %mul3A_11 = arith.constant 640 : i32
    %mul3A_12 = arith.muli %arg1, %mul3A_11 : i32
    %add3A_13 = arith.constant 64 : i32
    %add3A_14 = arith.addi %mul3A_12, %add3A_13 : i32
    "tpu.region"() ({
      %run_scoped3A = tpu.sem_alloc : memref<!tpu.dma_semaphore, #tpu.memory_space<semaphore_mem>>
      %dma_start3A = arith.constant 0 : i32
      %dma_start3A_66 = tpu.memref_slice %arg9[%add3A_14, %dma_start3A] : memref<10240x128xf32, #tpu.memory_space<vmem_shared>> -> memref<64x128xf32, #tpu.memory_space<vmem_shared>>
      %dma_start3A_67 = arith.constant 0 : i32
      %dma_start3A_68 = tpu.memref_slice %arg9[%add3A_14, %dma_start3A_67] : memref<10240x128xf32, #tpu.memory_space<vmem_shared>> -> memref<64x128xf32, #tpu.memory_space<vmem_shared>>
      tpu.enqueue_dma source(%arg8 : memref<64x128xf32, #tpu.memory_space<vmem>>) target(%dma_start3A_68 : memref<64x128xf32, #tpu.memory_space<vmem_shared>>) target_semaphore(%run_scoped3A : memref<!tpu.dma_semaphore, #tpu.memory_space<semaphore_mem>>)
      %dma_wait3A = arith.constant 0 : i32
      %dma_wait3A_69 = tpu.memref_slice %arg9[%add3A_14, %dma_wait3A] : memref<10240x128xf32, #tpu.memory_space<vmem_shared>> -> memref<64x128xf32, #tpu.memory_space<vmem_shared>>
      %dma_wait3A_70 = arith.constant 0 : i32
      %dma_wait3A_71 = tpu.memref_slice %arg9[%add3A_14, %dma_wait3A_70] : memref<10240x128xf32, #tpu.memory_space<vmem_shared>> -> memref<64x128xf32, #tpu.memory_space<vmem_shared>>
      tpu.wait_dma2 semaphore(%run_scoped3A : memref<!tpu.dma_semaphore, #tpu.memory_space<semaphore_mem>>) src(%arg8 : memref<64x128xf32, #tpu.memory_space<vmem>>) dst(%dma_wait3A_71 : memref<64x128xf32, #tpu.memory_space<vmem_shared>>)
      tpu.yield
    }) : () -> ()
    %mul3A_15 = arith.constant 640 : i32
    %mul3A_16 = arith.muli %arg1, %mul3A_15 : i32
    %add3A_17 = arith.constant 128 : i32
    %add3A_18 = arith.addi %mul3A_16, %add3A_17 : i32
    "tpu.region"() ({
      %run_scoped3A = tpu.sem_alloc : memref<!tpu.dma_semaphore, #tpu.memory_space<semaphore_mem>>
      %dma_start3A = arith.constant 0 : i32
      %dma_start3A_66 = tpu.memref_slice %arg9[%add3A_18, %dma_start3A] : memref<10240x128xf32, #tpu.memory_space<vmem_shared>> -> memref<64x128xf32, #tpu.memory_space<vmem_shared>>
      %dma_start3A_67 = arith.constant 0 : i32
      %dma_start3A_68 = tpu.memref_slice %arg9[%add3A_18, %dma_start3A_67] : memref<10240x128xf32, #tpu.memory_space<vmem_shared>> -> memref<64x128xf32, #tpu.memory_space<vmem_shared>>
      tpu.enqueue_dma source(%arg8 : memref<64x128xf32, #tpu.memory_space<vmem>>) target(%dma_start3A_68 : memref<64x128xf32, #tpu.memory_space<vmem_shared>>) target_semaphore(%run_scoped3A : memref<!tpu.dma_semaphore, #tpu.memory_space<semaphore_mem>>)
      %dma_wait3A = arith.constant 0 : i32
      %dma_wait3A_69 = tpu.memref_slice %arg9[%add3A_18, %dma_wait3A] : memref<10240x128xf32, #tpu.memory_space<vmem_shared>> -> memref<64x128xf32, #tpu.memory_space<vmem_shared>>
      %dma_wait3A_70 = arith.constant 0 : i32
      %dma_wait3A_71 = tpu.memref_slice %arg9[%add3A_18, %dma_wait3A_70] : memref<10240x128xf32, #tpu.memory_space<vmem_shared>> -> memref<64x128xf32, #tpu.memory_space<vmem_shared>>
      tpu.wait_dma2 semaphore(%run_scoped3A : memref<!tpu.dma_semaphore, #tpu.memory_space<semaphore_mem>>) src(%arg8 : memref<64x128xf32, #tpu.memory_space<vmem>>) dst(%dma_wait3A_71 : memref<64x128xf32, #tpu.memory_space<vmem_shared>>)
      tpu.yield
    }) : () -> ()
    %mul3A_19 = arith.constant 640 : i32
    %mul3A_20 = arith.muli %arg1, %mul3A_19 : i32
    %add3A_21 = arith.constant 192 : i32
    %add3A_22 = arith.addi %mul3A_20, %add3A_21 : i32
    "tpu.region"() ({
      %run_scoped3A = tpu.sem_alloc : memref<!tpu.dma_semaphore, #tpu.memory_space<semaphore_mem>>
      %dma_start3A = arith.constant 0 : i32
      %dma_start3A_66 = tpu.memref_slice %arg9[%add3A_22, %dma_start3A] : memref<10240x128xf32, #tpu.memory_space<vmem_shared>> -> memref<64x128xf32, #tpu.memory_space<vmem_shared>>
      %dma_start3A_67 = arith.constant 0 : i32
      %dma_start3A_68 = tpu.memref_slice %arg9[%add3A_22, %dma_start3A_67] : memref<10240x128xf32, #tpu.memory_space<vmem_shared>> -> memref<64x128xf32, #tpu.memory_space<vmem_shared>>
      tpu.enqueue_dma source(%arg8 : memref<64x128xf32, #tpu.memory_space<vmem>>) target(%dma_start3A_68 : memref<64x128xf32, #tpu.memory_space<vmem_shared>>) target_semaphore(%run_scoped3A : memref<!tpu.dma_semaphore, #tpu.memory_space<semaphore_mem>>)
      %dma_wait3A = arith.constant 0 : i32
      %dma_wait3A_69 = tpu.memref_slice %arg9[%add3A_22, %dma_wait3A] : memref<10240x128xf32, #tpu.memory_space<vmem_shared>> -> memref<64x128xf32, #tpu.memory_space<vmem_shared>>
      %dma_wait3A_70 = arith.constant 0 : i32
      %dma_wait3A_71 = tpu.memref_slice %arg9[%add3A_22, %dma_wait3A_70] : memref<10240x128xf32, #tpu.memory_space<vmem_shared>> -> memref<64x128xf32, #tpu.memory_space<vmem_shared>>
      tpu.wait_dma2 semaphore(%run_scoped3A : memref<!tpu.dma_semaphore, #tpu.memory_space<semaphore_mem>>) src(%arg8 : memref<64x128xf32, #tpu.memory_space<vmem>>) dst(%dma_wait3A_71 : memref<64x128xf32, #tpu.memory_space<vmem_shared>>)
      tpu.yield
    }) : () -> ()
    %mul3A_23 = arith.constant 640 : i32
    %mul3A_24 = arith.muli %arg1, %mul3A_23 : i32
    %add3A_25 = arith.constant 256 : i32
    %add3A_26 = arith.addi %mul3A_24, %add3A_25 : i32
    "tpu.region"() ({
      %run_scoped3A = tpu.sem_alloc : memref<!tpu.dma_semaphore, #tpu.memory_space<semaphore_mem>>
      %dma_start3A = arith.constant 0 : i32
      %dma_start3A_66 = tpu.memref_slice %arg9[%add3A_26, %dma_start3A] : memref<10240x128xf32, #tpu.memory_space<vmem_shared>> -> memref<64x128xf32, #tpu.memory_space<vmem_shared>>
      %dma_start3A_67 = arith.constant 0 : i32
      %dma_start3A_68 = tpu.memref_slice %arg9[%add3A_26, %dma_start3A_67] : memref<10240x128xf32, #tpu.memory_space<vmem_shared>> -> memref<64x128xf32, #tpu.memory_space<vmem_shared>>
      tpu.enqueue_dma source(%arg8 : memref<64x128xf32, #tpu.memory_space<vmem>>) target(%dma_start3A_68 : memref<64x128xf32, #tpu.memory_space<vmem_shared>>) target_semaphore(%run_scoped3A : memref<!tpu.dma_semaphore, #tpu.memory_space<semaphore_mem>>)
      %dma_wait3A = arith.constant 0 : i32
      %dma_wait3A_69 = tpu.memref_slice %arg9[%add3A_26, %dma_wait3A] : memref<10240x128xf32, #tpu.memory_space<vmem_shared>> -> memref<64x128xf32, #tpu.memory_space<vmem_shared>>
      %dma_wait3A_70 = arith.constant 0 : i32
      %dma_wait3A_71 = tpu.memref_slice %arg9[%add3A_26, %dma_wait3A_70] : memref<10240x128xf32, #tpu.memory_space<vmem_shared>> -> memref<64x128xf32, #tpu.memory_space<vmem_shared>>
      tpu.wait_dma2 semaphore(%run_scoped3A : memref<!tpu.dma_semaphore, #tpu.memory_space<semaphore_mem>>) src(%arg8 : memref<64x128xf32, #tpu.memory_space<vmem>>) dst(%dma_wait3A_71 : memref<64x128xf32, #tpu.memory_space<vmem_shared>>)
      tpu.yield
    }) : () -> ()
    %mul3A_27 = arith.constant 640 : i32
    %mul3A_28 = arith.muli %arg1, %mul3A_27 : i32
    %add3A_29 = arith.constant 320 : i32
    %add3A_30 = arith.addi %mul3A_28, %add3A_29 : i32
    "tpu.region"() ({
      %run_scoped3A = tpu.sem_alloc : memref<!tpu.dma_semaphore, #tpu.memory_space<semaphore_mem>>
      %dma_start3A = arith.constant 0 : i32
      %dma_start3A_66 = tpu.memref_slice %arg9[%add3A_30, %dma_start3A] : memref<10240x128xf32, #tpu.memory_space<vmem_shared>> -> memref<64x128xf32, #tpu.memory_space<vmem_shared>>
      %dma_start3A_67 = arith.constant 0 : i32
      %dma_start3A_68 = tpu.memref_slice %arg9[%add3A_30, %dma_start3A_67] : memref<10240x128xf32, #tpu.memory_space<vmem_shared>> -> memref<64x128xf32, #tpu.memory_space<vmem_shared>>
      tpu.enqueue_dma source(%arg8 : memref<64x128xf32, #tpu.memory_space<vmem>>) target(%dma_start3A_68 : memref<64x128xf32, #tpu.memory_space<vmem_shared>>) target_semaphore(%run_scoped3A : memref<!tpu.dma_semaphore, #tpu.memory_space<semaphore_mem>>)
      %dma_wait3A = arith.constant 0 : i32
      %dma_wait3A_69 = tpu.memref_slice %arg9[%add3A_30, %dma_wait3A] : memref<10240x128xf32, #tpu.memory_space<vmem_shared>> -> memref<64x128xf32, #tpu.memory_space<vmem_shared>>
      %dma_wait3A_70 = arith.constant 0 : i32
      %dma_wait3A_71 = tpu.memref_slice %arg9[%add3A_30, %dma_wait3A_70] : memref<10240x128xf32, #tpu.memory_space<vmem_shared>> -> memref<64x128xf32, #tpu.memory_space<vmem_shared>>
      tpu.wait_dma2 semaphore(%run_scoped3A : memref<!tpu.dma_semaphore, #tpu.memory_space<semaphore_mem>>) src(%arg8 : memref<64x128xf32, #tpu.memory_space<vmem>>) dst(%dma_wait3A_71 : memref<64x128xf32, #tpu.memory_space<vmem_shared>>)
      tpu.yield
    }) : () -> ()
    %mul3A_31 = arith.constant 640 : i32
    %mul3A_32 = arith.muli %arg1, %mul3A_31 : i32
    %add3A_33 = arith.constant 384 : i32
    %add3A_34 = arith.addi %mul3A_32, %add3A_33 : i32
    "tpu.region"() ({
      %run_scoped3A = tpu.sem_alloc : memref<!tpu.dma_semaphore, #tpu.memory_space<semaphore_mem>>
      %dma_start3A = arith.constant 0 : i32
      %dma_start3A_66 = tpu.memref_slice %arg9[%add3A_34, %dma_start3A] : memref<10240x128xf32, #tpu.memory_space<vmem_shared>> -> memref<64x128xf32, #tpu.memory_space<vmem_shared>>
      %dma_start3A_67 = arith.constant 0 : i32
      %dma_start3A_68 = tpu.memref_slice %arg9[%add3A_34, %dma_start3A_67] : memref<10240x128xf32, #tpu.memory_space<vmem_shared>> -> memref<64x128xf32, #tpu.memory_space<vmem_shared>>
      tpu.enqueue_dma source(%arg8 : memref<64x128xf32, #tpu.memory_space<vmem>>) target(%dma_start3A_68 : memref<64x128xf32, #tpu.memory_space<vmem_shared>>) target_semaphore(%run_scoped3A : memref<!tpu.dma_semaphore, #tpu.memory_space<semaphore_mem>>)
      %dma_wait3A = arith.constant 0 : i32
      %dma_wait3A_69 = tpu.memref_slice %arg9[%add3A_34, %dma_wait3A] : memref<10240x128xf32, #tpu.memory_space<vmem_shared>> -> memref<64x128xf32, #tpu.memory_space<vmem_shared>>
      %dma_wait3A_70 = arith.constant 0 : i32
      %dma_wait3A_71 = tpu.memref_slice %arg9[%add3A_34, %dma_wait3A_70] : memref<10240x128xf32, #tpu.memory_space<vmem_shared>> -> memref<64x128xf32, #tpu.memory_space<vmem_shared>>
      tpu.wait_dma2 semaphore(%run_scoped3A : memref<!tpu.dma_semaphore, #tpu.memory_space<semaphore_mem>>) src(%arg8 : memref<64x128xf32, #tpu.memory_space<vmem>>) dst(%dma_wait3A_71 : memref<64x128xf32, #tpu.memory_space<vmem_shared>>)
      tpu.yield
    }) : () -> ()
    %mul3A_35 = arith.constant 640 : i32
    %mul3A_36 = arith.muli %arg1, %mul3A_35 : i32
    %add3A_37 = arith.constant 448 : i32
    %add3A_38 = arith.addi %mul3A_36, %add3A_37 : i32
    "tpu.region"() ({
      %run_scoped3A = tpu.sem_alloc : memref<!tpu.dma_semaphore, #tpu.memory_space<semaphore_mem>>
      %dma_start3A = arith.constant 0 : i32
      %dma_start3A_66 = tpu.memref_slice %arg9[%add3A_38, %dma_start3A] : memref<10240x128xf32, #tpu.memory_space<vmem_shared>> -> memref<64x128xf32, #tpu.memory_space<vmem_shared>>
      %dma_start3A_67 = arith.constant 0 : i32
      %dma_start3A_68 = tpu.memref_slice %arg9[%add3A_38, %dma_start3A_67] : memref<10240x128xf32, #tpu.memory_space<vmem_shared>> -> memref<64x128xf32, #tpu.memory_space<vmem_shared>>
      tpu.enqueue_dma source(%arg8 : memref<64x128xf32, #tpu.memory_space<vmem>>) target(%dma_start3A_68 : memref<64x128xf32, #tpu.memory_space<vmem_shared>>) target_semaphore(%run_scoped3A : memref<!tpu.dma_semaphore, #tpu.memory_space<semaphore_mem>>)
      %dma_wait3A = arith.constant 0 : i32
      %dma_wait3A_69 = tpu.memref_slice %arg9[%add3A_38, %dma_wait3A] : memref<10240x128xf32, #tpu.memory_space<vmem_shared>> -> memref<64x128xf32, #tpu.memory_space<vmem_shared>>
      %dma_wait3A_70 = arith.constant 0 : i32
      %dma_wait3A_71 = tpu.memref_slice %arg9[%add3A_38, %dma_wait3A_70] : memref<10240x128xf32, #tpu.memory_space<vmem_shared>> -> memref<64x128xf32, #tpu.memory_space<vmem_shared>>
      tpu.wait_dma2 semaphore(%run_scoped3A : memref<!tpu.dma_semaphore, #tpu.memory_space<semaphore_mem>>) src(%arg8 : memref<64x128xf32, #tpu.memory_space<vmem>>) dst(%dma_wait3A_71 : memref<64x128xf32, #tpu.memory_space<vmem_shared>>)
      tpu.yield
    }) : () -> ()
    %mul3A_39 = arith.constant 640 : i32
    %mul3A_40 = arith.muli %arg1, %mul3A_39 : i32
    %add3A_41 = arith.constant 512 : i32
    %add3A_42 = arith.addi %mul3A_40, %add3A_41 : i32
    "tpu.region"() ({
      %run_scoped3A = tpu.sem_alloc : memref<!tpu.dma_semaphore, #tpu.memory_space<semaphore_mem>>
      %dma_start3A = arith.constant 0 : i32
      %dma_start3A_66 = tpu.memref_slice %arg9[%add3A_42, %dma_start3A] : memref<10240x128xf32, #tpu.memory_space<vmem_shared>> -> memref<64x128xf32, #tpu.memory_space<vmem_shared>>
      %dma_start3A_67 = arith.constant 0 : i32
      %dma_start3A_68 = tpu.memref_slice %arg9[%add3A_42, %dma_start3A_67] : memref<10240x128xf32, #tpu.memory_space<vmem_shared>> -> memref<64x128xf32, #tpu.memory_space<vmem_shared>>
      tpu.enqueue_dma source(%arg8 : memref<64x128xf32, #tpu.memory_space<vmem>>) target(%dma_start3A_68 : memref<64x128xf32, #tpu.memory_space<vmem_shared>>) target_semaphore(%run_scoped3A : memref<!tpu.dma_semaphore, #tpu.memory_space<semaphore_mem>>)
      %dma_wait3A = arith.constant 0 : i32
      %dma_wait3A_69 = tpu.memref_slice %arg9[%add3A_42, %dma_wait3A] : memref<10240x128xf32, #tpu.memory_space<vmem_shared>> -> memref<64x128xf32, #tpu.memory_space<vmem_shared>>
      %dma_wait3A_70 = arith.constant 0 : i32
      %dma_wait3A_71 = tpu.memref_slice %arg9[%add3A_42, %dma_wait3A_70] : memref<10240x128xf32, #tpu.memory_space<vmem_shared>> -> memref<64x128xf32, #tpu.memory_space<vmem_shared>>
      tpu.wait_dma2 semaphore(%run_scoped3A : memref<!tpu.dma_semaphore, #tpu.memory_space<semaphore_mem>>) src(%arg8 : memref<64x128xf32, #tpu.memory_space<vmem>>) dst(%dma_wait3A_71 : memref<64x128xf32, #tpu.memory_space<vmem_shared>>)
      tpu.yield
    }) : () -> ()
    %mul3A_43 = arith.constant 640 : i32
    %mul3A_44 = arith.muli %arg1, %mul3A_43 : i32
    %add3A_45 = arith.constant 576 : i32
    %add3A_46 = arith.addi %mul3A_44, %add3A_45 : i32
    "tpu.region"() ({
      %run_scoped3A = tpu.sem_alloc : memref<!tpu.dma_semaphore, #tpu.memory_space<semaphore_mem>>
      %dma_start3A = arith.constant 0 : i32
      %dma_start3A_66 = tpu.memref_slice %arg9[%add3A_46, %dma_start3A] : memref<10240x128xf32, #tpu.memory_space<vmem_shared>> -> memref<64x128xf32, #tpu.memory_space<vmem_shared>>
      %dma_start3A_67 = arith.constant 0 : i32
      %dma_start3A_68 = tpu.memref_slice %arg9[%add3A_46, %dma_start3A_67] : memref<10240x128xf32, #tpu.memory_space<vmem_shared>> -> memref<64x128xf32, #tpu.memory_space<vmem_shared>>
      tpu.enqueue_dma source(%arg8 : memref<64x128xf32, #tpu.memory_space<vmem>>) target(%dma_start3A_68 : memref<64x128xf32, #tpu.memory_space<vmem_shared>>) target_semaphore(%run_scoped3A : memref<!tpu.dma_semaphore, #tpu.memory_space<semaphore_mem>>)
      %dma_wait3A = arith.constant 0 : i32
      %dma_wait3A_69 = tpu.memref_slice %arg9[%add3A_46, %dma_wait3A] : memref<10240x128xf32, #tpu.memory_space<vmem_shared>> -> memref<64x128xf32, #tpu.memory_space<vmem_shared>>
      %dma_wait3A_70 = arith.constant 0 : i32
      %dma_wait3A_71 = tpu.memref_slice %arg9[%add3A_46, %dma_wait3A_70] : memref<10240x128xf32, #tpu.memory_space<vmem_shared>> -> memref<64x128xf32, #tpu.memory_space<vmem_shared>>
      tpu.wait_dma2 semaphore(%run_scoped3A : memref<!tpu.dma_semaphore, #tpu.memory_space<semaphore_mem>>) src(%arg8 : memref<64x128xf32, #tpu.memory_space<vmem>>) dst(%dma_wait3A_71 : memref<64x128xf32, #tpu.memory_space<vmem_shared>>)
      tpu.yield
    }) : () -> ()
    "tpu.region"() ({
      %run_scoped3A = tpu.sem_alloc : memref<!tpu.dma_semaphore, #tpu.memory_space<semaphore_mem>>
      %dma_start3A = arith.constant 0 : i32
      %dma_start3A_66 = arith.constant 0 : i32
      %dma_start3A_67 = tpu.memref_slice %arg3[%add3A, %dma_start3A, %dma_start3A_66] : memref<32x160x64xi32, #tpu.memory_space<hbm>> -> memref<1x80x64xi32, #tpu.memory_space<hbm>>
      %dma_start3A_68 = tpu.memref_squeeze %dma_start3A_67 : memref<1x80x64xi32, #tpu.memory_space<hbm>> -> memref<80x64xi32, #tpu.memory_space<hbm>>
      %dma_start3A_69 = arith.constant 0 : i32
      %dma_start3A_70 = arith.constant 0 : i32
      %dma_start3A_71 = tpu.memref_slice %arg3[%add3A, %dma_start3A_69, %dma_start3A_70] : memref<32x160x64xi32, #tpu.memory_space<hbm>> -> memref<1x80x64xi32, #tpu.memory_space<hbm>>
      %dma_start3A_72 = tpu.memref_squeeze %dma_start3A_71 : memref<1x80x64xi32, #tpu.memory_space<hbm>> -> memref<80x64xi32, #tpu.memory_space<hbm>>
      tpu.enqueue_dma source(%dma_start3A_72 : memref<80x64xi32, #tpu.memory_space<hbm>>) target(%arg6 : memref<80x64xi32, #tpu.memory_space<vmem>>) target_semaphore(%run_scoped3A : memref<!tpu.dma_semaphore, #tpu.memory_space<semaphore_mem>>)
      %dma_wait3A = arith.constant 0 : i32
      %dma_wait3A_73 = arith.constant 0 : i32
      %dma_wait3A_74 = tpu.memref_slice %arg3[%add3A, %dma_wait3A, %dma_wait3A_73] : memref<32x160x64xi32, #tpu.memory_space<hbm>> -> memref<1x80x64xi32, #tpu.memory_space<hbm>>
      %dma_wait3A_75 = tpu.memref_squeeze %dma_wait3A_74 : memref<1x80x64xi32, #tpu.memory_space<hbm>> -> memref<80x64xi32, #tpu.memory_space<hbm>>
      %dma_wait3A_76 = arith.constant 0 : i32
      %dma_wait3A_77 = arith.constant 0 : i32
      %dma_wait3A_78 = tpu.memref_slice %arg3[%add3A, %dma_wait3A_76, %dma_wait3A_77] : memref<32x160x64xi32, #tpu.memory_space<hbm>> -> memref<1x80x64xi32, #tpu.memory_space<hbm>>
      %dma_wait3A_79 = tpu.memref_squeeze %dma_wait3A_78 : memref<1x80x64xi32, #tpu.memory_space<hbm>> -> memref<80x64xi32, #tpu.memory_space<hbm>>
      tpu.wait_dma2 semaphore(%run_scoped3A : memref<!tpu.dma_semaphore, #tpu.memory_space<semaphore_mem>>) src(%dma_wait3A_79 : memref<80x64xi32, #tpu.memory_space<hbm>>) dst(%arg6 : memref<80x64xi32, #tpu.memory_space<vmem>>)
      tpu.yield
    }) : () -> ()
    "tpu.region"() ({
      %run_scoped3A = tpu.sem_alloc : memref<!tpu.dma_semaphore, #tpu.memory_space<semaphore_mem>>
      %dma_start3A = arith.constant 0 : i32
      %dma_start3A_66 = arith.constant 0 : i32
      %dma_start3A_67 = tpu.memref_slice %arg4[%add3A, %dma_start3A, %dma_start3A_66] : memref<32x160x64xi32, #tpu.memory_space<hbm>> -> memref<1x80x64xi32, #tpu.memory_space<hbm>>
      %dma_start3A_68 = tpu.memref_squeeze %dma_start3A_67 : memref<1x80x64xi32, #tpu.memory_space<hbm>> -> memref<80x64xi32, #tpu.memory_space<hbm>>
      %dma_start3A_69 = arith.constant 0 : i32
      %dma_start3A_70 = arith.constant 0 : i32
      %dma_start3A_71 = tpu.memref_slice %arg4[%add3A, %dma_start3A_69, %dma_start3A_70] : memref<32x160x64xi32, #tpu.memory_space<hbm>> -> memref<1x80x64xi32, #tpu.memory_space<hbm>>
      %dma_start3A_72 = tpu.memref_squeeze %dma_start3A_71 : memref<1x80x64xi32, #tpu.memory_space<hbm>> -> memref<80x64xi32, #tpu.memory_space<hbm>>
      tpu.enqueue_dma source(%dma_start3A_72 : memref<80x64xi32, #tpu.memory_space<hbm>>) target(%arg7 : memref<80x64xi32, #tpu.memory_space<vmem>>) target_semaphore(%run_scoped3A : memref<!tpu.dma_semaphore, #tpu.memory_space<semaphore_mem>>)
      %dma_wait3A = arith.constant 0 : i32
      %dma_wait3A_73 = arith.constant 0 : i32
      %dma_wait3A_74 = tpu.memref_slice %arg4[%add3A, %dma_wait3A, %dma_wait3A_73] : memref<32x160x64xi32, #tpu.memory_space<hbm>> -> memref<1x80x64xi32, #tpu.memory_space<hbm>>
      %dma_wait3A_75 = tpu.memref_squeeze %dma_wait3A_74 : memref<1x80x64xi32, #tpu.memory_space<hbm>> -> memref<80x64xi32, #tpu.memory_space<hbm>>
      %dma_wait3A_76 = arith.constant 0 : i32
      %dma_wait3A_77 = arith.constant 0 : i32
      %dma_wait3A_78 = tpu.memref_slice %arg4[%add3A, %dma_wait3A_76, %dma_wait3A_77] : memref<32x160x64xi32, #tpu.memory_space<hbm>> -> memref<1x80x64xi32, #tpu.memory_space<hbm>>
      %dma_wait3A_79 = tpu.memref_squeeze %dma_wait3A_78 : memref<1x80x64xi32, #tpu.memory_space<hbm>> -> memref<80x64xi32, #tpu.memory_space<hbm>>
      tpu.wait_dma2 semaphore(%run_scoped3A : memref<!tpu.dma_semaphore, #tpu.memory_space<semaphore_mem>>) src(%dma_wait3A_79 : memref<80x64xi32, #tpu.memory_space<hbm>>) dst(%arg7 : memref<80x64xi32, #tpu.memory_space<vmem>>)
      tpu.yield
    }) : () -> ()
    %barrier3A = arith.constant 0 : index
    tpu.barrier barrier_id(%barrier3A)
    %scan3A_47 = arith.constant 0 : i32
    %scan3A_48 = arith.constant 0 : i32
    %scan3A_49 = arith.constant 80 : i32
    %scan3A_50 = arith.addi %scan3A_48, %scan3A_49 : i32
    %scan3A_51 = arith.constant 1 : i32
    %scan3A_52 = scf.for %scan3A_66 = %scan3A_48 to %scan3A_50 step %scan3A_51 iter_args(%scan3A_67 = %scan3A_47) -> (i32)  : i32 {
      "tpu.region"() ({
        %run_scoped3A = tpu.sem_alloc : memref<!tpu.dma_semaphore, #tpu.memory_space<semaphore_mem>>
        %dma_start3A = arith.constant 0 : i32
        %dma_start3A_69 = tpu.memref_slice %arg6[%scan3A_66, %dma_start3A] : memref<80x64xi32, #tpu.memory_space<vmem>> -> memref<1x64xi32, #tpu.memory_space<vmem>>
        %dma_start3A_70 = tpu.memref_squeeze %dma_start3A_69 : memref<1x64xi32, #tpu.memory_space<vmem>> -> memref<64xi32, #tpu.memory_space<vmem>>
        %dma_start3A_71 = arith.constant 0 : i32
        %dma_start3A_72 = arith.constant 0 : i32
        %dma_start3A_73 = tpu.memref_slice %arg2[%dma_start3A_71, %dma_start3A_72] : memref<10240x128xf32, #tpu.memory_space<hbm>> -> memref<10240x128xf32, #tpu.memory_space<hbm>>
        tpu.enqueue_indirect_dma source(%dma_start3A_73 : memref<10240x128xf32, #tpu.memory_space<hbm>>) target(%arg8 : memref<64x128xf32, #tpu.memory_space<vmem>>) offsets(%dma_start3A_70 : memref<64xi32, #tpu.memory_space<vmem>>) semaphore(%run_scoped3A : memref<!tpu.dma_semaphore, #tpu.memory_space<semaphore_mem>>)
        %dma_wait3A = arith.constant 0 : i32
        %dma_wait3A_74 = tpu.memref_slice %arg6[%scan3A_66, %dma_wait3A] : memref<80x64xi32, #tpu.memory_space<vmem>> -> memref<1x64xi32, #tpu.memory_space<vmem>>
        %dma_wait3A_75 = tpu.memref_squeeze %dma_wait3A_74 : memref<1x64xi32, #tpu.memory_space<vmem>> -> memref<64xi32, #tpu.memory_space<vmem>>
        %dma_wait3A_76 = arith.constant 0 : i32
        %dma_wait3A_77 = arith.constant 0 : i32
        %dma_wait3A_78 = tpu.memref_slice %arg2[%dma_wait3A_76, %dma_wait3A_77] : memref<10240x128xf32, #tpu.memory_space<hbm>> -> memref<10240x128xf32, #tpu.memory_space<hbm>>
        tpu.wait_indirect_dma semaphore(%run_scoped3A : memref<!tpu.dma_semaphore, #tpu.memory_space<semaphore_mem>>) src(%dma_wait3A_78 : memref<10240x128xf32, #tpu.memory_space<hbm>>) dst(%arg8 : memref<64x128xf32, #tpu.memory_space<vmem>>)
        tpu.yield
      }) : () -> ()
      "tpu.region"() ({
        %run_scoped3A = tpu.sem_alloc : memref<!tpu.dma_semaphore, #tpu.memory_space<semaphore_mem>>
        %dma_start3A = arith.constant 0 : i32
        %dma_start3A_69 = tpu.memref_slice %arg7[%scan3A_66, %dma_start3A] : memref<80x64xi32, #tpu.memory_space<vmem>> -> memref<1x64xi32, #tpu.memory_space<vmem>>
        %dma_start3A_70 = tpu.memref_squeeze %dma_start3A_69 : memref<1x64xi32, #tpu.memory_space<vmem>> -> memref<64xi32, #tpu.memory_space<vmem>>
        %dma_start3A_71 = arith.constant 0 : i32
        %dma_start3A_72 = arith.constant 0 : i32
        %dma_start3A_73 = tpu.memref_slice %arg9[%dma_start3A_71, %dma_start3A_72] : memref<10240x128xf32, #tpu.memory_space<vmem_shared>> -> memref<10240x128xf32, #tpu.memory_space<vmem_shared>>
        tpu.enqueue_indirect_dma source(%arg8 : memref<64x128xf32, #tpu.memory_space<vmem>>) target(%dma_start3A_73 : memref<10240x128xf32, #tpu.memory_space<vmem_shared>>) offsets(%dma_start3A_70 : memref<64xi32, #tpu.memory_space<vmem>>) semaphore(%run_scoped3A : memref<!tpu.dma_semaphore, #tpu.memory_space<semaphore_mem>>) {add = true}
        %dma_wait3A = arith.constant 0 : i32
        %dma_wait3A_74 = tpu.memref_slice %arg7[%scan3A_66, %dma_wait3A] : memref<80x64xi32, #tpu.memory_space<vmem>> -> memref<1x64xi32, #tpu.memory_space<vmem>>
        %dma_wait3A_75 = tpu.memref_squeeze %dma_wait3A_74 : memref<1x64xi32, #tpu.memory_space<vmem>> -> memref<64xi32, #tpu.memory_space<vmem>>
        %dma_wait3A_76 = arith.constant 0 : i32
        %dma_wait3A_77 = arith.constant 0 : i32
        %dma_wait3A_78 = tpu.memref_slice %arg9[%dma_wait3A_76, %dma_wait3A_77] : memref<10240x128xf32, #tpu.memory_space<vmem_shared>> -> memref<10240x128xf32, #tpu.memory_space<vmem_shared>>
        tpu.wait_indirect_dma semaphore(%run_scoped3A : memref<!tpu.dma_semaphore, #tpu.memory_space<semaphore_mem>>) src(%arg8 : memref<64x128xf32, #tpu.memory_space<vmem>>) dst(%dma_wait3A_78 : memref<10240x128xf32, #tpu.memory_space<vmem_shared>>)
        tpu.yield
      }) : () -> ()
      %scan3A_68 = arith.constant 0 : i32
      scf.yield %scan3A_68 : i32
    }
    %scan3A_53 = arith.constant 80 : i32
    "tpu.region"() ({
      %run_scoped3A = tpu.sem_alloc : memref<!tpu.dma_semaphore, #tpu.memory_space<semaphore_mem>>
      %dma_start3A = arith.constant 80 : i32
      %dma_start3A_66 = arith.constant 0 : i32
      %dma_start3A_67 = tpu.memref_slice %arg3[%add3A, %dma_start3A, %dma_start3A_66] : memref<32x160x64xi32, #tpu.memory_space<hbm>> -> memref<1x80x64xi32, #tpu.memory_space<hbm>>
      %dma_start3A_68 = tpu.memref_squeeze %dma_start3A_67 : memref<1x80x64xi32, #tpu.memory_space<hbm>> -> memref<80x64xi32, #tpu.memory_space<hbm>>
      %dma_start3A_69 = arith.constant 80 : i32
      %dma_start3A_70 = arith.constant 0 : i32
      %dma_start3A_71 = tpu.memref_slice %arg3[%add3A, %dma_start3A_69, %dma_start3A_70] : memref<32x160x64xi32, #tpu.memory_space<hbm>> -> memref<1x80x64xi32, #tpu.memory_space<hbm>>
      %dma_start3A_72 = tpu.memref_squeeze %dma_start3A_71 : memref<1x80x64xi32, #tpu.memory_space<hbm>> -> memref<80x64xi32, #tpu.memory_space<hbm>>
      tpu.enqueue_dma source(%dma_start3A_72 : memref<80x64xi32, #tpu.memory_space<hbm>>) target(%arg6 : memref<80x64xi32, #tpu.memory_space<vmem>>) target_semaphore(%run_scoped3A : memref<!tpu.dma_semaphore, #tpu.memory_space<semaphore_mem>>)
      %dma_wait3A = arith.constant 80 : i32
      %dma_wait3A_73 = arith.constant 0 : i32
      %dma_wait3A_74 = tpu.memref_slice %arg3[%add3A, %dma_wait3A, %dma_wait3A_73] : memref<32x160x64xi32, #tpu.memory_space<hbm>> -> memref<1x80x64xi32, #tpu.memory_space<hbm>>
      %dma_wait3A_75 = tpu.memref_squeeze %dma_wait3A_74 : memref<1x80x64xi32, #tpu.memory_space<hbm>> -> memref<80x64xi32, #tpu.memory_space<hbm>>
      %dma_wait3A_76 = arith.constant 80 : i32
      %dma_wait3A_77 = arith.constant 0 : i32
      %dma_wait3A_78 = tpu.memref_slice %arg3[%add3A, %dma_wait3A_76, %dma_wait3A_77] : memref<32x160x64xi32, #tpu.memory_space<hbm>> -> memref<1x80x64xi32, #tpu.memory_space<hbm>>
      %dma_wait3A_79 = tpu.memref_squeeze %dma_wait3A_78 : memref<1x80x64xi32, #tpu.memory_space<hbm>> -> memref<80x64xi32, #tpu.memory_space<hbm>>
      tpu.wait_dma2 semaphore(%run_scoped3A : memref<!tpu.dma_semaphore, #tpu.memory_space<semaphore_mem>>) src(%dma_wait3A_79 : memref<80x64xi32, #tpu.memory_space<hbm>>) dst(%arg6 : memref<80x64xi32, #tpu.memory_space<vmem>>)
      tpu.yield
    }) : () -> ()
    "tpu.region"() ({
      %run_scoped3A = tpu.sem_alloc : memref<!tpu.dma_semaphore, #tpu.memory_space<semaphore_mem>>
      %dma_start3A = arith.constant 80 : i32
      %dma_start3A_66 = arith.constant 0 : i32
      %dma_start3A_67 = tpu.memref_slice %arg4[%add3A, %dma_start3A, %dma_start3A_66] : memref<32x160x64xi32, #tpu.memory_space<hbm>> -> memref<1x80x64xi32, #tpu.memory_space<hbm>>
      %dma_start3A_68 = tpu.memref_squeeze %dma_start3A_67 : memref<1x80x64xi32, #tpu.memory_space<hbm>> -> memref<80x64xi32, #tpu.memory_space<hbm>>
      %dma_start3A_69 = arith.constant 80 : i32
      %dma_start3A_70 = arith.constant 0 : i32
      %dma_start3A_71 = tpu.memref_slice %arg4[%add3A, %dma_start3A_69, %dma_start3A_70] : memref<32x160x64xi32, #tpu.memory_space<hbm>> -> memref<1x80x64xi32, #tpu.memory_space<hbm>>
      %dma_start3A_72 = tpu.memref_squeeze %dma_start3A_71 : memref<1x80x64xi32, #tpu.memory_space<hbm>> -> memref<80x64xi32, #tpu.memory_space<hbm>>
      tpu.enqueue_dma source(%dma_start3A_72 : memref<80x64xi32, #tpu.memory_space<hbm>>) target(%arg7 : memref<80x64xi32, #tpu.memory_space<vmem>>) target_semaphore(%run_scoped3A : memref<!tpu.dma_semaphore, #tpu.memory_space<semaphore_mem>>)
      %dma_wait3A = arith.constant 80 : i32
      %dma_wait3A_73 = arith.constant 0 : i32
      %dma_wait3A_74 = tpu.memref_slice %arg4[%add3A, %dma_wait3A, %dma_wait3A_73] : memref<32x160x64xi32, #tpu.memory_space<hbm>> -> memref<1x80x64xi32, #tpu.memory_space<hbm>>
      %dma_wait3A_75 = tpu.memref_squeeze %dma_wait3A_74 : memref<1x80x64xi32, #tpu.memory_space<hbm>> -> memref<80x64xi32, #tpu.memory_space<hbm>>
      %dma_wait3A_76 = arith.constant 80 : i32
      %dma_wait3A_77 = arith.constant 0 : i32
      %dma_wait3A_78 = tpu.memref_slice %arg4[%add3A, %dma_wait3A_76, %dma_wait3A_77] : memref<32x160x64xi32, #tpu.memory_space<hbm>> -> memref<1x80x64xi32, #tpu.memory_space<hbm>>
      %dma_wait3A_79 = tpu.memref_squeeze %dma_wait3A_78 : memref<1x80x64xi32, #tpu.memory_space<hbm>> -> memref<80x64xi32, #tpu.memory_space<hbm>>
      tpu.wait_dma2 semaphore(%run_scoped3A : memref<!tpu.dma_semaphore, #tpu.memory_space<semaphore_mem>>) src(%dma_wait3A_79 : memref<80x64xi32, #tpu.memory_space<hbm>>) dst(%arg7 : memref<80x64xi32, #tpu.memory_space<vmem>>)
      tpu.yield
    }) : () -> ()
    %scan3A_54 = arith.constant 0 : i32
    %scan3A_55 = arith.constant 0 : i32
    %scan3A_56 = arith.constant 80 : i32
    %scan3A_57 = arith.addi %scan3A_55, %scan3A_56 : i32
    %scan3A_58 = arith.constant 1 : i32
    %scan3A_59 = scf.for %scan3A_66 = %scan3A_55 to %scan3A_57 step %scan3A_58 iter_args(%scan3A_67 = %scan3A_54) -> (i32)  : i32 {
      "tpu.region"() ({
        %run_scoped3A = tpu.sem_alloc : memref<!tpu.dma_semaphore, #tpu.memory_space<semaphore_mem>>
        %dma_start3A = arith.constant 0 : i32
        %dma_start3A_69 = tpu.memref_slice %arg6[%scan3A_66, %dma_start3A] : memref<80x64xi32, #tpu.memory_space<vmem>> -> memref<1x64xi32, #tpu.memory_space<vmem>>
        %dma_start3A_70 = tpu.memref_squeeze %dma_start3A_69 : memref<1x64xi32, #tpu.memory_space<vmem>> -> memref<64xi32, #tpu.memory_space<vmem>>
        %dma_start3A_71 = arith.constant 0 : i32
        %dma_start3A_72 = arith.constant 0 : i32
        %dma_start3A_73 = tpu.memref_slice %arg2[%dma_start3A_71, %dma_start3A_72] : memref<10240x128xf32, #tpu.memory_space<hbm>> -> memref<10240x128xf32, #tpu.memory_space<hbm>>
        tpu.enqueue_indirect_dma source(%dma_start3A_73 : memref<10240x128xf32, #tpu.memory_space<hbm>>) target(%arg8 : memref<64x128xf32, #tpu.memory_space<vmem>>) offsets(%dma_start3A_70 : memref<64xi32, #tpu.memory_space<vmem>>) semaphore(%run_scoped3A : memref<!tpu.dma_semaphore, #tpu.memory_space<semaphore_mem>>)
        %dma_wait3A = arith.constant 0 : i32
        %dma_wait3A_74 = tpu.memref_slice %arg6[%scan3A_66, %dma_wait3A] : memref<80x64xi32, #tpu.memory_space<vmem>> -> memref<1x64xi32, #tpu.memory_space<vmem>>
        %dma_wait3A_75 = tpu.memref_squeeze %dma_wait3A_74 : memref<1x64xi32, #tpu.memory_space<vmem>> -> memref<64xi32, #tpu.memory_space<vmem>>
        %dma_wait3A_76 = arith.constant 0 : i32
        %dma_wait3A_77 = arith.constant 0 : i32
        %dma_wait3A_78 = tpu.memref_slice %arg2[%dma_wait3A_76, %dma_wait3A_77] : memref<10240x128xf32, #tpu.memory_space<hbm>> -> memref<10240x128xf32, #tpu.memory_space<hbm>>
        tpu.wait_indirect_dma semaphore(%run_scoped3A : memref<!tpu.dma_semaphore, #tpu.memory_space<semaphore_mem>>) src(%dma_wait3A_78 : memref<10240x128xf32, #tpu.memory_space<hbm>>) dst(%arg8 : memref<64x128xf32, #tpu.memory_space<vmem>>)
        tpu.yield
      }) : () -> ()
      "tpu.region"() ({
        %run_scoped3A = tpu.sem_alloc : memref<!tpu.dma_semaphore, #tpu.memory_space<semaphore_mem>>
        %dma_start3A = arith.constant 0 : i32
        %dma_start3A_69 = tpu.memref_slice %arg7[%scan3A_66, %dma_start3A] : memref<80x64xi32, #tpu.memory_space<vmem>> -> memref<1x64xi32, #tpu.memory_space<vmem>>
        %dma_start3A_70 = tpu.memref_squeeze %dma_start3A_69 : memref<1x64xi32, #tpu.memory_space<vmem>> -> memref<64xi32, #tpu.memory_space<vmem>>
        %dma_start3A_71 = arith.constant 0 : i32
        %dma_start3A_72 = arith.constant 0 : i32
        %dma_start3A_73 = tpu.memref_slice %arg9[%dma_start3A_71, %dma_start3A_72] : memref<10240x128xf32, #tpu.memory_space<vmem_shared>> -> memref<10240x128xf32, #tpu.memory_space<vmem_shared>>
        tpu.enqueue_indirect_dma source(%arg8 : memref<64x128xf32, #tpu.memory_space<vmem>>) target(%dma_start3A_73 : memref<10240x128xf32, #tpu.memory_space<vmem_shared>>) offsets(%dma_start3A_70 : memref<64xi32, #tpu.memory_space<vmem>>) semaphore(%run_scoped3A : memref<!tpu.dma_semaphore, #tpu.memory_space<semaphore_mem>>) {add = true}
        %dma_wait3A = arith.constant 0 : i32
        %dma_wait3A_74 = tpu.memref_slice %arg7[%scan3A_66, %dma_wait3A] : memref<80x64xi32, #tpu.memory_space<vmem>> -> memref<1x64xi32, #tpu.memory_space<vmem>>
        %dma_wait3A_75 = tpu.memref_squeeze %dma_wait3A_74 : memref<1x64xi32, #tpu.memory_space<vmem>> -> memref<64xi32, #tpu.memory_space<vmem>>
        %dma_wait3A_76 = arith.constant 0 : i32
        %dma_wait3A_77 = arith.constant 0 : i32
        %dma_wait3A_78 = tpu.memref_slice %arg9[%dma_wait3A_76, %dma_wait3A_77] : memref<10240x128xf32, #tpu.memory_space<vmem_shared>> -> memref<10240x128xf32, #tpu.memory_space<vmem_shared>>
        tpu.wait_indirect_dma semaphore(%run_scoped3A : memref<!tpu.dma_semaphore, #tpu.memory_space<semaphore_mem>>) src(%arg8 : memref<64x128xf32, #tpu.memory_space<vmem>>) dst(%dma_wait3A_78 : memref<10240x128xf32, #tpu.memory_space<vmem_shared>>)
        tpu.yield
      }) : () -> ()
      %scan3A_68 = arith.constant 0 : i32
      scf.yield %scan3A_68 : i32
    }
    %scan3A_60 = arith.constant 80 : i32
    %barrier3A_61 = arith.constant 0 : index
    tpu.barrier barrier_id(%barrier3A_61)
    %mul3A_62 = arith.constant 640 : i32
    %mul3A_63 = arith.muli %arg1, %mul3A_62 : i32
    %mul3A_64 = arith.constant 640 : i32
    %mul3A_65 = arith.muli %arg1, %mul3A_64 : i32
    "tpu.region"() ({
      %run_scoped3A = tpu.sem_alloc : memref<!tpu.dma_semaphore, #tpu.memory_space<semaphore_mem>>
      %dma_start3A = arith.constant 0 : i32
      %dma_start3A_66 = tpu.memref_slice %arg5[%arg0, %mul3A_65, %dma_start3A] : memref<2x10240x128xf32, #tpu.memory_space<hbm>> -> memref<1x640x128xf32, #tpu.memory_space<hbm>>
      %dma_start3A_67 = tpu.memref_squeeze %dma_start3A_66 : memref<1x640x128xf32, #tpu.memory_space<hbm>> -> memref<640x128xf32, #tpu.memory_space<hbm>>
      %dma_start3A_68 = arith.constant 0 : i32
      %dma_start3A_69 = tpu.memref_slice %arg9[%mul3A_63, %dma_start3A_68] : memref<10240x128xf32, #tpu.memory_space<vmem_shared>> -> memref<640x128xf32, #tpu.memory_space<vmem_shared>>
      tpu.enqueue_dma source(%dma_start3A_69 : memref<640x128xf32, #tpu.memory_space<vmem_shared>>) target(%dma_start3A_67 : memref<640x128xf32, #tpu.memory_space<hbm>>) target_semaphore(%run_scoped3A : memref<!tpu.dma_semaphore, #tpu.memory_space<semaphore_mem>>)
      %dma_wait3A = arith.constant 0 : i32
      %dma_wait3A_70 = tpu.memref_slice %arg5[%arg0, %mul3A_65, %dma_wait3A] : memref<2x10240x128xf32, #tpu.memory_space<hbm>> -> memref<1x640x128xf32, #tpu.memory_space<hbm>>
      %dma_wait3A_71 = tpu.memref_squeeze %dma_wait3A_70 : memref<1x640x128xf32, #tpu.memory_space<hbm>> -> memref<640x128xf32, #tpu.memory_space<hbm>>
      %dma_wait3A_72 = arith.constant 0 : i32
      %dma_wait3A_73 = tpu.memref_slice %arg9[%mul3A_63, %dma_wait3A_72] : memref<10240x128xf32, #tpu.memory_space<vmem_shared>> -> memref<640x128xf32, #tpu.memory_space<vmem_shared>>
      tpu.wait_dma2 semaphore(%run_scoped3A : memref<!tpu.dma_semaphore, #tpu.memory_space<semaphore_mem>>) src(%dma_wait3A_73 : memref<640x128xf32, #tpu.memory_space<vmem_shared>>) dst(%dma_wait3A_71 : memref<640x128xf32, #tpu.memory_space<hbm>>)
      tpu.yield
    }) : () -> ()
    return
  }
}

module attributes {stable_mosaic.version = 14 : i64} {
  func.func @_kan_body(%arg0: i32, %arg1: memref<256x128xf32, #tpu.memory_space<vmem>>, %arg2: memref<2x256x128xf32, #tpu.memory_space<vmem>>, %arg3: memref<8x128x128xf32, #tpu.memory_space<vmem>>, %arg4: memref<1x128xf32, #tpu.memory_space<vmem>>, %arg5: memref<256x128xf32, #tpu.memory_space<vmem>>, %arg6: memref<256x128xf32, #tpu.memory_space<vmem>>) attributes {dimension_semantics = [#tpu.dimension_semantics<arbitrary>], iteration_bounds = array<i64: 40>, scalar_prefetch = 0 : i64, scratch_operands = 0 : i64, tpu.core_type = #tpu.core_type<tc>, window_params = [{transform_indices = @transform_0, window_bounds = array<i64: 256, 128>}, {transform_indices = @transform_1, window_bounds = array<i64: 2, 256, 128>}, {pipeline_mode = #tpu.pipeline_mode<synchronous>, transform_indices = @transform_2, window_bounds = array<i64: 8, 128, 128>}, {pipeline_mode = #tpu.pipeline_mode<synchronous>, transform_indices = @transform_3, window_bounds = array<i64: 1, 128>}, {transform_indices = @transform_4, window_bounds = array<i64: 256, 128>}, {transform_indices = @transform_5, window_bounds = array<i64: 256, 128>}]} {
    %get3A = arith.constant 0 : index
    %get3A_0 = arith.constant 0 : index
    %get3A_1 = vector.load %arg1[%get3A, %get3A_0] : memref<256x128xf32, #tpu.memory_space<vmem>>, vector<256x128xf32>
    %get3A_2 = arith.constant 0 : index
    %get3A_3 = arith.constant 0 : index
    %get3A_4 = vector.load %arg4[%get3A_2, %get3A_3] : memref<1x128xf32, #tpu.memory_space<vmem>>, vector<1x128xf32>
    %broadcast_in_dim3A = arith.constant 0.000000e+00 : f32
    %broadcast_in_dim3A_5 = vector.broadcast %broadcast_in_dim3A : f32 to vector<256x128xf32>
    %add3A = vector.broadcast %get3A_4 : vector<1x128xf32> to vector<256x128xf32>
    %add3A_6 = arith.addf %add3A, %broadcast_in_dim3A_5 : vector<256x128xf32>
    %get3A_7 = arith.constant 0 : index
    %get3A_8 = arith.constant 0 : index
    %get3A_9 = arith.constant 0 : index
    %get3A_10 = vector.load %arg2[%get3A_7, %get3A_8, %get3A_9] : memref<2x256x128xf32, #tpu.memory_space<vmem>>, vector<1x256x128xf32>
    %get3A_11 = vector.shape_cast %get3A_10 : vector<1x256x128xf32> to vector<256x128xf32>
    %get3A_12 = arith.constant 1 : index
    %get3A_13 = arith.constant 0 : index
    %get3A_14 = arith.constant 0 : index
    %get3A_15 = vector.load %arg2[%get3A_12, %get3A_13, %get3A_14] : memref<2x256x128xf32, #tpu.memory_space<vmem>>, vector<1x256x128xf32>
    %get3A_16 = vector.shape_cast %get3A_15 : vector<1x256x128xf32> to vector<256x128xf32>
    %add3A_17 = arith.addf %get3A_11, %get3A_16 : vector<256x128xf32>
    %max3A = arith.constant 1.000000e+00 : f32
    %max3A_18 = vector.broadcast %max3A : f32 to vector<256x128xf32>
    %max3A_19 = arith.maximumf %add3A_17, %max3A_18 : vector<256x128xf32>
    %div3A = arith.constant 1.000000e+00 : f32
    %div3A_20 = vector.broadcast %div3A : f32 to vector<256x128xf32>
    %div3A_21 = arith.divf %div3A_20, %max3A_19 : vector<256x128xf32>
    %mul3A = arith.mulf %get3A_1, %div3A_21 : vector<256x128xf32>
    %swap3A = arith.constant 0 : index
    %swap3A_22 = arith.constant 0 : index
    %swap3A_23 = vector.load %arg6[%swap3A, %swap3A_22] : memref<256x128xf32, #tpu.memory_space<vmem>>, vector<256x128xf32>
    tpu.vector_store %arg6[%swap3A, %swap3A_22], %mul3A {strides = array<i32>} : memref<256x128xf32, #tpu.memory_space<vmem>>, vector<256x128xf32>,
    %reduce_sum3A = arith.constant dense<0.000000e+00> : vector<256xf32>
    %reduce_sum3A_24 = vector.multi_reduction <add>, %get3A_1, %reduce_sum3A [1] : vector<256x128xf32> to vector<256xf32>
    %broadcast_in_dim3A_25 = vector.shape_cast %reduce_sum3A_24 : vector<256xf32> to vector<256x1xf32>
    %div3A_26 = arith.constant 1.280000e+02 : f32
    %div3A_27 = vector.broadcast %div3A_26 : f32 to vector<256x1xf32>
    %div3A_28 = arith.divf %broadcast_in_dim3A_25, %div3A_27 : vector<256x1xf32>
    %sub3A = vector.broadcast %div3A_28 : vector<256x1xf32> to vector<256x128xf32>
    %sub3A_29 = arith.subf %get3A_1, %sub3A : vector<256x128xf32>
    %integer_pow3A = arith.mulf %sub3A_29, %sub3A_29 : vector<256x128xf32>
    %reduce_sum3A_30 = arith.constant dense<0.000000e+00> : vector<256xf32>
    %reduce_sum3A_31 = vector.multi_reduction <add>, %integer_pow3A, %reduce_sum3A_30 [1] : vector<256x128xf32> to vector<256xf32>
    %broadcast_in_dim3A_32 = vector.shape_cast %reduce_sum3A_31 : vector<256xf32> to vector<256x1xf32>
    %div3A_33 = arith.constant 1.280000e+02 : f32
    %div3A_34 = vector.broadcast %div3A_33 : f32 to vector<256x1xf32>
    %div3A_35 = arith.divf %broadcast_in_dim3A_32, %div3A_34 : vector<256x1xf32>
    %sub3A_36 = vector.broadcast %div3A_28 : vector<256x1xf32> to vector<256x128xf32>
    %sub3A_37 = arith.subf %get3A_1, %sub3A_36 : vector<256x128xf32>
    %add3A_38 = arith.constant 9.99999974E-6 : f32
    %add3A_39 = vector.broadcast %add3A_38 : f32 to vector<256x1xf32>
    %add3A_40 = arith.addf %div3A_35, %add3A_39 : vector<256x1xf32>
    %rsqrt3A = math.rsqrt %add3A_40 : vector<256x1xf32>
    %mul3A_41 = vector.broadcast %rsqrt3A : vector<256x1xf32> to vector<256x128xf32>
    %mul3A_42 = arith.mulf %sub3A_37, %mul3A_41 : vector<256x128xf32>
    %sub3A_43 = arith.constant -2.000000e+00 : f32
    %sub3A_44 = vector.broadcast %sub3A_43 : f32 to vector<256x128xf32>
    %sub3A_45 = arith.subf %mul3A_42, %sub3A_44 : vector<256x128xf32>
    %mul3A_46 = arith.constant 1.750000e+00 : f32
    %mul3A_47 = vector.broadcast %mul3A_46 : f32 to vector<256x128xf32>
    %mul3A_48 = arith.mulf %sub3A_45, %mul3A_47 : vector<256x128xf32>
    %integer_pow3A_49 = arith.mulf %mul3A_48, %mul3A_48 : vector<256x128xf32>
    %neg3A = arith.constant 0.000000e+00 : f32
    %neg3A_50 = vector.broadcast %neg3A : f32 to vector<256x128xf32>
    %neg3A_51 = arith.subf %neg3A_50, %integer_pow3A_49 : vector<256x128xf32>
    %exp3A = math.exp %neg3A_51 : vector<256x128xf32>
    %get3A_52 = arith.constant 0 : index
    %get3A_53 = arith.constant 0 : index
    %get3A_54 = arith.constant 0 : index
    %get3A_55 = vector.load %arg3[%get3A_52, %get3A_53, %get3A_54] : memref<8x128x128xf32, #tpu.memory_space<vmem>>, vector<1x128x128xf32>
    %get3A_56 = vector.shape_cast %get3A_55 : vector<1x128x128xf32> to vector<128x128xf32>
    %dot_general3A = arith.constant dense<0.000000e+00> : vector<256x128xf32>
    %dot_general3A_57 = tpu.matmul %exp3A, %get3A_56, %dot_general3A {dimension_numbers = #tpu.dot_dimension_numbers<[1], [0], [0], [1], [0, 0, 1, 1], [], []>, transpose_lhs_hint = false} : vector<256x128xf32>, vector<128x128xf32>, vector<256x128xf32> -> vector<256x128xf32>
    %add3A_58 = arith.addf %add3A_6, %dot_general3A_57 : vector<256x128xf32>
    %sub3A_59 = arith.constant -1.42857146 : f32
    %sub3A_60 = vector.broadcast %sub3A_59 : f32 to vector<256x128xf32>
    %sub3A_61 = arith.subf %mul3A_42, %sub3A_60 : vector<256x128xf32>
    %mul3A_62 = arith.constant 1.750000e+00 : f32
    %mul3A_63 = vector.broadcast %mul3A_62 : f32 to vector<256x128xf32>
    %mul3A_64 = arith.mulf %sub3A_61, %mul3A_63 : vector<256x128xf32>
    %integer_pow3A_65 = arith.mulf %mul3A_64, %mul3A_64 : vector<256x128xf32>
    %neg3A_66 = arith.constant 0.000000e+00 : f32
    %neg3A_67 = vector.broadcast %neg3A_66 : f32 to vector<256x128xf32>
    %neg3A_68 = arith.subf %neg3A_67, %integer_pow3A_65 : vector<256x128xf32>
    %exp3A_69 = math.exp %neg3A_68 : vector<256x128xf32>
    %get3A_70 = arith.constant 1 : index
    %get3A_71 = arith.constant 0 : index
    %get3A_72 = arith.constant 0 : index
    %get3A_73 = vector.load %arg3[%get3A_70, %get3A_71, %get3A_72] : memref<8x128x128xf32, #tpu.memory_space<vmem>>, vector<1x128x128xf32>
    %get3A_74 = vector.shape_cast %get3A_73 : vector<1x128x128xf32> to vector<128x128xf32>
    %dot_general3A_75 = arith.constant dense<0.000000e+00> : vector<256x128xf32>
    %dot_general3A_76 = tpu.matmul %exp3A_69, %get3A_74, %dot_general3A_75 {dimension_numbers = #tpu.dot_dimension_numbers<[1], [0], [0], [1], [0, 0, 1, 1], [], []>, transpose_lhs_hint = false} : vector<256x128xf32>, vector<128x128xf32>, vector<256x128xf32> -> vector<256x128xf32>
    %add3A_77 = arith.addf %add3A_58, %dot_general3A_76 : vector<256x128xf32>
    %sub3A_78 = arith.constant -0.857142865 : f32
    %sub3A_79 = vector.broadcast %sub3A_78 : f32 to vector<256x128xf32>
    %sub3A_80 = arith.subf %mul3A_42, %sub3A_79 : vector<256x128xf32>
    %mul3A_81 = arith.constant 1.750000e+00 : f32
    %mul3A_82 = vector.broadcast %mul3A_81 : f32 to vector<256x128xf32>
    %mul3A_83 = arith.mulf %sub3A_80, %mul3A_82 : vector<256x128xf32>
    %integer_pow3A_84 = arith.mulf %mul3A_83, %mul3A_83 : vector<256x128xf32>
    %neg3A_85 = arith.constant 0.000000e+00 : f32
    %neg3A_86 = vector.broadcast %neg3A_85 : f32 to vector<256x128xf32>
    %neg3A_87 = arith.subf %neg3A_86, %integer_pow3A_84 : vector<256x128xf32>
    %exp3A_88 = math.exp %neg3A_87 : vector<256x128xf32>
    %get3A_89 = arith.constant 2 : index
    %get3A_90 = arith.constant 0 : index
    %get3A_91 = arith.constant 0 : index
    %get3A_92 = vector.load %arg3[%get3A_89, %get3A_90, %get3A_91] : memref<8x128x128xf32, #tpu.memory_space<vmem>>, vector<1x128x128xf32>
    %get3A_93 = vector.shape_cast %get3A_92 : vector<1x128x128xf32> to vector<128x128xf32>
    %dot_general3A_94 = arith.constant dense<0.000000e+00> : vector<256x128xf32>
    %dot_general3A_95 = tpu.matmul %exp3A_88, %get3A_93, %dot_general3A_94 {dimension_numbers = #tpu.dot_dimension_numbers<[1], [0], [0], [1], [0, 0, 1, 1], [], []>, transpose_lhs_hint = false} : vector<256x128xf32>, vector<128x128xf32>, vector<256x128xf32> -> vector<256x128xf32>
    %add3A_96 = arith.addf %add3A_77, %dot_general3A_95 : vector<256x128xf32>
    %sub3A_97 = arith.constant -0.285714298 : f32
    %sub3A_98 = vector.broadcast %sub3A_97 : f32 to vector<256x128xf32>
    %sub3A_99 = arith.subf %mul3A_42, %sub3A_98 : vector<256x128xf32>
    %mul3A_100 = arith.constant 1.750000e+00 : f32
    %mul3A_101 = vector.broadcast %mul3A_100 : f32 to vector<256x128xf32>
    %mul3A_102 = arith.mulf %sub3A_99, %mul3A_101 : vector<256x128xf32>
    %integer_pow3A_103 = arith.mulf %mul3A_102, %mul3A_102 : vector<256x128xf32>
    %neg3A_104 = arith.constant 0.000000e+00 : f32
    %neg3A_105 = vector.broadcast %neg3A_104 : f32 to vector<256x128xf32>
    %neg3A_106 = arith.subf %neg3A_105, %integer_pow3A_103 : vector<256x128xf32>
    %exp3A_107 = math.exp %neg3A_106 : vector<256x128xf32>
    %get3A_108 = arith.constant 3 : index
    %get3A_109 = arith.constant 0 : index
    %get3A_110 = arith.constant 0 : index
    %get3A_111 = vector.load %arg3[%get3A_108, %get3A_109, %get3A_110] : memref<8x128x128xf32, #tpu.memory_space<vmem>>, vector<1x128x128xf32>
    %get3A_112 = vector.shape_cast %get3A_111 : vector<1x128x128xf32> to vector<128x128xf32>
    %dot_general3A_113 = arith.constant dense<0.000000e+00> : vector<256x128xf32>
    %dot_general3A_114 = tpu.matmul %exp3A_107, %get3A_112, %dot_general3A_113 {dimension_numbers = #tpu.dot_dimension_numbers<[1], [0], [0], [1], [0, 0, 1, 1], [], []>, transpose_lhs_hint = false} : vector<256x128xf32>, vector<128x128xf32>, vector<256x128xf32> -> vector<256x128xf32>
    %add3A_115 = arith.addf %add3A_96, %dot_general3A_114 : vector<256x128xf32>
    %sub3A_116 = arith.constant 0.285714298 : f32
    %sub3A_117 = vector.broadcast %sub3A_116 : f32 to vector<256x128xf32>
    %sub3A_118 = arith.subf %mul3A_42, %sub3A_117 : vector<256x128xf32>
    %mul3A_119 = arith.constant 1.750000e+00 : f32
    %mul3A_120 = vector.broadcast %mul3A_119 : f32 to vector<256x128xf32>
    %mul3A_121 = arith.mulf %sub3A_118, %mul3A_120 : vector<256x128xf32>
    %integer_pow3A_122 = arith.mulf %mul3A_121, %mul3A_121 : vector<256x128xf32>
    %neg3A_123 = arith.constant 0.000000e+00 : f32
    %neg3A_124 = vector.broadcast %neg3A_123 : f32 to vector<256x128xf32>
    %neg3A_125 = arith.subf %neg3A_124, %integer_pow3A_122 : vector<256x128xf32>
    %exp3A_126 = math.exp %neg3A_125 : vector<256x128xf32>
    %get3A_127 = arith.constant 4 : index
    %get3A_128 = arith.constant 0 : index
    %get3A_129 = arith.constant 0 : index
    %get3A_130 = vector.load %arg3[%get3A_127, %get3A_128, %get3A_129] : memref<8x128x128xf32, #tpu.memory_space<vmem>>, vector<1x128x128xf32>
    %get3A_131 = vector.shape_cast %get3A_130 : vector<1x128x128xf32> to vector<128x128xf32>
    %dot_general3A_132 = arith.constant dense<0.000000e+00> : vector<256x128xf32>
    %dot_general3A_133 = tpu.matmul %exp3A_126, %get3A_131, %dot_general3A_132 {dimension_numbers = #tpu.dot_dimension_numbers<[1], [0], [0], [1], [0, 0, 1, 1], [], []>, transpose_lhs_hint = false} : vector<256x128xf32>, vector<128x128xf32>, vector<256x128xf32> -> vector<256x128xf32>
    %add3A_134 = arith.addf %add3A_115, %dot_general3A_133 : vector<256x128xf32>
    %sub3A_135 = arith.constant 0.857142865 : f32
    %sub3A_136 = vector.broadcast %sub3A_135 : f32 to vector<256x128xf32>
    %sub3A_137 = arith.subf %mul3A_42, %sub3A_136 : vector<256x128xf32>
    %mul3A_138 = arith.constant 1.750000e+00 : f32
    %mul3A_139 = vector.broadcast %mul3A_138 : f32 to vector<256x128xf32>
    %mul3A_140 = arith.mulf %sub3A_137, %mul3A_139 : vector<256x128xf32>
    %integer_pow3A_141 = arith.mulf %mul3A_140, %mul3A_140 : vector<256x128xf32>
    %neg3A_142 = arith.constant 0.000000e+00 : f32
    %neg3A_143 = vector.broadcast %neg3A_142 : f32 to vector<256x128xf32>
    %neg3A_144 = arith.subf %neg3A_143, %integer_pow3A_141 : vector<256x128xf32>
    %exp3A_145 = math.exp %neg3A_144 : vector<256x128xf32>
    %get3A_146 = arith.constant 5 : index
    %get3A_147 = arith.constant 0 : index
    %get3A_148 = arith.constant 0 : index
    %get3A_149 = vector.load %arg3[%get3A_146, %get3A_147, %get3A_148] : memref<8x128x128xf32, #tpu.memory_space<vmem>>, vector<1x128x128xf32>
    %get3A_150 = vector.shape_cast %get3A_149 : vector<1x128x128xf32> to vector<128x128xf32>
    %dot_general3A_151 = arith.constant dense<0.000000e+00> : vector<256x128xf32>
    %dot_general3A_152 = tpu.matmul %exp3A_145, %get3A_150, %dot_general3A_151 {dimension_numbers = #tpu.dot_dimension_numbers<[1], [0], [0], [1], [0, 0, 1, 1], [], []>, transpose_lhs_hint = false} : vector<256x128xf32>, vector<128x128xf32>, vector<256x128xf32> -> vector<256x128xf32>
    %add3A_153 = arith.addf %add3A_134, %dot_general3A_152 : vector<256x128xf32>
    %sub3A_154 = arith.constant 1.42857146 : f32
    %sub3A_155 = vector.broadcast %sub3A_154 : f32 to vector<256x128xf32>
    %sub3A_156 = arith.subf %mul3A_42, %sub3A_155 : vector<256x128xf32>
    %mul3A_157 = arith.constant 1.750000e+00 : f32
    %mul3A_158 = vector.broadcast %mul3A_157 : f32 to vector<256x128xf32>
    %mul3A_159 = arith.mulf %sub3A_156, %mul3A_158 : vector<256x128xf32>
    %integer_pow3A_160 = arith.mulf %mul3A_159, %mul3A_159 : vector<256x128xf32>
    %neg3A_161 = arith.constant 0.000000e+00 : f32
    %neg3A_162 = vector.broadcast %neg3A_161 : f32 to vector<256x128xf32>
    %neg3A_163 = arith.subf %neg3A_162, %integer_pow3A_160 : vector<256x128xf32>
    %exp3A_164 = math.exp %neg3A_163 : vector<256x128xf32>
    %get3A_165 = arith.constant 6 : index
    %get3A_166 = arith.constant 0 : index
    %get3A_167 = arith.constant 0 : index
    %get3A_168 = vector.load %arg3[%get3A_165, %get3A_166, %get3A_167] : memref<8x128x128xf32, #tpu.memory_space<vmem>>, vector<1x128x128xf32>
    %get3A_169 = vector.shape_cast %get3A_168 : vector<1x128x128xf32> to vector<128x128xf32>
    %dot_general3A_170 = arith.constant dense<0.000000e+00> : vector<256x128xf32>
    %dot_general3A_171 = tpu.matmul %exp3A_164, %get3A_169, %dot_general3A_170 {dimension_numbers = #tpu.dot_dimension_numbers<[1], [0], [0], [1], [0, 0, 1, 1], [], []>, transpose_lhs_hint = false} : vector<256x128xf32>, vector<128x128xf32>, vector<256x128xf32> -> vector<256x128xf32>
    %add3A_172 = arith.addf %add3A_153, %dot_general3A_171 : vector<256x128xf32>
    %sub3A_173 = arith.constant 2.000000e+00 : f32
    %sub3A_174 = vector.broadcast %sub3A_173 : f32 to vector<256x128xf32>
    %sub3A_175 = arith.subf %mul3A_42, %sub3A_174 : vector<256x128xf32>
    %mul3A_176 = arith.constant 1.750000e+00 : f32
    %mul3A_177 = vector.broadcast %mul3A_176 : f32 to vector<256x128xf32>
    %mul3A_178 = arith.mulf %sub3A_175, %mul3A_177 : vector<256x128xf32>
    %integer_pow3A_179 = arith.mulf %mul3A_178, %mul3A_178 : vector<256x128xf32>
    %neg3A_180 = arith.constant 0.000000e+00 : f32
    %neg3A_181 = vector.broadcast %neg3A_180 : f32 to vector<256x128xf32>
    %neg3A_182 = arith.subf %neg3A_181, %integer_pow3A_179 : vector<256x128xf32>
    %exp3A_183 = math.exp %neg3A_182 : vector<256x128xf32>
    %get3A_184 = arith.constant 7 : index
    %get3A_185 = arith.constant 0 : index
    %get3A_186 = arith.constant 0 : index
    %get3A_187 = vector.load %arg3[%get3A_184, %get3A_185, %get3A_186] : memref<8x128x128xf32, #tpu.memory_space<vmem>>, vector<1x128x128xf32>
    %get3A_188 = vector.shape_cast %get3A_187 : vector<1x128x128xf32> to vector<128x128xf32>
    %dot_general3A_189 = arith.constant dense<0.000000e+00> : vector<256x128xf32>
    %dot_general3A_190 = tpu.matmul %exp3A_183, %get3A_188, %dot_general3A_189 {dimension_numbers = #tpu.dot_dimension_numbers<[1], [0], [0], [1], [0, 0, 1, 1], [], []>, transpose_lhs_hint = false} : vector<256x128xf32>, vector<128x128xf32>, vector<256x128xf32> -> vector<256x128xf32>
    %add3A_191 = arith.addf %add3A_172, %dot_general3A_190 : vector<256x128xf32>
    %swap3A_192 = arith.constant 0 : index
    %swap3A_193 = arith.constant 0 : index
    %swap3A_194 = vector.load %arg5[%swap3A_192, %swap3A_193] : memref<256x128xf32, #tpu.memory_space<vmem>>, vector<256x128xf32>
    tpu.vector_store %arg5[%swap3A_192, %swap3A_193], %add3A_191 {strides = array<i32>} : memref<256x128xf32, #tpu.memory_space<vmem>>, vector<256x128xf32>,
    return
  }
  func.func @transform_0(%arg0: i32) -> (i32, i32) {
    %c0_i32 = arith.constant 0 : i32
    %c0_i32_0 = arith.constant 0 : i32
    return %arg0, %c0_i32 : i32, i32
  }
  func.func @transform_1(%arg0: i32) -> (i32, i32, i32) {
    %c0_i32 = arith.constant 0 : i32
    %c0_i32_0 = arith.constant 0 : i32
    %c0_i32_1 = arith.constant 0 : i32
    return %c0_i32, %arg0, %c0_i32_0 : i32, i32, i32
  }
  func.func @transform_2(%arg0: i32) -> (i32, i32, i32) {
    %c0_i32 = arith.constant 0 : i32
    %c0_i32_0 = arith.constant 0 : i32
    %c0_i32_1 = arith.constant 0 : i32
    %c0_i32_2 = arith.constant 0 : i32
    return %c0_i32, %c0_i32_0, %c0_i32_1 : i32, i32, i32
  }
  func.func @transform_3(%arg0: i32) -> (i32, i32) {
    %c0_i32 = arith.constant 0 : i32
    %c0_i32_0 = arith.constant 0 : i32
    %c0_i32_1 = arith.constant 0 : i32
    return %c0_i32, %c0_i32_0 : i32, i32
  }
  func.func @transform_4(%arg0: i32) -> (i32, i32) {
    %c0_i32 = arith.constant 0 : i32
    %c0_i32_0 = arith.constant 0 : i32
    return %arg0, %c0_i32 : i32, i32
  }
  func.func @transform_5(%arg0: i32) -> (i32, i32) {
    %c0_i32 = arith.constant 0 : i32
    %c0_i32_0 = arith.constant 0 : i32
    return %arg0, %c0_i32 : i32, i32
  }
}

module attributes {stable_mosaic.version = 14 : i64} {
  func.func @_kan_body(%arg0: i32, %arg1: memref<2x256x128xf32, #tpu.memory_space<vmem>>, %arg2: memref<2x256x128xf32, #tpu.memory_space<vmem>>, %arg3: memref<8x128x128xf32, #tpu.memory_space<vmem>>, %arg4: memref<1x128xf32, #tpu.memory_space<vmem>>, %arg5: memref<256x128xf32, #tpu.memory_space<vmem>>, %arg6: memref<256x128xf32, #tpu.memory_space<vmem>>, %arg7: memref<256x128xf32, #tpu.memory_space<vmem>>) attributes {dimension_semantics = [#tpu.dimension_semantics<arbitrary>], iteration_bounds = array<i64: 40>, scalar_prefetch = 0 : i64, scratch_operands = 0 : i64, tpu.core_type = #tpu.core_type<tc>, window_params = [{transform_indices = @transform_0, window_bounds = array<i64: 2, 256, 128>}, {transform_indices = @transform_1, window_bounds = array<i64: 2, 256, 128>}, {pipeline_mode = #tpu.pipeline_mode<synchronous>, transform_indices = @transform_2, window_bounds = array<i64: 8, 128, 128>}, {pipeline_mode = #tpu.pipeline_mode<synchronous>, transform_indices = @transform_3, window_bounds = array<i64: 1, 128>}, {transform_indices = @transform_4, window_bounds = array<i64: 256, 128>}, {transform_indices = @transform_5, window_bounds = array<i64: 256, 128>}, {transform_indices = @transform_6, window_bounds = array<i64: 256, 128>}]} {
    %get3A = arith.constant 0 : index
    %get3A_0 = arith.constant 0 : index
    %get3A_1 = arith.constant 0 : index
    %get3A_2 = vector.load %arg1[%get3A, %get3A_0, %get3A_1] : memref<2x256x128xf32, #tpu.memory_space<vmem>>, vector<1x256x128xf32>
    %get3A_3 = vector.shape_cast %get3A_2 : vector<1x256x128xf32> to vector<256x128xf32>
    %get3A_4 = arith.constant 1 : index
    %get3A_5 = arith.constant 0 : index
    %get3A_6 = arith.constant 0 : index
    %get3A_7 = vector.load %arg1[%get3A_4, %get3A_5, %get3A_6] : memref<2x256x128xf32, #tpu.memory_space<vmem>>, vector<1x256x128xf32>
    %get3A_8 = vector.shape_cast %get3A_7 : vector<1x256x128xf32> to vector<256x128xf32>
    %add3A = arith.addf %get3A_3, %get3A_8 : vector<256x128xf32>
    %get3A_9 = arith.constant 0 : index
    %get3A_10 = arith.constant 0 : index
    %get3A_11 = vector.load %arg5[%get3A_9, %get3A_10] : memref<256x128xf32, #tpu.memory_space<vmem>>, vector<256x128xf32>
    %get3A_12 = arith.constant 0 : index
    %get3A_13 = arith.constant 0 : index
    %get3A_14 = vector.load %arg4[%get3A_12, %get3A_13] : memref<1x128xf32, #tpu.memory_space<vmem>>, vector<1x128xf32>
    %add3A_15 = vector.broadcast %get3A_14 : vector<1x128xf32> to vector<256x128xf32>
    %add3A_16 = arith.addf %get3A_11, %add3A_15 : vector<256x128xf32>
    %get3A_17 = arith.constant 0 : index
    %get3A_18 = arith.constant 0 : index
    %get3A_19 = arith.constant 0 : index
    %get3A_20 = vector.load %arg2[%get3A_17, %get3A_18, %get3A_19] : memref<2x256x128xf32, #tpu.memory_space<vmem>>, vector<1x256x128xf32>
    %get3A_21 = vector.shape_cast %get3A_20 : vector<1x256x128xf32> to vector<256x128xf32>
    %get3A_22 = arith.constant 1 : index
    %get3A_23 = arith.constant 0 : index
    %get3A_24 = arith.constant 0 : index
    %get3A_25 = vector.load %arg2[%get3A_22, %get3A_23, %get3A_24] : memref<2x256x128xf32, #tpu.memory_space<vmem>>, vector<1x256x128xf32>
    %get3A_26 = vector.shape_cast %get3A_25 : vector<1x256x128xf32> to vector<256x128xf32>
    %add3A_27 = arith.addf %get3A_21, %get3A_26 : vector<256x128xf32>
    %max3A = arith.constant 1.000000e+00 : f32
    %max3A_28 = vector.broadcast %max3A : f32 to vector<256x128xf32>
    %max3A_29 = arith.maximumf %add3A_27, %max3A_28 : vector<256x128xf32>
    %div3A = arith.constant 1.000000e+00 : f32
    %div3A_30 = vector.broadcast %div3A : f32 to vector<256x128xf32>
    %div3A_31 = arith.divf %div3A_30, %max3A_29 : vector<256x128xf32>
    %mul3A = arith.mulf %add3A, %div3A_31 : vector<256x128xf32>
    %swap3A = arith.constant 0 : index
    %swap3A_32 = arith.constant 0 : index
    %swap3A_33 = vector.load %arg7[%swap3A, %swap3A_32] : memref<256x128xf32, #tpu.memory_space<vmem>>, vector<256x128xf32>
    tpu.vector_store %arg7[%swap3A, %swap3A_32], %mul3A {strides = array<i32>} : memref<256x128xf32, #tpu.memory_space<vmem>>, vector<256x128xf32>,
    %reduce_sum3A = arith.constant dense<0.000000e+00> : vector<256xf32>
    %reduce_sum3A_34 = vector.multi_reduction <add>, %add3A, %reduce_sum3A [1] : vector<256x128xf32> to vector<256xf32>
    %broadcast_in_dim3A = vector.shape_cast %reduce_sum3A_34 : vector<256xf32> to vector<256x1xf32>
    %div3A_35 = arith.constant 1.280000e+02 : f32
    %div3A_36 = vector.broadcast %div3A_35 : f32 to vector<256x1xf32>
    %div3A_37 = arith.divf %broadcast_in_dim3A, %div3A_36 : vector<256x1xf32>
    %sub3A = vector.broadcast %div3A_37 : vector<256x1xf32> to vector<256x128xf32>
    %sub3A_38 = arith.subf %add3A, %sub3A : vector<256x128xf32>
    %integer_pow3A = arith.mulf %sub3A_38, %sub3A_38 : vector<256x128xf32>
    %reduce_sum3A_39 = arith.constant dense<0.000000e+00> : vector<256xf32>
    %reduce_sum3A_40 = vector.multi_reduction <add>, %integer_pow3A, %reduce_sum3A_39 [1] : vector<256x128xf32> to vector<256xf32>
    %broadcast_in_dim3A_41 = vector.shape_cast %reduce_sum3A_40 : vector<256xf32> to vector<256x1xf32>
    %div3A_42 = arith.constant 1.280000e+02 : f32
    %div3A_43 = vector.broadcast %div3A_42 : f32 to vector<256x1xf32>
    %div3A_44 = arith.divf %broadcast_in_dim3A_41, %div3A_43 : vector<256x1xf32>
    %sub3A_45 = vector.broadcast %div3A_37 : vector<256x1xf32> to vector<256x128xf32>
    %sub3A_46 = arith.subf %add3A, %sub3A_45 : vector<256x128xf32>
    %add3A_47 = arith.constant 9.99999974E-6 : f32
    %add3A_48 = vector.broadcast %add3A_47 : f32 to vector<256x1xf32>
    %add3A_49 = arith.addf %div3A_44, %add3A_48 : vector<256x1xf32>
    %rsqrt3A = math.rsqrt %add3A_49 : vector<256x1xf32>
    %mul3A_50 = vector.broadcast %rsqrt3A : vector<256x1xf32> to vector<256x128xf32>
    %mul3A_51 = arith.mulf %sub3A_46, %mul3A_50 : vector<256x128xf32>
    %sub3A_52 = arith.constant -2.000000e+00 : f32
    %sub3A_53 = vector.broadcast %sub3A_52 : f32 to vector<256x128xf32>
    %sub3A_54 = arith.subf %mul3A_51, %sub3A_53 : vector<256x128xf32>
    %mul3A_55 = arith.constant 1.750000e+00 : f32
    %mul3A_56 = vector.broadcast %mul3A_55 : f32 to vector<256x128xf32>
    %mul3A_57 = arith.mulf %sub3A_54, %mul3A_56 : vector<256x128xf32>
    %integer_pow3A_58 = arith.mulf %mul3A_57, %mul3A_57 : vector<256x128xf32>
    %neg3A = arith.constant 0.000000e+00 : f32
    %neg3A_59 = vector.broadcast %neg3A : f32 to vector<256x128xf32>
    %neg3A_60 = arith.subf %neg3A_59, %integer_pow3A_58 : vector<256x128xf32>
    %exp3A = math.exp %neg3A_60 : vector<256x128xf32>
    %get3A_61 = arith.constant 0 : index
    %get3A_62 = arith.constant 0 : index
    %get3A_63 = arith.constant 0 : index
    %get3A_64 = vector.load %arg3[%get3A_61, %get3A_62, %get3A_63] : memref<8x128x128xf32, #tpu.memory_space<vmem>>, vector<1x128x128xf32>
    %get3A_65 = vector.shape_cast %get3A_64 : vector<1x128x128xf32> to vector<128x128xf32>
    %dot_general3A = arith.constant dense<0.000000e+00> : vector<256x128xf32>
    %dot_general3A_66 = tpu.matmul %exp3A, %get3A_65, %dot_general3A {dimension_numbers = #tpu.dot_dimension_numbers<[1], [0], [0], [1], [0, 0, 1, 1], [], []>, transpose_lhs_hint = false} : vector<256x128xf32>, vector<128x128xf32>, vector<256x128xf32> -> vector<256x128xf32>
    %add3A_67 = arith.addf %add3A_16, %dot_general3A_66 : vector<256x128xf32>
    %sub3A_68 = arith.constant -1.42857146 : f32
    %sub3A_69 = vector.broadcast %sub3A_68 : f32 to vector<256x128xf32>
    %sub3A_70 = arith.subf %mul3A_51, %sub3A_69 : vector<256x128xf32>
    %mul3A_71 = arith.constant 1.750000e+00 : f32
    %mul3A_72 = vector.broadcast %mul3A_71 : f32 to vector<256x128xf32>
    %mul3A_73 = arith.mulf %sub3A_70, %mul3A_72 : vector<256x128xf32>
    %integer_pow3A_74 = arith.mulf %mul3A_73, %mul3A_73 : vector<256x128xf32>
    %neg3A_75 = arith.constant 0.000000e+00 : f32
    %neg3A_76 = vector.broadcast %neg3A_75 : f32 to vector<256x128xf32>
    %neg3A_77 = arith.subf %neg3A_76, %integer_pow3A_74 : vector<256x128xf32>
    %exp3A_78 = math.exp %neg3A_77 : vector<256x128xf32>
    %get3A_79 = arith.constant 1 : index
    %get3A_80 = arith.constant 0 : index
    %get3A_81 = arith.constant 0 : index
    %get3A_82 = vector.load %arg3[%get3A_79, %get3A_80, %get3A_81] : memref<8x128x128xf32, #tpu.memory_space<vmem>>, vector<1x128x128xf32>
    %get3A_83 = vector.shape_cast %get3A_82 : vector<1x128x128xf32> to vector<128x128xf32>
    %dot_general3A_84 = arith.constant dense<0.000000e+00> : vector<256x128xf32>
    %dot_general3A_85 = tpu.matmul %exp3A_78, %get3A_83, %dot_general3A_84 {dimension_numbers = #tpu.dot_dimension_numbers<[1], [0], [0], [1], [0, 0, 1, 1], [], []>, transpose_lhs_hint = false} : vector<256x128xf32>, vector<128x128xf32>, vector<256x128xf32> -> vector<256x128xf32>
    %add3A_86 = arith.addf %add3A_67, %dot_general3A_85 : vector<256x128xf32>
    %sub3A_87 = arith.constant -0.857142865 : f32
    %sub3A_88 = vector.broadcast %sub3A_87 : f32 to vector<256x128xf32>
    %sub3A_89 = arith.subf %mul3A_51, %sub3A_88 : vector<256x128xf32>
    %mul3A_90 = arith.constant 1.750000e+00 : f32
    %mul3A_91 = vector.broadcast %mul3A_90 : f32 to vector<256x128xf32>
    %mul3A_92 = arith.mulf %sub3A_89, %mul3A_91 : vector<256x128xf32>
    %integer_pow3A_93 = arith.mulf %mul3A_92, %mul3A_92 : vector<256x128xf32>
    %neg3A_94 = arith.constant 0.000000e+00 : f32
    %neg3A_95 = vector.broadcast %neg3A_94 : f32 to vector<256x128xf32>
    %neg3A_96 = arith.subf %neg3A_95, %integer_pow3A_93 : vector<256x128xf32>
    %exp3A_97 = math.exp %neg3A_96 : vector<256x128xf32>
    %get3A_98 = arith.constant 2 : index
    %get3A_99 = arith.constant 0 : index
    %get3A_100 = arith.constant 0 : index
    %get3A_101 = vector.load %arg3[%get3A_98, %get3A_99, %get3A_100] : memref<8x128x128xf32, #tpu.memory_space<vmem>>, vector<1x128x128xf32>
    %get3A_102 = vector.shape_cast %get3A_101 : vector<1x128x128xf32> to vector<128x128xf32>
    %dot_general3A_103 = arith.constant dense<0.000000e+00> : vector<256x128xf32>
    %dot_general3A_104 = tpu.matmul %exp3A_97, %get3A_102, %dot_general3A_103 {dimension_numbers = #tpu.dot_dimension_numbers<[1], [0], [0], [1], [0, 0, 1, 1], [], []>, transpose_lhs_hint = false} : vector<256x128xf32>, vector<128x128xf32>, vector<256x128xf32> -> vector<256x128xf32>
    %add3A_105 = arith.addf %add3A_86, %dot_general3A_104 : vector<256x128xf32>
    %sub3A_106 = arith.constant -0.285714298 : f32
    %sub3A_107 = vector.broadcast %sub3A_106 : f32 to vector<256x128xf32>
    %sub3A_108 = arith.subf %mul3A_51, %sub3A_107 : vector<256x128xf32>
    %mul3A_109 = arith.constant 1.750000e+00 : f32
    %mul3A_110 = vector.broadcast %mul3A_109 : f32 to vector<256x128xf32>
    %mul3A_111 = arith.mulf %sub3A_108, %mul3A_110 : vector<256x128xf32>
    %integer_pow3A_112 = arith.mulf %mul3A_111, %mul3A_111 : vector<256x128xf32>
    %neg3A_113 = arith.constant 0.000000e+00 : f32
    %neg3A_114 = vector.broadcast %neg3A_113 : f32 to vector<256x128xf32>
    %neg3A_115 = arith.subf %neg3A_114, %integer_pow3A_112 : vector<256x128xf32>
    %exp3A_116 = math.exp %neg3A_115 : vector<256x128xf32>
    %get3A_117 = arith.constant 3 : index
    %get3A_118 = arith.constant 0 : index
    %get3A_119 = arith.constant 0 : index
    %get3A_120 = vector.load %arg3[%get3A_117, %get3A_118, %get3A_119] : memref<8x128x128xf32, #tpu.memory_space<vmem>>, vector<1x128x128xf32>
    %get3A_121 = vector.shape_cast %get3A_120 : vector<1x128x128xf32> to vector<128x128xf32>
    %dot_general3A_122 = arith.constant dense<0.000000e+00> : vector<256x128xf32>
    %dot_general3A_123 = tpu.matmul %exp3A_116, %get3A_121, %dot_general3A_122 {dimension_numbers = #tpu.dot_dimension_numbers<[1], [0], [0], [1], [0, 0, 1, 1], [], []>, transpose_lhs_hint = false} : vector<256x128xf32>, vector<128x128xf32>, vector<256x128xf32> -> vector<256x128xf32>
    %add3A_124 = arith.addf %add3A_105, %dot_general3A_123 : vector<256x128xf32>
    %sub3A_125 = arith.constant 0.285714298 : f32
    %sub3A_126 = vector.broadcast %sub3A_125 : f32 to vector<256x128xf32>
    %sub3A_127 = arith.subf %mul3A_51, %sub3A_126 : vector<256x128xf32>
    %mul3A_128 = arith.constant 1.750000e+00 : f32
    %mul3A_129 = vector.broadcast %mul3A_128 : f32 to vector<256x128xf32>
    %mul3A_130 = arith.mulf %sub3A_127, %mul3A_129 : vector<256x128xf32>
    %integer_pow3A_131 = arith.mulf %mul3A_130, %mul3A_130 : vector<256x128xf32>
    %neg3A_132 = arith.constant 0.000000e+00 : f32
    %neg3A_133 = vector.broadcast %neg3A_132 : f32 to vector<256x128xf32>
    %neg3A_134 = arith.subf %neg3A_133, %integer_pow3A_131 : vector<256x128xf32>
    %exp3A_135 = math.exp %neg3A_134 : vector<256x128xf32>
    %get3A_136 = arith.constant 4 : index
    %get3A_137 = arith.constant 0 : index
    %get3A_138 = arith.constant 0 : index
    %get3A_139 = vector.load %arg3[%get3A_136, %get3A_137, %get3A_138] : memref<8x128x128xf32, #tpu.memory_space<vmem>>, vector<1x128x128xf32>
    %get3A_140 = vector.shape_cast %get3A_139 : vector<1x128x128xf32> to vector<128x128xf32>
    %dot_general3A_141 = arith.constant dense<0.000000e+00> : vector<256x128xf32>
    %dot_general3A_142 = tpu.matmul %exp3A_135, %get3A_140, %dot_general3A_141 {dimension_numbers = #tpu.dot_dimension_numbers<[1], [0], [0], [1], [0, 0, 1, 1], [], []>, transpose_lhs_hint = false} : vector<256x128xf32>, vector<128x128xf32>, vector<256x128xf32> -> vector<256x128xf32>
    %add3A_143 = arith.addf %add3A_124, %dot_general3A_142 : vector<256x128xf32>
    %sub3A_144 = arith.constant 0.857142865 : f32
    %sub3A_145 = vector.broadcast %sub3A_144 : f32 to vector<256x128xf32>
    %sub3A_146 = arith.subf %mul3A_51, %sub3A_145 : vector<256x128xf32>
    %mul3A_147 = arith.constant 1.750000e+00 : f32
    %mul3A_148 = vector.broadcast %mul3A_147 : f32 to vector<256x128xf32>
    %mul3A_149 = arith.mulf %sub3A_146, %mul3A_148 : vector<256x128xf32>
    %integer_pow3A_150 = arith.mulf %mul3A_149, %mul3A_149 : vector<256x128xf32>
    %neg3A_151 = arith.constant 0.000000e+00 : f32
    %neg3A_152 = vector.broadcast %neg3A_151 : f32 to vector<256x128xf32>
    %neg3A_153 = arith.subf %neg3A_152, %integer_pow3A_150 : vector<256x128xf32>
    %exp3A_154 = math.exp %neg3A_153 : vector<256x128xf32>
    %get3A_155 = arith.constant 5 : index
    %get3A_156 = arith.constant 0 : index
    %get3A_157 = arith.constant 0 : index
    %get3A_158 = vector.load %arg3[%get3A_155, %get3A_156, %get3A_157] : memref<8x128x128xf32, #tpu.memory_space<vmem>>, vector<1x128x128xf32>
    %get3A_159 = vector.shape_cast %get3A_158 : vector<1x128x128xf32> to vector<128x128xf32>
    %dot_general3A_160 = arith.constant dense<0.000000e+00> : vector<256x128xf32>
    %dot_general3A_161 = tpu.matmul %exp3A_154, %get3A_159, %dot_general3A_160 {dimension_numbers = #tpu.dot_dimension_numbers<[1], [0], [0], [1], [0, 0, 1, 1], [], []>, transpose_lhs_hint = false} : vector<256x128xf32>, vector<128x128xf32>, vector<256x128xf32> -> vector<256x128xf32>
    %add3A_162 = arith.addf %add3A_143, %dot_general3A_161 : vector<256x128xf32>
    %sub3A_163 = arith.constant 1.42857146 : f32
    %sub3A_164 = vector.broadcast %sub3A_163 : f32 to vector<256x128xf32>
    %sub3A_165 = arith.subf %mul3A_51, %sub3A_164 : vector<256x128xf32>
    %mul3A_166 = arith.constant 1.750000e+00 : f32
    %mul3A_167 = vector.broadcast %mul3A_166 : f32 to vector<256x128xf32>
    %mul3A_168 = arith.mulf %sub3A_165, %mul3A_167 : vector<256x128xf32>
    %integer_pow3A_169 = arith.mulf %mul3A_168, %mul3A_168 : vector<256x128xf32>
    %neg3A_170 = arith.constant 0.000000e+00 : f32
    %neg3A_171 = vector.broadcast %neg3A_170 : f32 to vector<256x128xf32>
    %neg3A_172 = arith.subf %neg3A_171, %integer_pow3A_169 : vector<256x128xf32>
    %exp3A_173 = math.exp %neg3A_172 : vector<256x128xf32>
    %get3A_174 = arith.constant 6 : index
    %get3A_175 = arith.constant 0 : index
    %get3A_176 = arith.constant 0 : index
    %get3A_177 = vector.load %arg3[%get3A_174, %get3A_175, %get3A_176] : memref<8x128x128xf32, #tpu.memory_space<vmem>>, vector<1x128x128xf32>
    %get3A_178 = vector.shape_cast %get3A_177 : vector<1x128x128xf32> to vector<128x128xf32>
    %dot_general3A_179 = arith.constant dense<0.000000e+00> : vector<256x128xf32>
    %dot_general3A_180 = tpu.matmul %exp3A_173, %get3A_178, %dot_general3A_179 {dimension_numbers = #tpu.dot_dimension_numbers<[1], [0], [0], [1], [0, 0, 1, 1], [], []>, transpose_lhs_hint = false} : vector<256x128xf32>, vector<128x128xf32>, vector<256x128xf32> -> vector<256x128xf32>
    %add3A_181 = arith.addf %add3A_162, %dot_general3A_180 : vector<256x128xf32>
    %sub3A_182 = arith.constant 2.000000e+00 : f32
    %sub3A_183 = vector.broadcast %sub3A_182 : f32 to vector<256x128xf32>
    %sub3A_184 = arith.subf %mul3A_51, %sub3A_183 : vector<256x128xf32>
    %mul3A_185 = arith.constant 1.750000e+00 : f32
    %mul3A_186 = vector.broadcast %mul3A_185 : f32 to vector<256x128xf32>
    %mul3A_187 = arith.mulf %sub3A_184, %mul3A_186 : vector<256x128xf32>
    %integer_pow3A_188 = arith.mulf %mul3A_187, %mul3A_187 : vector<256x128xf32>
    %neg3A_189 = arith.constant 0.000000e+00 : f32
    %neg3A_190 = vector.broadcast %neg3A_189 : f32 to vector<256x128xf32>
    %neg3A_191 = arith.subf %neg3A_190, %integer_pow3A_188 : vector<256x128xf32>
    %exp3A_192 = math.exp %neg3A_191 : vector<256x128xf32>
    %get3A_193 = arith.constant 7 : index
    %get3A_194 = arith.constant 0 : index
    %get3A_195 = arith.constant 0 : index
    %get3A_196 = vector.load %arg3[%get3A_193, %get3A_194, %get3A_195] : memref<8x128x128xf32, #tpu.memory_space<vmem>>, vector<1x128x128xf32>
    %get3A_197 = vector.shape_cast %get3A_196 : vector<1x128x128xf32> to vector<128x128xf32>
    %dot_general3A_198 = arith.constant dense<0.000000e+00> : vector<256x128xf32>
    %dot_general3A_199 = tpu.matmul %exp3A_192, %get3A_197, %dot_general3A_198 {dimension_numbers = #tpu.dot_dimension_numbers<[1], [0], [0], [1], [0, 0, 1, 1], [], []>, transpose_lhs_hint = false} : vector<256x128xf32>, vector<128x128xf32>, vector<256x128xf32> -> vector<256x128xf32>
    %add3A_200 = arith.addf %add3A_181, %dot_general3A_199 : vector<256x128xf32>
    %swap3A_201 = arith.constant 0 : index
    %swap3A_202 = arith.constant 0 : index
    %swap3A_203 = vector.load %arg6[%swap3A_201, %swap3A_202] : memref<256x128xf32, #tpu.memory_space<vmem>>, vector<256x128xf32>
    tpu.vector_store %arg6[%swap3A_201, %swap3A_202], %add3A_200 {strides = array<i32>} : memref<256x128xf32, #tpu.memory_space<vmem>>, vector<256x128xf32>,
    return
  }
  func.func @transform_0(%arg0: i32) -> (i32, i32, i32) {
    %c0_i32 = arith.constant 0 : i32
    %c0_i32_0 = arith.constant 0 : i32
    %c0_i32_1 = arith.constant 0 : i32
    return %c0_i32, %arg0, %c0_i32_0 : i32, i32, i32
  }
  func.func @transform_1(%arg0: i32) -> (i32, i32, i32) {
    %c0_i32 = arith.constant 0 : i32
    %c0_i32_0 = arith.constant 0 : i32
    %c0_i32_1 = arith.constant 0 : i32
    return %c0_i32, %arg0, %c0_i32_0 : i32, i32, i32
  }
  func.func @transform_2(%arg0: i32) -> (i32, i32, i32) {
    %c0_i32 = arith.constant 0 : i32
    %c0_i32_0 = arith.constant 0 : i32
    %c0_i32_1 = arith.constant 0 : i32
    %c0_i32_2 = arith.constant 0 : i32
    return %c0_i32, %c0_i32_0, %c0_i32_1 : i32, i32, i32
  }
  func.func @transform_3(%arg0: i32) -> (i32, i32) {
    %c0_i32 = arith.constant 0 : i32
    %c0_i32_0 = arith.constant 0 : i32
    %c0_i32_1 = arith.constant 0 : i32
    return %c0_i32, %c0_i32_0 : i32, i32
  }
  func.func @transform_4(%arg0: i32) -> (i32, i32) {
    %c0_i32 = arith.constant 0 : i32
    %c0_i32_0 = arith.constant 0 : i32
    return %arg0, %c0_i32 : i32, i32
  }
  func.func @transform_5(%arg0: i32) -> (i32, i32) {
    %c0_i32 = arith.constant 0 : i32
    %c0_i32_0 = arith.constant 0 : i32
    return %arg0, %c0_i32 : i32, i32
  }
  func.func @transform_6(%arg0: i32) -> (i32, i32) {
    %c0_i32 = arith.constant 0 : i32
    %c0_i32_0 = arith.constant 0 : i32
    return %arg0, %c0_i32 : i32, i32
  }
}

module attributes {stable_mosaic.version = 14 : i64} {
  func.func @_kan_body(%arg0: i32, %arg1: memref<2x256x128xf32, #tpu.memory_space<vmem>>, %arg2: memref<8x128x128xf32, #tpu.memory_space<vmem>>, %arg3: memref<1x128xf32, #tpu.memory_space<vmem>>, %arg4: memref<256x128xf32, #tpu.memory_space<vmem>>, %arg5: memref<256x128xf32, #tpu.memory_space<vmem>>) attributes {dimension_semantics = [#tpu.dimension_semantics<arbitrary>], iteration_bounds = array<i64: 40>, scalar_prefetch = 0 : i64, scratch_operands = 0 : i64, tpu.core_type = #tpu.core_type<tc>, window_params = [{transform_indices = @transform_0, window_bounds = array<i64: 2, 256, 128>}, {pipeline_mode = #tpu.pipeline_mode<synchronous>, transform_indices = @transform_1, window_bounds = array<i64: 8, 128, 128>}, {pipeline_mode = #tpu.pipeline_mode<synchronous>, transform_indices = @transform_2, window_bounds = array<i64: 1, 128>}, {transform_indices = @transform_3, window_bounds = array<i64: 256, 128>}, {transform_indices = @transform_4, window_bounds = array<i64: 256, 128>}]} {
    %get3A = arith.constant 0 : index
    %get3A_0 = arith.constant 0 : index
    %get3A_1 = arith.constant 0 : index
    %get3A_2 = vector.load %arg1[%get3A, %get3A_0, %get3A_1] : memref<2x256x128xf32, #tpu.memory_space<vmem>>, vector<1x256x128xf32>
    %get3A_3 = vector.shape_cast %get3A_2 : vector<1x256x128xf32> to vector<256x128xf32>
    %get3A_4 = arith.constant 1 : index
    %get3A_5 = arith.constant 0 : index
    %get3A_6 = arith.constant 0 : index
    %get3A_7 = vector.load %arg1[%get3A_4, %get3A_5, %get3A_6] : memref<2x256x128xf32, #tpu.memory_space<vmem>>, vector<1x256x128xf32>
    %get3A_8 = vector.shape_cast %get3A_7 : vector<1x256x128xf32> to vector<256x128xf32>
    %add3A = arith.addf %get3A_3, %get3A_8 : vector<256x128xf32>
    %get3A_9 = arith.constant 0 : index
    %get3A_10 = arith.constant 0 : index
    %get3A_11 = vector.load %arg4[%get3A_9, %get3A_10] : memref<256x128xf32, #tpu.memory_space<vmem>>, vector<256x128xf32>
    %get3A_12 = arith.constant 0 : index
    %get3A_13 = arith.constant 0 : index
    %get3A_14 = vector.load %arg3[%get3A_12, %get3A_13] : memref<1x128xf32, #tpu.memory_space<vmem>>, vector<1x128xf32>
    %add3A_15 = vector.broadcast %get3A_14 : vector<1x128xf32> to vector<256x128xf32>
    %add3A_16 = arith.addf %get3A_11, %add3A_15 : vector<256x128xf32>
    %reduce_sum3A = arith.constant dense<0.000000e+00> : vector<256xf32>
    %reduce_sum3A_17 = vector.multi_reduction <add>, %add3A, %reduce_sum3A [1] : vector<256x128xf32> to vector<256xf32>
    %broadcast_in_dim3A = vector.shape_cast %reduce_sum3A_17 : vector<256xf32> to vector<256x1xf32>
    %div3A = arith.constant 1.280000e+02 : f32
    %div3A_18 = vector.broadcast %div3A : f32 to vector<256x1xf32>
    %div3A_19 = arith.divf %broadcast_in_dim3A, %div3A_18 : vector<256x1xf32>
    %sub3A = vector.broadcast %div3A_19 : vector<256x1xf32> to vector<256x128xf32>
    %sub3A_20 = arith.subf %add3A, %sub3A : vector<256x128xf32>
    %integer_pow3A = arith.mulf %sub3A_20, %sub3A_20 : vector<256x128xf32>
    %reduce_sum3A_21 = arith.constant dense<0.000000e+00> : vector<256xf32>
    %reduce_sum3A_22 = vector.multi_reduction <add>, %integer_pow3A, %reduce_sum3A_21 [1] : vector<256x128xf32> to vector<256xf32>
    %broadcast_in_dim3A_23 = vector.shape_cast %reduce_sum3A_22 : vector<256xf32> to vector<256x1xf32>
    %div3A_24 = arith.constant 1.280000e+02 : f32
    %div3A_25 = vector.broadcast %div3A_24 : f32 to vector<256x1xf32>
    %div3A_26 = arith.divf %broadcast_in_dim3A_23, %div3A_25 : vector<256x1xf32>
    %sub3A_27 = vector.broadcast %div3A_19 : vector<256x1xf32> to vector<256x128xf32>
    %sub3A_28 = arith.subf %add3A, %sub3A_27 : vector<256x128xf32>
    %add3A_29 = arith.constant 9.99999974E-6 : f32
    %add3A_30 = vector.broadcast %add3A_29 : f32 to vector<256x1xf32>
    %add3A_31 = arith.addf %div3A_26, %add3A_30 : vector<256x1xf32>
    %rsqrt3A = math.rsqrt %add3A_31 : vector<256x1xf32>
    %mul3A = vector.broadcast %rsqrt3A : vector<256x1xf32> to vector<256x128xf32>
    %mul3A_32 = arith.mulf %sub3A_28, %mul3A : vector<256x128xf32>
    %sub3A_33 = arith.constant -2.000000e+00 : f32
    %sub3A_34 = vector.broadcast %sub3A_33 : f32 to vector<256x128xf32>
    %sub3A_35 = arith.subf %mul3A_32, %sub3A_34 : vector<256x128xf32>
    %mul3A_36 = arith.constant 1.750000e+00 : f32
    %mul3A_37 = vector.broadcast %mul3A_36 : f32 to vector<256x128xf32>
    %mul3A_38 = arith.mulf %sub3A_35, %mul3A_37 : vector<256x128xf32>
    %integer_pow3A_39 = arith.mulf %mul3A_38, %mul3A_38 : vector<256x128xf32>
    %neg3A = arith.constant 0.000000e+00 : f32
    %neg3A_40 = vector.broadcast %neg3A : f32 to vector<256x128xf32>
    %neg3A_41 = arith.subf %neg3A_40, %integer_pow3A_39 : vector<256x128xf32>
    %exp3A = math.exp %neg3A_41 : vector<256x128xf32>
    %get3A_42 = arith.constant 0 : index
    %get3A_43 = arith.constant 0 : index
    %get3A_44 = arith.constant 0 : index
    %get3A_45 = vector.load %arg2[%get3A_42, %get3A_43, %get3A_44] : memref<8x128x128xf32, #tpu.memory_space<vmem>>, vector<1x128x128xf32>
    %get3A_46 = vector.shape_cast %get3A_45 : vector<1x128x128xf32> to vector<128x128xf32>
    %dot_general3A = arith.constant dense<0.000000e+00> : vector<256x128xf32>
    %dot_general3A_47 = tpu.matmul %exp3A, %get3A_46, %dot_general3A {dimension_numbers = #tpu.dot_dimension_numbers<[1], [0], [0], [1], [0, 0, 1, 1], [], []>, transpose_lhs_hint = false} : vector<256x128xf32>, vector<128x128xf32>, vector<256x128xf32> -> vector<256x128xf32>
    %add3A_48 = arith.addf %add3A_16, %dot_general3A_47 : vector<256x128xf32>
    %sub3A_49 = arith.constant -1.42857146 : f32
    %sub3A_50 = vector.broadcast %sub3A_49 : f32 to vector<256x128xf32>
    %sub3A_51 = arith.subf %mul3A_32, %sub3A_50 : vector<256x128xf32>
    %mul3A_52 = arith.constant 1.750000e+00 : f32
    %mul3A_53 = vector.broadcast %mul3A_52 : f32 to vector<256x128xf32>
    %mul3A_54 = arith.mulf %sub3A_51, %mul3A_53 : vector<256x128xf32>
    %integer_pow3A_55 = arith.mulf %mul3A_54, %mul3A_54 : vector<256x128xf32>
    %neg3A_56 = arith.constant 0.000000e+00 : f32
    %neg3A_57 = vector.broadcast %neg3A_56 : f32 to vector<256x128xf32>
    %neg3A_58 = arith.subf %neg3A_57, %integer_pow3A_55 : vector<256x128xf32>
    %exp3A_59 = math.exp %neg3A_58 : vector<256x128xf32>
    %get3A_60 = arith.constant 1 : index
    %get3A_61 = arith.constant 0 : index
    %get3A_62 = arith.constant 0 : index
    %get3A_63 = vector.load %arg2[%get3A_60, %get3A_61, %get3A_62] : memref<8x128x128xf32, #tpu.memory_space<vmem>>, vector<1x128x128xf32>
    %get3A_64 = vector.shape_cast %get3A_63 : vector<1x128x128xf32> to vector<128x128xf32>
    %dot_general3A_65 = arith.constant dense<0.000000e+00> : vector<256x128xf32>
    %dot_general3A_66 = tpu.matmul %exp3A_59, %get3A_64, %dot_general3A_65 {dimension_numbers = #tpu.dot_dimension_numbers<[1], [0], [0], [1], [0, 0, 1, 1], [], []>, transpose_lhs_hint = false} : vector<256x128xf32>, vector<128x128xf32>, vector<256x128xf32> -> vector<256x128xf32>
    %add3A_67 = arith.addf %add3A_48, %dot_general3A_66 : vector<256x128xf32>
    %sub3A_68 = arith.constant -0.857142865 : f32
    %sub3A_69 = vector.broadcast %sub3A_68 : f32 to vector<256x128xf32>
    %sub3A_70 = arith.subf %mul3A_32, %sub3A_69 : vector<256x128xf32>
    %mul3A_71 = arith.constant 1.750000e+00 : f32
    %mul3A_72 = vector.broadcast %mul3A_71 : f32 to vector<256x128xf32>
    %mul3A_73 = arith.mulf %sub3A_70, %mul3A_72 : vector<256x128xf32>
    %integer_pow3A_74 = arith.mulf %mul3A_73, %mul3A_73 : vector<256x128xf32>
    %neg3A_75 = arith.constant 0.000000e+00 : f32
    %neg3A_76 = vector.broadcast %neg3A_75 : f32 to vector<256x128xf32>
    %neg3A_77 = arith.subf %neg3A_76, %integer_pow3A_74 : vector<256x128xf32>
    %exp3A_78 = math.exp %neg3A_77 : vector<256x128xf32>
    %get3A_79 = arith.constant 2 : index
    %get3A_80 = arith.constant 0 : index
    %get3A_81 = arith.constant 0 : index
    %get3A_82 = vector.load %arg2[%get3A_79, %get3A_80, %get3A_81] : memref<8x128x128xf32, #tpu.memory_space<vmem>>, vector<1x128x128xf32>
    %get3A_83 = vector.shape_cast %get3A_82 : vector<1x128x128xf32> to vector<128x128xf32>
    %dot_general3A_84 = arith.constant dense<0.000000e+00> : vector<256x128xf32>
    %dot_general3A_85 = tpu.matmul %exp3A_78, %get3A_83, %dot_general3A_84 {dimension_numbers = #tpu.dot_dimension_numbers<[1], [0], [0], [1], [0, 0, 1, 1], [], []>, transpose_lhs_hint = false} : vector<256x128xf32>, vector<128x128xf32>, vector<256x128xf32> -> vector<256x128xf32>
    %add3A_86 = arith.addf %add3A_67, %dot_general3A_85 : vector<256x128xf32>
    %sub3A_87 = arith.constant -0.285714298 : f32
    %sub3A_88 = vector.broadcast %sub3A_87 : f32 to vector<256x128xf32>
    %sub3A_89 = arith.subf %mul3A_32, %sub3A_88 : vector<256x128xf32>
    %mul3A_90 = arith.constant 1.750000e+00 : f32
    %mul3A_91 = vector.broadcast %mul3A_90 : f32 to vector<256x128xf32>
    %mul3A_92 = arith.mulf %sub3A_89, %mul3A_91 : vector<256x128xf32>
    %integer_pow3A_93 = arith.mulf %mul3A_92, %mul3A_92 : vector<256x128xf32>
    %neg3A_94 = arith.constant 0.000000e+00 : f32
    %neg3A_95 = vector.broadcast %neg3A_94 : f32 to vector<256x128xf32>
    %neg3A_96 = arith.subf %neg3A_95, %integer_pow3A_93 : vector<256x128xf32>
    %exp3A_97 = math.exp %neg3A_96 : vector<256x128xf32>
    %get3A_98 = arith.constant 3 : index
    %get3A_99 = arith.constant 0 : index
    %get3A_100 = arith.constant 0 : index
    %get3A_101 = vector.load %arg2[%get3A_98, %get3A_99, %get3A_100] : memref<8x128x128xf32, #tpu.memory_space<vmem>>, vector<1x128x128xf32>
    %get3A_102 = vector.shape_cast %get3A_101 : vector<1x128x128xf32> to vector<128x128xf32>
    %dot_general3A_103 = arith.constant dense<0.000000e+00> : vector<256x128xf32>
    %dot_general3A_104 = tpu.matmul %exp3A_97, %get3A_102, %dot_general3A_103 {dimension_numbers = #tpu.dot_dimension_numbers<[1], [0], [0], [1], [0, 0, 1, 1], [], []>, transpose_lhs_hint = false} : vector<256x128xf32>, vector<128x128xf32>, vector<256x128xf32> -> vector<256x128xf32>
    %add3A_105 = arith.addf %add3A_86, %dot_general3A_104 : vector<256x128xf32>
    %sub3A_106 = arith.constant 0.285714298 : f32
    %sub3A_107 = vector.broadcast %sub3A_106 : f32 to vector<256x128xf32>
    %sub3A_108 = arith.subf %mul3A_32, %sub3A_107 : vector<256x128xf32>
    %mul3A_109 = arith.constant 1.750000e+00 : f32
    %mul3A_110 = vector.broadcast %mul3A_109 : f32 to vector<256x128xf32>
    %mul3A_111 = arith.mulf %sub3A_108, %mul3A_110 : vector<256x128xf32>
    %integer_pow3A_112 = arith.mulf %mul3A_111, %mul3A_111 : vector<256x128xf32>
    %neg3A_113 = arith.constant 0.000000e+00 : f32
    %neg3A_114 = vector.broadcast %neg3A_113 : f32 to vector<256x128xf32>
    %neg3A_115 = arith.subf %neg3A_114, %integer_pow3A_112 : vector<256x128xf32>
    %exp3A_116 = math.exp %neg3A_115 : vector<256x128xf32>
    %get3A_117 = arith.constant 4 : index
    %get3A_118 = arith.constant 0 : index
    %get3A_119 = arith.constant 0 : index
    %get3A_120 = vector.load %arg2[%get3A_117, %get3A_118, %get3A_119] : memref<8x128x128xf32, #tpu.memory_space<vmem>>, vector<1x128x128xf32>
    %get3A_121 = vector.shape_cast %get3A_120 : vector<1x128x128xf32> to vector<128x128xf32>
    %dot_general3A_122 = arith.constant dense<0.000000e+00> : vector<256x128xf32>
    %dot_general3A_123 = tpu.matmul %exp3A_116, %get3A_121, %dot_general3A_122 {dimension_numbers = #tpu.dot_dimension_numbers<[1], [0], [0], [1], [0, 0, 1, 1], [], []>, transpose_lhs_hint = false} : vector<256x128xf32>, vector<128x128xf32>, vector<256x128xf32> -> vector<256x128xf32>
    %add3A_124 = arith.addf %add3A_105, %dot_general3A_123 : vector<256x128xf32>
    %sub3A_125 = arith.constant 0.857142865 : f32
    %sub3A_126 = vector.broadcast %sub3A_125 : f32 to vector<256x128xf32>
    %sub3A_127 = arith.subf %mul3A_32, %sub3A_126 : vector<256x128xf32>
    %mul3A_128 = arith.constant 1.750000e+00 : f32
    %mul3A_129 = vector.broadcast %mul3A_128 : f32 to vector<256x128xf32>
    %mul3A_130 = arith.mulf %sub3A_127, %mul3A_129 : vector<256x128xf32>
    %integer_pow3A_131 = arith.mulf %mul3A_130, %mul3A_130 : vector<256x128xf32>
    %neg3A_132 = arith.constant 0.000000e+00 : f32
    %neg3A_133 = vector.broadcast %neg3A_132 : f32 to vector<256x128xf32>
    %neg3A_134 = arith.subf %neg3A_133, %integer_pow3A_131 : vector<256x128xf32>
    %exp3A_135 = math.exp %neg3A_134 : vector<256x128xf32>
    %get3A_136 = arith.constant 5 : index
    %get3A_137 = arith.constant 0 : index
    %get3A_138 = arith.constant 0 : index
    %get3A_139 = vector.load %arg2[%get3A_136, %get3A_137, %get3A_138] : memref<8x128x128xf32, #tpu.memory_space<vmem>>, vector<1x128x128xf32>
    %get3A_140 = vector.shape_cast %get3A_139 : vector<1x128x128xf32> to vector<128x128xf32>
    %dot_general3A_141 = arith.constant dense<0.000000e+00> : vector<256x128xf32>
    %dot_general3A_142 = tpu.matmul %exp3A_135, %get3A_140, %dot_general3A_141 {dimension_numbers = #tpu.dot_dimension_numbers<[1], [0], [0], [1], [0, 0, 1, 1], [], []>, transpose_lhs_hint = false} : vector<256x128xf32>, vector<128x128xf32>, vector<256x128xf32> -> vector<256x128xf32>
    %add3A_143 = arith.addf %add3A_124, %dot_general3A_142 : vector<256x128xf32>
    %sub3A_144 = arith.constant 1.42857146 : f32
    %sub3A_145 = vector.broadcast %sub3A_144 : f32 to vector<256x128xf32>
    %sub3A_146 = arith.subf %mul3A_32, %sub3A_145 : vector<256x128xf32>
    %mul3A_147 = arith.constant 1.750000e+00 : f32
    %mul3A_148 = vector.broadcast %mul3A_147 : f32 to vector<256x128xf32>
    %mul3A_149 = arith.mulf %sub3A_146, %mul3A_148 : vector<256x128xf32>
    %integer_pow3A_150 = arith.mulf %mul3A_149, %mul3A_149 : vector<256x128xf32>
    %neg3A_151 = arith.constant 0.000000e+00 : f32
    %neg3A_152 = vector.broadcast %neg3A_151 : f32 to vector<256x128xf32>
    %neg3A_153 = arith.subf %neg3A_152, %integer_pow3A_150 : vector<256x128xf32>
    %exp3A_154 = math.exp %neg3A_153 : vector<256x128xf32>
    %get3A_155 = arith.constant 6 : index
    %get3A_156 = arith.constant 0 : index
    %get3A_157 = arith.constant 0 : index
    %get3A_158 = vector.load %arg2[%get3A_155, %get3A_156, %get3A_157] : memref<8x128x128xf32, #tpu.memory_space<vmem>>, vector<1x128x128xf32>
    %get3A_159 = vector.shape_cast %get3A_158 : vector<1x128x128xf32> to vector<128x128xf32>
    %dot_general3A_160 = arith.constant dense<0.000000e+00> : vector<256x128xf32>
    %dot_general3A_161 = tpu.matmul %exp3A_154, %get3A_159, %dot_general3A_160 {dimension_numbers = #tpu.dot_dimension_numbers<[1], [0], [0], [1], [0, 0, 1, 1], [], []>, transpose_lhs_hint = false} : vector<256x128xf32>, vector<128x128xf32>, vector<256x128xf32> -> vector<256x128xf32>
    %add3A_162 = arith.addf %add3A_143, %dot_general3A_161 : vector<256x128xf32>
    %sub3A_163 = arith.constant 2.000000e+00 : f32
    %sub3A_164 = vector.broadcast %sub3A_163 : f32 to vector<256x128xf32>
    %sub3A_165 = arith.subf %mul3A_32, %sub3A_164 : vector<256x128xf32>
    %mul3A_166 = arith.constant 1.750000e+00 : f32
    %mul3A_167 = vector.broadcast %mul3A_166 : f32 to vector<256x128xf32>
    %mul3A_168 = arith.mulf %sub3A_165, %mul3A_167 : vector<256x128xf32>
    %integer_pow3A_169 = arith.mulf %mul3A_168, %mul3A_168 : vector<256x128xf32>
    %neg3A_170 = arith.constant 0.000000e+00 : f32
    %neg3A_171 = vector.broadcast %neg3A_170 : f32 to vector<256x128xf32>
    %neg3A_172 = arith.subf %neg3A_171, %integer_pow3A_169 : vector<256x128xf32>
    %exp3A_173 = math.exp %neg3A_172 : vector<256x128xf32>
    %get3A_174 = arith.constant 7 : index
    %get3A_175 = arith.constant 0 : index
    %get3A_176 = arith.constant 0 : index
    %get3A_177 = vector.load %arg2[%get3A_174, %get3A_175, %get3A_176] : memref<8x128x128xf32, #tpu.memory_space<vmem>>, vector<1x128x128xf32>
    %get3A_178 = vector.shape_cast %get3A_177 : vector<1x128x128xf32> to vector<128x128xf32>
    %dot_general3A_179 = arith.constant dense<0.000000e+00> : vector<256x128xf32>
    %dot_general3A_180 = tpu.matmul %exp3A_173, %get3A_178, %dot_general3A_179 {dimension_numbers = #tpu.dot_dimension_numbers<[1], [0], [0], [1], [0, 0, 1, 1], [], []>, transpose_lhs_hint = false} : vector<256x128xf32>, vector<128x128xf32>, vector<256x128xf32> -> vector<256x128xf32>
    %add3A_181 = arith.addf %add3A_162, %dot_general3A_180 : vector<256x128xf32>
    %swap3A = arith.constant 0 : index
    %swap3A_182 = arith.constant 0 : index
    %swap3A_183 = vector.load %arg5[%swap3A, %swap3A_182] : memref<256x128xf32, #tpu.memory_space<vmem>>, vector<256x128xf32>
    tpu.vector_store %arg5[%swap3A, %swap3A_182], %add3A_181 {strides = array<i32>} : memref<256x128xf32, #tpu.memory_space<vmem>>, vector<256x128xf32>,
    return
  }
  func.func @transform_0(%arg0: i32) -> (i32, i32, i32) {
    %c0_i32 = arith.constant 0 : i32
    %c0_i32_0 = arith.constant 0 : i32
    %c0_i32_1 = arith.constant 0 : i32
    return %c0_i32, %arg0, %c0_i32_0 : i32, i32, i32
  }
  func.func @transform_1(%arg0: i32) -> (i32, i32, i32) {
    %c0_i32 = arith.constant 0 : i32
    %c0_i32_0 = arith.constant 0 : i32
    %c0_i32_1 = arith.constant 0 : i32
    %c0_i32_2 = arith.constant 0 : i32
    return %c0_i32, %c0_i32_0, %c0_i32_1 : i32, i32, i32
  }
  func.func @transform_2(%arg0: i32) -> (i32, i32) {
    %c0_i32 = arith.constant 0 : i32
    %c0_i32_0 = arith.constant 0 : i32
    %c0_i32_1 = arith.constant 0 : i32
    return %c0_i32, %c0_i32_0 : i32, i32
  }
  func.func @transform_3(%arg0: i32) -> (i32, i32) {
    %c0_i32 = arith.constant 0 : i32
    %c0_i32_0 = arith.constant 0 : i32
    return %arg0, %c0_i32 : i32, i32
  }
  func.func @transform_4(%arg0: i32) -> (i32, i32) {
    %c0_i32 = arith.constant 0 : i32
    %c0_i32_0 = arith.constant 0 : i32
    return %arg0, %c0_i32 : i32, i32
  }
}

</mosaic_0001>

<sc_bundles>
// kernel: kernel.10.cloned.1.call-start
scs
__scs_entry_jumppad:
0x0: {  	(pc) =	sbr.rel $0x88, $3  }
0x1: {  	(tag) =	ssettag $0x0;
	lr =	simm.s32 $0x1  }
0x2: {  	[smem:$0x3F9C] =	sst lr;
	_ =	strace $0xD0000000  }
0x3: {  	_ = 	snop  }
0x4: {  	_ = 	snop  }
0x5: {  	_ = 	snop  }
0x6: {  	_ = 	snop  }
0x7: {  	_ = 	snop  }
__scs_overlays_trampoline_lowered:
0x8: {  	[smem:$0x3FAB] =	sst s0  }
0x9: {  	[smem:$0x3FAC] =	sst s1  }
0xa: {  	[smem:$0x3FAD] =	sst s2  }
0xb: {  	[smem:$0x3FAE] =	sst s3  }
0xc: {  	[smem:$0x3FAF] =	sst s4  }
0xd: {  	[smem:$0x3FB0] =	sst s5  }
0xe: {  	[smem:$0x3FB1] =	sst s6  }
0xf: {  	[smem:$0x3FB2] =	sst s7  }
0x10: {  	[smem:$0x3FB3] =	sst s8  }
0x11: {  	[smem:$0x3FB4] =	sst s9;
	s0 =	simm.s32 @!p0 $0x0  }
0x12: {  	s1 =	sld [smem:$0x3F9A];
	s0 =	simm.s32 @p0 $0x1  }
0x13: {  	[smem:$0x3FB5] =	sst s0;
	s0 =	simm.s32 @!p1 $0x0  }
0x14: {  	s2 =	sld [smem:$0x3F99];
	s0 =	simm.s32 @p1 $0x1  }
0x15: {  	[smem:$0x3FB6] =	sst s0;
	s0 =	simm.s32 @!p2 $0x0  }
0x16: {  	s3 =	sld [smem:$0x3FDB];
	s0 =	simm.s32 @p2 $0x1  }
0x17: {  	s4 =	simm.s32 $0x1BF5;
	[smem:$0x3FB8] =	sst s0  }
0x18: {  	s0 =	sld [smem:$0x3F9B];
	_ =	swait.ge [sflag:s4], $0x0  }
0x19: {  	s7 =	sld [smem:$0x3F9C]  }
0x1a: {  	s8 =	sadd.s32 $0xFFFFE003, lr  }
0x1b: {  	s9 =	sadd.s32 $0xFFFFFEF7, lr;
	s5 =	simm.s32 $0xFFFFFFFF;
	p2 =	slt.u32 s8, $0xFFFFF086  }
0x1c: {  	p1 =	slt.u32 s9, $0xF7A;
	s5 =	simm.s32 @!p2 $0x0  }
0x1d: {  	s5 =	simm.s32 @p1 $0x1;
	p0 =	seq.s32 s7, s2  }
0x1e: {  	s7 =	smul.u32 @!p0 $0xF7A, s2;
	p2 =	seq.s32 @!p0 s5, $0x0  }
0x1f: {  	s9 =	smul.u32 $0xF7A, s1;
	s8 =	simm.s32 @!p0 $0x1BF5;
	p2 =	por !p2, p0  }
0x20: {  	[sflag:s8] =	ssyncset.s32 @!p0 $0xFFFFF086;
	s6 =	sadd.s32 @!p0 s3, s7;
	s7 =	simm.s32 @!p0 $0x108  }
0x21: {  	s3 =	sadd.s32 s3, s9;
	s6 =	sadd.s32 @!p0 $0x88, s6;
	s7 =	simm.s32 @p2 $0x1082  }
0x22: {  	[simem:s7], [sflag:s8] =	dma.local @!p0 [hbm:s6], $0xF7A  }
0x23: {  	s9 =	sor.u32 $0xD0000000, s2;
	s6 =	simm.s32 $0x108;
	_ =	swait.ge @!p0 [sflag:s8], $0x0  }
0x24: {  	s3 =	sadd.s32 $0x88, s3;
	s6 =	simm.s32 @!p1 $0x1082;
	[sflag:s4] =	ssyncset.s32 $0xFFFFF086  }
0x25: {  	[simem:s6], [sflag:s4] =	dma.local [hbm:s3], $0xF7A  }
0x26: {  	[smem:$0x3F9C] =	sst s1;
	(tag) =	ssettag s2;
	_ =	strace s9  }
0x27: {  	s1 =	sld [smem:$0x3FAC]  }
0x28: {  	s2 =	sld [smem:$0x3FAD]  }
0x29: {  	s4 =	sld [smem:$0x3FAF]  }
0x2a: {  	p0 =	seq.s32 s5, $0x0;
	s5 =	sld [smem:$0x3FB0]  }
0x2b: {  	s6 =	sld [smem:$0x3FB1]  }
0x2c: {  	s7 =	sld [smem:$0x3FB2]  }
0x2d: {  	s3 =	simm.s32 $0x108;
	s8 =	sld [smem:$0x3FB3]  }
0x2e: {  	s3 =	simm.s32 @!p0 $0x1082;
	s9 =	sld [smem:$0x3FB4]  }
0x2f: {  	lr =	sadd.s32 s0, s3;
	s0 =	sld [smem:$0x3FAB]  }
0x30: {  	s3 =	sld [smem:$0x3FAE]  }
0x31: {  	[smem:$0x3FB7] =	sst s10  }
0x32: {  	s10 =	sld [smem:$0x3FB5];
	_ =	sdelay $0x3  }
0x33: {  	p0 =	seq.s32 s10, $0x1;
	s10 =	sld [smem:$0x3FB7];
	_ =	sdelay $0x3  }
0x34: {  	[smem:$0x3FB7] =	sst s10  }
0x35: {  	s10 =	sld [smem:$0x3FB6];
	_ =	sdelay $0x3  }
0x36: {  	p1 =	seq.s32 s10, $0x1;
	s10 =	sld [smem:$0x3FB7];
	_ =	sdelay $0x3  }
0x37: {  	[smem:$0x3FB7] =	sst s10  }
0x38: {  	s10 =	sld [smem:$0x3FB8]  }
0x39: {  	_ = 	snop;
	(pc) =	sbr.ind lr, $3  }
0x3a: {  	_ = 	snop  }
0x3b: {  	_ = 	snop  }
0x3c: {  	p2 =	seq.s32 s10, $0x1;
	s10 =	sld [smem:$0x3FB7]  }
0x3d: {  	_ =	shalt  }
0x3e: {  	_ =	shalt  }
0x3f: {  	_ =	shalt  }
0x40: {  	_ =	shalt  }
0x41: {  	_ =	shalt  }
0x42: {  	_ =	shalt  }
0x43: {  	_ =	shalt  }
0x44: {  	_ =	shalt  }
0x45: {  	_ =	shalt  }
0x46: {  	_ =	shalt  }
0x47: {  	_ =	shalt  }
0x48: {  	_ =	shalt  }
0x49: {  	_ =	shalt  }
0x4a: {  	_ =	shalt  }
0x4b: {  	_ =	shalt  }
0x4c: {  	_ =	shalt  }
0x4d: {  	_ =	shalt  }
0x4e: {  	_ =	shalt  }
0x4f: {  	_ =	shalt  }
0x50: {  	_ =	shalt  }
0x51: {  	_ =	shalt  }
0x52: {  	_ =	shalt  }
0x53: {  	_ =	shalt  }
0x54: {  	_ =	shalt  }
0x55: {  	_ =	shalt  }
0x56: {  	_ =	shalt  }
0x57: {  	_ =	shalt  }
0x58: {  	_ =	shalt  }
0x59: {  	_ =	shalt  }
0x5a: {  	_ =	shalt  }
0x5b: {  	_ =	shalt  }
0x5c: {  	_ =	shalt  }
0x5d: {  	_ =	shalt  }
0x5e: {  	_ =	shalt  }
0x5f: {  	_ =	shalt  }
0x60: {  	_ =	shalt  }
0x61: {  	_ =	shalt  }
0x62: {  	_ =	shalt  }
0x63: {  	_ =	shalt  }
0x64: {  	_ =	shalt  }
0x65: {  	_ =	shalt  }
0x66: {  	_ =	shalt  }
0x67: {  	_ =	shalt  }
0x68: {  	_ =	shalt  }
0x69: {  	_ =	shalt  }
0x6a: {  	_ =	shalt  }
0x6b: {  	_ =	shalt  }
0x6c: {  	_ =	shalt  }
0x6d: {  	_ =	shalt  }
0x6e: {  	_ =	shalt  }
0x6f: {  	_ =	shalt  }
0x70: {  	_ =	shalt  }
0x71: {  	_ =	shalt  }
0x72: {  	_ =	shalt  }
0x73: {  	_ =	shalt  }
0x74: {  	_ =	shalt  }
0x75: {  	_ =	shalt  }
0x76: {  	_ =	shalt  }
0x77: {  	_ =	shalt  }
0x78: {  	_ =	shalt  }
0x79: {  	_ =	shalt  }
0x7a: {  	_ =	shalt  }
0x7b: {  	_ =	shalt  }
0x7c: {  	_ =	shalt  }
0x7d: {  	_ =	shalt  }
0x7e: {  	_ =	shalt  }
0x7f: {  	_ =	shalt  }
0x80: {  	_ =	shalt  }
0x81: {  	_ =	shalt  }
0x82: {  	_ =	shalt  }
0x83: {  	_ =	shalt  }
0x84: {  	_ =	shalt  }
0x85: {  	_ =	shalt  }
0x86: {  	_ =	shalt  }
0x87: {  	_ =	shalt  }
.Lfunc_end0:
.L_simem_size_0:
called_computation_lowered:
.L_overlay_start_0:
0x88: {  	s2 =	sld [smem:$0x3FD9]  }
0x89: {  	s3 =	sld [smem:$0x3FFE];
	_ =	sdelay $0x1  }
0x8a: {  	s1 =	srdreg.scid  }
0x8b: {  	s0 =	sand.u32 $0x1, s1  }
0x8c: {  	s17 =	sshll.u32 s0, $0xA;
	s2 =	sadd.s32 s3, s2  }
0x8d: {  	s2 =	sadd.s32 s2, s17  }
0x8e: {  	[smem:$0x3FC3] =	sst s2  }
0x8f: {  	_ = 	snop  }
0x90: {  	s2 =	sld [smem:$0x3FD0];
	(tm) =	ssettm $0x1  }
0x91: {  	s18 =	sld [smem:$0x3FFB];
	_ =	sdelay $0x3  }
0x92: {  	_ =	strace s18  }
0x93: {  	s3 =	sld [smem:$0x3FFC];
	_ =	sdelay $0x3  }
0x94: {  	_ =	strace s3  }
0x95: {  	s3 =	sld [smem:$0x3FFD];
	_ =	sdelay $0x3  }
0x96: {  	_ =	strace s3  }
0x97: {  	_ =	strace $0x8FFFFFFF  }
0x98: {  	s19 =	sld [smem:$0x3FDB];
	_ =	sdelay $0x1  }
0x99: {  	s4 =	simm.s32 $_scs_section_size  }
0x9a: {  	s5 =	simm.s32 $_size__tile_overlayer_lowered;
	s6 =	simm.s32 $_tile_overlayer_lowered  }
0x9b: {  	s22 =	simm.s32 $0x1BFF;
	s21 =	sshll.u32 s6, $0x1;
	s3 =	sadd.s32 s4, s19  }
0x9c: {  	s7 =	simm.s32 $0x0;
	s20 =	sshll.u32 s5, $0x1;
	s5 =	sadd.s32 s21, s3  }
0x9d: {  	[timem:s7], [sflag:s22] =	dma.local [hbm:s5], s20  }
0x9e: {  	_ =	swait.ge [sflag:s22], s20  }
0x9f: {  	s4 =	ssub.s32 $0x0, s20;
	[sflag:s22] =	ssyncset.done $0x0  }
0xa0: {  	[sflag:s22] =	ssyncadd.s32 s4;
	_ =	sdelay $0x1  }
0xa1: {  	s23 =	simm.s32 $0x1B8B  }
0xa2: {  	_ =	swait.ge [sflag:s23], $0x1  }
0xa3: {  	[sflag:s23] =	ssyncset.done $0x0  }
0xa4: {  	s25 =	simm.s32 $0x1B8E;
	s24 =	sld [smem:$0x3FFE];
	[sflag:s23] =	ssyncadd.s32 $0xFFFFFFFF  }
0xa5: {  	s26 =	simm.s32 $execute0_lowered;
	[smem:$0x3FD2] =	sst s25  }
0xa6: {  	s5 =	sshll.u32 s26, $0x1;
	_ =	strace $0x80000046;
	[dreg:$0x1] =	wrdreg $0xFFFFFFFF  }
0xa7: {  	s28 =	simm.s32 $_size_execute0_lowered;
	s3 =	sadd.s32 s3, s5;
	[dreg:$0x0] =	wrdreg $0x0  }
0xa8: {  	s5 =	sshll.u32 s28, $0x1;
	[dreg:$0x2] =	wrdreg s3  }
0xa9: {  	[dreg:$0x3] =	wrdreg s5  }
0xaa: {  	[dreg:$0x4] =	wrdreg $0xC0  }
0xab: {  	_ =	task [dreg:s7], $0x5FFFF  }
0xac: {  	[dreg:$0x1] =	wrdreg $0xFFFFFFFF  }
0xad: {  	[dreg:$0x0] =	wrdreg $0x60  }
0xae: {  	[dreg:$0x2] =	wrdreg s2  }
0xaf: {  	[dreg:$0x3] =	wrdreg s24  }
0xb0: {  	[dreg:$0x4] =	wrdreg $0x70000  }
0xb1: {  	[dreg:$0x5] =	wrdreg $0x9  }
0xb2: {  	_ =	task.clear_ibuf [dreg:s7], $0x6FFFF;
	_ =	strace $0x90000046  }
0xb3: {  	s29 =	simm.s32 $0x9;
	_ =	strace $0x80000048  }
0xb4: {  	_ =	swait.ge [sflag:s29], $0x1  }
0xb5: {  	[sflag:s29] =	ssyncadd.s32 $0xFFFFFFFF  }
0xb6: {  	_ =	strace $0x90000048  }
0xb7: {  	_ =	sfence  }
0xb8: {  	s30 =	sld [smem:$0x0];
	_ =	sdelay $0x2  }
0xb9: {  	s31 =	sshll.u32 s1, $0xD;
	s1 =	sshrl.u32 s1, $0x2  }
0xba: {  	s3 =	sand.u32 $0x4000, s31;
	s1 =	sadd.s32 s1, s30  }
0xbb: {  	s0 =	sor.u32 s3, s0;
	s1 =	sshll.u32 s1, $0x11  }
0xbc: {  	s0 =	sor.u32 s1, s0  }
0xbd: {  	s0 =	sadd.s32 $0x8F2B, s0  }
0xbe: {  	[sflag:s0] =	ssyncadd.remote.s32 $0x1  }
0xbf: {  	_ =	sfence.sel $0xFFFF  }
0xc0: {  	[dreg:$0x0] =	wrdreg $0xFFFFFFFF;
	(pc) =	sbr.abs _section_cstart, $3  }
0xc1: {  	[dreg:$0x1] =	wrdreg $0xFFFFFFFF  }
0xc2: {  	_ =	task.clear_ibuf [dreg:s7], $0x2FFFF;
	_ =	strace $0x9FFFFFFF  }
0xc3: {  	(tm) =	ssettm $0x7FFFFFFF  }
tec
execute0_lowered:
.L_overlay_start_1:
0x0: {  	(tag) =	ssettag $0x1  }
0x1: {  	s14 =	rddreg [dreg:$0x0]  }
0x2: {  	s4 =	rddreg [dreg:$0x1]  }
0x3: {  	s0 =	srdreg.scid;
	s2 =	rddreg [dreg:$0x2]  }
0x4: {  	s1 =	rddreg [dreg:$0x3];
	s3 =	simm.s32 $0x0;
	s5 =	sand.u32 $0x1, s0  }
0x5: {  	s18 =	simm.s32 $0x1;
	s0 =	stileid.u32;
	s6 =	smul.u32 $0x140000, s5  }
0x6: {  	s19 =	simm.s32 $0x40;
	[smem:$0x7FF] =	sst s3;
	s7 =	smul.u32 $0x14000, s0  }
0x7: {  	s22 =	simm.s32 $0x0;
	s29 =	smul.u32 $0x50000, s0;
	_ =	strace $0x80000047  }
0x8: {  	s8 =	ssub.s32 $0x2, s5;
	s5 =	sshll.u32 s5, $0x4;
	s20 =	sshll.u32 s0, $0x6  }
0x9: {  	s30 =	sshrl.u32 s8, $0x1;
	s9 =	sor.u32 s0, s5;
	s20 =	sor.u32 $0x1C01, s20  }
0xa: {  	s6 =	sadd.s32 s7, s6;
	s16 =	ssub.s32 s8, s30;
	s17 =	smul.u32 $0xA00, s9  }
0xb: {  	s31 =	sshrl.u32 s29, $0x2;
	s6 =	sshrl.u32 s6, $0x3;
	s16 =	smax.u32 s16, $0x1  }
0xc: {  	s15 =	sadd.s32 s6, s4;
	s4 =	sadd.s32 s31, s2;
	s14 =	sadd.s32 s14, s17  }
0xd: {  	s17 =	simm.s32 $0x5000;
	s5 =	sadd.s32 $0x2000, s4;
	s6 =	sadd.s32 $0x4000, s4  }
0xe: {  	s7 =	sadd.s32 $0x6000, s4;
	s8 =	sadd.s32 $0x8000, s4;
	s9 =	sadd.s32 $0xA000, s4  }
0xf: {  	s10 =	sadd.s32 $0xC000, s4;
	s11 =	sadd.s32 $0xE000, s4;
	s12 =	sadd.s32 $0x10000, s4  }
0x10: {  	v0 =	vimm.f32 $0.0e+00;
	v1 =	vimm.f32 $1.000000000e+00;
	s13 =	sadd.s32 $0x12000, s4;
	s15 =	sadd.s32 $0x2000, s15;
	s21 =	sshrl.u32 s4, $0x3  }
.LBB2_1:
0x11: {  	s23 =	sand.u32 $0x7E00, s3  }
0x12: {  	s24 =	sand.u32 $0x70, s3;
	s25 =	sshrl.u32 s23, $0x2  }
0x13: {  	s23 =	simm.s32 $0x40;
	s25 =	sor.u32 s24, s25;
	s24 =	simm.s32 $0x0  }
.LBB2_2:
0x14: {  	p0 =	sne.s32 s23, $0x7FC0  }
0x15: {  	[tilespmem:s25+$0x5000] =	vst v0;
	s24 =	sadd.s32 $0x10, s24;
	s25 =	smov.u32 s23;
	s23 =	sadd.s32 $0x40, s23  }
.Ltmp0:
0x16: {  	(pc) =	sbr.rel @p0 .LBB2_2-.Ltmp0, $4  }
0x17: {  	_ = 	snop  }
0x18: {  	s25 =	sand.u32 $0x7E00, s25  }
0x19: {  	s26 =	sand.u32 $0x70, s24;
	s25 =	sshrl.u32 s25, $0x2  }
0x1a: {  	s25 =	sor.u32 s26, s25  }
0x1b: {  	[tilespmem:s25+$0x5000] =	vst v0  }
0x1c: {  	[spmem:s4] =	stream.linear.scatter [tilespmem:s17], [sflag:$0x1], $0x2000, $0x38;
	[tilespmem:$0x1B000] =	vst v63  }
0x1d: {  	_ =	swait.ge [sflag:s18], $0x2000  }
0x1e: {  	[sflag:s18] =	ssyncset.done $0x0  }
0x1f: {  	[sflag:s18] =	ssyncadd.s32 $0xFFFFE000  }
0x20: {  	[spmem:s5] =	stream.linear.scatter [tilespmem:s17], [sflag:$0x1], $0x2000, $0x38;
	[tilespmem:$0x1B000] =	vst v63  }
0x21: {  	_ =	swait.ge [sflag:s18], $0x2000  }
0x22: {  	[sflag:s18] =	ssyncset.done $0x0  }
0x23: {  	[sflag:s18] =	ssyncadd.s32 $0xFFFFE000  }
0x24: {  	[spmem:s6] =	stream.linear.scatter [tilespmem:s17], [sflag:$0x1], $0x2000, $0x38;
	[tilespmem:$0x1B000] =	vst v63  }
0x25: {  	_ =	swait.ge [sflag:s18], $0x2000  }
0x26: {  	[sflag:s18] =	ssyncset.done $0x0  }
0x27: {  	[sflag:s18] =	ssyncadd.s32 $0xFFFFE000  }
0x28: {  	[spmem:s7] =	stream.linear.scatter [tilespmem:s17], [sflag:$0x1], $0x2000, $0x38;
	[tilespmem:$0x1B000] =	vst v63  }
0x29: {  	_ =	swait.ge [sflag:s18], $0x2000  }
0x2a: {  	[sflag:s18] =	ssyncset.done $0x0  }
0x2b: {  	[sflag:s18] =	ssyncadd.s32 $0xFFFFE000  }
0x2c: {  	[spmem:s8] =	stream.linear.scatter [tilespmem:s17], [sflag:$0x1], $0x2000, $0x38;
	[tilespmem:$0x1B000] =	vst v63  }
0x2d: {  	_ =	swait.ge [sflag:s18], $0x2000  }
0x2e: {  	[sflag:s18] =	ssyncset.done $0x0  }
0x2f: {  	[sflag:s18] =	ssyncadd.s32 $0xFFFFE000  }
0x30: {  	[spmem:s9] =	stream.linear.scatter [tilespmem:s17], [sflag:$0x1], $0x2000, $0x38;
	[tilespmem:$0x1B000] =	vst v63  }
0x31: {  	_ =	swait.ge [sflag:s18], $0x2000  }
0x32: {  	[sflag:s18] =	ssyncset.done $0x0  }
0x33: {  	[sflag:s18] =	ssyncadd.s32 $0xFFFFE000  }
0x34: {  	[spmem:s10] =	stream.linear.scatter [tilespmem:s17], [sflag:$0x1], $0x2000, $0x38;
	[tilespmem:$0x1B000] =	vst v63  }
0x35: {  	_ =	swait.ge [sflag:s18], $0x2000  }
0x36: {  	[sflag:s18] =	ssyncset.done $0x0  }
0x37: {  	[sflag:s18] =	ssyncadd.s32 $0xFFFFE000  }
0x38: {  	[spmem:s11] =	stream.linear.scatter [tilespmem:s17], [sflag:$0x1], $0x2000, $0x38;
	[tilespmem:$0x1B000] =	vst v63  }
0x39: {  	_ =	swait.ge [sflag:s18], $0x2000  }
0x3a: {  	[sflag:s18] =	ssyncset.done $0x0  }
0x3b: {  	[sflag:s18] =	ssyncadd.s32 $0xFFFFE000  }
0x3c: {  	[spmem:s12] =	stream.linear.scatter [tilespmem:s17], [sflag:$0x1], $0x2000, $0x38;
	[tilespmem:$0x1B000] =	vst v63  }
0x3d: {  	_ =	swait.ge [sflag:s18], $0x2000  }
0x3e: {  	[sflag:s18] =	ssyncset.done $0x0  }
0x3f: {  	s23 =	simm.s32 $0x0;
	[sflag:s18] =	ssyncadd.s32 $0xFFFFE000  }
0x40: {  	[spmem:s13] =	stream.linear.scatter [tilespmem:s17], [sflag:$0x1], $0x2000, $0x38;
	[tilespmem:$0x1B000] =	vst v63  }
0x41: {  	s24 =	sand.u32 $0x7E00, s23;
	_ =	swait.ge [sflag:s18], $0x2000  }
0x42: {  	s31 =	sand.u32 $0x70, s23;
	s26 =	sshrl.u32 s24, $0x2;
	[sflag:s18] =	ssyncset.done $0x0  }
0x43: {  	s24 =	simm.s32 $0x40;
	s25 =	sor.u32 s31, s26;
	[sflag:s18] =	ssyncadd.s32 $0xFFFFE000  }
.LBB2_4:
0x44: {  	p0 =	sne.s32 s24, $0x7FC0  }
0x45: {  	[tilespmem:s25+$0x5000] =	vst v1;
	s23 =	sadd.s32 $0x10, s23;
	s25 =	smov.u32 s24;
	s24 =	sadd.s32 $0x40, s24  }
.Ltmp1:
0x46: {  	(pc) =	sbr.rel @p0 .LBB2_4-.Ltmp1, $4  }
0x47: {  	_ = 	snop  }
0x48: {  	s25 =	sand.u32 $0x7E00, s25  }
0x49: {  	s26 =	sand.u32 $0x70, s23;
	s25 =	sshrl.u32 s25, $0x2  }
0x4a: {  	s25 =	sor.u32 s26, s25  }
0x4b: {  	[tilespmem:s25+$0x5000] =	vst v1  }
0x4c: {  	s23 =	simm.s32 $0x0;
	[bflag:$0x0] =	sbarrier.arrive $0xFFFF  }
0x4d: {  	[tilespmem:s23], [sflag:$0x1] =	stream.linear.gather [hbm4b:s14+s23], $0x5000, $0x38;
	[tilespmem:$0x1B000] =	vst v63  }
0x4e: {  	_ =	swait.ge [sflag:s18], $0x5000  }
0x4f: {  	[sflag:s18] =	ssyncset.done $0x0  }
0x50: {  	s31 =	simm.s32 $0x0;
	[sflag:s18] =	ssyncadd.s32 $0xFFFFB000  }
0x51: {  	[spmem:s2] =	stream.indirect.scatter.add.f32 [tilespmem:s17], [sflag:$0x1], $0x80, s31, s19, $0xb8;
	[tilespmem:$0x1B000] =	vst v63  }
0x52: {  	_ =	swait.ge [sflag:s18], $0x2000  }
0x53: {  	s23 =	simm.s32 $0x200;
	[sflag:s18] =	ssyncset.done $0x0  }
.LBB2_6:
0x54: {  	s24 =	sshra.s32 s23, $0x2;
	[sflag:s18] =	ssyncadd.s32 $0xFFFFE000;
	p0 =	sne.s32 s23, $0x13E00  }
0x55: {  	[spmem:s2] =	stream.indirect.scatter.add.f32 [tilespmem:s17], [sflag:$0x1], $0x80, s24, s19, $0xb8;
	[tilespmem:$0x1B000] =	vst v63  }
.Ltmp2:
0x56: {  	_ = 	snop;
	(pc) =	sbr.rel @p0 .LBB2_6-.Ltmp2, $4  }
0x57: {  	_ = 	snop  }
0x58: {  	s23 =	sadd.s32 $0x200, s23  }
0x59: {  	_ =	swait.ge [sflag:s18], $0x2000  }
0x5a: {  	[sflag:s18] =	ssyncset.done $0x0  }
0x5b: {  	s22 =	sadd.s32 $0x1, s22  }
0x5c: {  	[sflag:s18] =	ssyncadd.s32 $0xFFFFE000;
	p0 =	sne.s32 s22, s16  }
.Ltmp3:
0x5d: {  	[bflag:$0x0] =	sbarrier.arrive $0xFFFF;
	(pc) =	sbr.rel @p0 .LBB2_1-.Ltmp3, $4  }
0x5e: {  	[hbm:s15], [sflag:s20] =	dma.local [spmem:s21], $0x2800  }
0x5f: {  	_ =	swait.ge [sflag:s18], $0x2800  }
0x60: {  	[sflag:s18] =	ssyncset.done $0x0  }
0x61: {  	[sflag:s18] =	ssyncadd.s32 $0xFFFFD800  }
0x62: {  	_ =	sfence.sel $0x180000  }
0x63: {  	[bflag:$0x0] =	sbarrier.arrive $0xFFFF  }
0x64: {  	p0 =	sne.s32 s0, $0x0;
	_ =	strace $0x90000047  }
0x65: {  	s0 =	sadd.s32 @!p0 $0x100000, s1;
	[bflag:$0x2] =	sbarrier.arrive $0xFFFF  }
0x66: {  	[sflag:s0] =	ssyncadd.tile.s32 @!p0 $0x1;
	_ =	shalt  }
.Lfunc_end2:
_tile_overlayer_lowered:
.L_overlay_start_2:
0x67: {  	(tag) =	ssettag $0x2  }
0x68: {  	s0 =	rddreg [dreg:$0x0];
	s2 =	stileid.u32  }
0x69: {  	s1 =	rddreg [dreg:$0x1];
	p0 =	sne.s32 s2, $0x0  }
0x6a: {  	s3 =	rddreg [dreg:$0x2];
	[bflag:$0x3] =	sbarrier.arrive $0xFFFF;
	s2 =	simm.s32 @!p0 $0x1C01  }
0x6b: {  	[timem:s3], [sflag:s2] =	dma.local @!p0 [hbm:s0], s1  }
0x6c: {  	s0 =	simm.s32 @!p0 $0x1  }
0x6d: {  	_ =	swait.ge @!p0 [sflag:s0], s1  }
0x6e: {  	s1 =	ssub.s32 @!p0 $0x0, s1;
	[sflag:s0] =	ssyncset.done @!p0 $0x0  }
0x6f: {  	[sflag:s0] =	ssyncadd.s32 @!p0 s1  }
0x70: {  	[bflag:$0x3] =	sbarrier.arrive $0xFFFF  }
0x71: {  	_ =	shalt  }

// kernel: kernel.13.cloned.1.call-start
scs
__scs_entry_jumppad:
0x0: {  	(pc) =	sbr.rel $0x88, $3  }
0x1: {  	(tag) =	ssettag $0x0;
	lr =	simm.s32 $0x1  }
0x2: {  	[smem:$0x3F9C] =	sst lr;
	_ =	strace $0xD0000000  }
0x3: {  	_ = 	snop  }
0x4: {  	_ = 	snop  }
0x5: {  	_ = 	snop  }
0x6: {  	_ = 	snop  }
0x7: {  	_ = 	snop  }
__scs_overlays_trampoline_lowered:
0x8: {  	[smem:$0x3FAB] =	sst s0  }
0x9: {  	[smem:$0x3FAC] =	sst s1  }
0xa: {  	[smem:$0x3FAD] =	sst s2  }
0xb: {  	[smem:$0x3FAE] =	sst s3  }
0xc: {  	[smem:$0x3FAF] =	sst s4  }
0xd: {  	[smem:$0x3FB0] =	sst s5  }
0xe: {  	[smem:$0x3FB1] =	sst s6  }
0xf: {  	[smem:$0x3FB2] =	sst s7  }
0x10: {  	[smem:$0x3FB3] =	sst s8  }
0x11: {  	[smem:$0x3FB4] =	sst s9;
	s0 =	simm.s32 @!p0 $0x0  }
0x12: {  	s1 =	sld [smem:$0x3F9A];
	s0 =	simm.s32 @p0 $0x1  }
0x13: {  	[smem:$0x3FB5] =	sst s0;
	s0 =	simm.s32 @!p1 $0x0  }
0x14: {  	s2 =	sld [smem:$0x3F99];
	s0 =	simm.s32 @p1 $0x1  }
0x15: {  	[smem:$0x3FB6] =	sst s0;
	s0 =	simm.s32 @!p2 $0x0  }
0x16: {  	s3 =	sld [smem:$0x3FDB];
	s0 =	simm.s32 @p2 $0x1  }
0x17: {  	s4 =	simm.s32 $0x1BF5;
	[smem:$0x3FB8] =	sst s0  }
0x18: {  	s0 =	sld [smem:$0x3F9B];
	_ =	swait.ge [sflag:s4], $0x0  }
0x19: {  	s7 =	sld [smem:$0x3F9C]  }
0x1a: {  	s8 =	sadd.s32 $0xFFFFE003, lr  }
0x1b: {  	s9 =	sadd.s32 $0xFFFFFEF7, lr;
	s5 =	simm.s32 $0xFFFFFFFF;
	p2 =	slt.u32 s8, $0xFFFFF086  }
0x1c: {  	p1 =	slt.u32 s9, $0xF7A;
	s5 =	simm.s32 @!p2 $0x0  }
0x1d: {  	s5 =	simm.s32 @p1 $0x1;
	p0 =	seq.s32 s7, s2  }
0x1e: {  	s7 =	smul.u32 @!p0 $0xF7A, s2;
	p2 =	seq.s32 @!p0 s5, $0x0  }
0x1f: {  	s9 =	smul.u32 $0xF7A, s1;
	s8 =	simm.s32 @!p0 $0x1BF5;
	p2 =	por !p2, p0  }
0x20: {  	[sflag:s8] =	ssyncset.s32 @!p0 $0xFFFFF086;
	s6 =	sadd.s32 @!p0 s3, s7;
	s7 =	simm.s32 @!p0 $0x108  }
0x21: {  	s3 =	sadd.s32 s3, s9;
	s6 =	sadd.s32 @!p0 $0x88, s6;
	s7 =	simm.s32 @p2 $0x1082  }
0x22: {  	[simem:s7], [sflag:s8] =	dma.local @!p0 [hbm:s6], $0xF7A  }
0x23: {  	s9 =	sor.u32 $0xD0000000, s2;
	s6 =	simm.s32 $0x108;
	_ =	swait.ge @!p0 [sflag:s8], $0x0  }
0x24: {  	s3 =	sadd.s32 $0x88, s3;
	s6 =	simm.s32 @!p1 $0x1082;
	[sflag:s4] =	ssyncset.s32 $0xFFFFF086  }
0x25: {  	[simem:s6], [sflag:s4] =	dma.local [hbm:s3], $0xF7A  }
0x26: {  	[smem:$0x3F9C] =	sst s1;
	(tag) =	ssettag s2;
	_ =	strace s9  }
0x27: {  	s1 =	sld [smem:$0x3FAC]  }
0x28: {  	s2 =	sld [smem:$0x3FAD]  }
0x29: {  	s4 =	sld [smem:$0x3FAF]  }
0x2a: {  	p0 =	seq.s32 s5, $0x0;
	s5 =	sld [smem:$0x3FB0]  }
0x2b: {  	s6 =	sld [smem:$0x3FB1]  }
0x2c: {  	s7 =	sld [smem:$0x3FB2]  }
0x2d: {  	s3 =	simm.s32 $0x108;
	s8 =	sld [smem:$0x3FB3]  }
0x2e: {  	s3 =	simm.s32 @!p0 $0x1082;
	s9 =	sld [smem:$0x3FB4]  }
0x2f: {  	lr =	sadd.s32 s0, s3;
	s0 =	sld [smem:$0x3FAB]  }
0x30: {  	s3 =	sld [smem:$0x3FAE]  }
0x31: {  	[smem:$0x3FB7] =	sst s10  }
0x32: {  	s10 =	sld [smem:$0x3FB5];
	_ =	sdelay $0x3  }
0x33: {  	p0 =	seq.s32 s10, $0x1;
	s10 =	sld [smem:$0x3FB7];
	_ =	sdelay $0x3  }
0x34: {  	[smem:$0x3FB7] =	sst s10  }
0x35: {  	s10 =	sld [smem:$0x3FB6];
	_ =	sdelay $0x3  }
0x36: {  	p1 =	seq.s32 s10, $0x1;
	s10 =	sld [smem:$0x3FB7];
	_ =	sdelay $0x3  }
0x37: {  	[smem:$0x3FB7] =	sst s10  }
0x38: {  	s10 =	sld [smem:$0x3FB8]  }
0x39: {  	_ = 	snop;
	(pc) =	sbr.ind lr, $3  }
0x3a: {  	_ = 	snop  }
0x3b: {  	_ = 	snop  }
0x3c: {  	p2 =	seq.s32 s10, $0x1;
	s10 =	sld [smem:$0x3FB7]  }
0x3d: {  	_ =	shalt  }
0x3e: {  	_ =	shalt  }
0x3f: {  	_ =	shalt  }
0x40: {  	_ =	shalt  }
0x41: {  	_ =	shalt  }
0x42: {  	_ =	shalt  }
0x43: {  	_ =	shalt  }
0x44: {  	_ =	shalt  }
0x45: {  	_ =	shalt  }
0x46: {  	_ =	shalt  }
0x47: {  	_ =	shalt  }
0x48: {  	_ =	shalt  }
0x49: {  	_ =	shalt  }
0x4a: {  	_ =	shalt  }
0x4b: {  	_ =	shalt  }
0x4c: {  	_ =	shalt  }
0x4d: {  	_ =	shalt  }
0x4e: {  	_ =	shalt  }
0x4f: {  	_ =	shalt  }
0x50: {  	_ =	shalt  }
0x51: {  	_ =	shalt  }
0x52: {  	_ =	shalt  }
0x53: {  	_ =	shalt  }
0x54: {  	_ =	shalt  }
0x55: {  	_ =	shalt  }
0x56: {  	_ =	shalt  }
0x57: {  	_ =	shalt  }
0x58: {  	_ =	shalt  }
0x59: {  	_ =	shalt  }
0x5a: {  	_ =	shalt  }
0x5b: {  	_ =	shalt  }
0x5c: {  	_ =	shalt  }
0x5d: {  	_ =	shalt  }
0x5e: {  	_ =	shalt  }
0x5f: {  	_ =	shalt  }
0x60: {  	_ =	shalt  }
0x61: {  	_ =	shalt  }
0x62: {  	_ =	shalt  }
0x63: {  	_ =	shalt  }
0x64: {  	_ =	shalt  }
0x65: {  	_ =	shalt  }
0x66: {  	_ =	shalt  }
0x67: {  	_ =	shalt  }
0x68: {  	_ =	shalt  }
0x69: {  	_ =	shalt  }
0x6a: {  	_ =	shalt  }
0x6b: {  	_ =	shalt  }
0x6c: {  	_ =	shalt  }
0x6d: {  	_ =	shalt  }
0x6e: {  	_ =	shalt  }
0x6f: {  	_ =	shalt  }
0x70: {  	_ =	shalt  }
0x71: {  	_ =	shalt  }
0x72: {  	_ =	shalt  }
0x73: {  	_ =	shalt  }
0x74: {  	_ =	shalt  }
0x75: {  	_ =	shalt  }
0x76: {  	_ =	shalt  }
0x77: {  	_ =	shalt  }
0x78: {  	_ =	shalt  }
0x79: {  	_ =	shalt  }
0x7a: {  	_ =	shalt  }
0x7b: {  	_ =	shalt  }
0x7c: {  	_ =	shalt  }
0x7d: {  	_ =	shalt  }
0x7e: {  	_ =	shalt  }
0x7f: {  	_ =	shalt  }
0x80: {  	_ =	shalt  }
0x81: {  	_ =	shalt  }
0x82: {  	_ =	shalt  }
0x83: {  	_ =	shalt  }
0x84: {  	_ =	shalt  }
0x85: {  	_ =	shalt  }
0x86: {  	_ =	shalt  }
0x87: {  	_ =	shalt  }
.Lfunc_end0:
.L_simem_size_0:
called_computation.1_lowered:
.L_overlay_start_0:
0x88: {  	s2 =	sld [smem:$0x3FD9]  }
0x89: {  	s3 =	sld [smem:$0x3FFE];
	_ =	sdelay $0x1  }
0x8a: {  	s1 =	srdreg.scid  }
0x8b: {  	s0 =	sand.u32 $0x1, s1  }
0x8c: {  	s17 =	sshll.u32 s0, $0xA;
	s2 =	sadd.s32 s3, s2  }
0x8d: {  	s2 =	sadd.s32 s2, s17  }
0x8e: {  	[smem:$0x3FC3] =	sst s2  }
0x8f: {  	_ = 	snop  }
0x90: {  	s2 =	sld [smem:$0x3FD0];
	(tm) =	ssettm $0x1  }
0x91: {  	s18 =	sld [smem:$0x3FFB];
	_ =	sdelay $0x3  }
0x92: {  	_ =	strace s18  }
0x93: {  	s3 =	sld [smem:$0x3FFC];
	_ =	sdelay $0x3  }
0x94: {  	_ =	strace s3  }
0x95: {  	s3 =	sld [smem:$0x3FFD];
	_ =	sdelay $0x3  }
0x96: {  	_ =	strace s3  }
0x97: {  	_ =	strace $0x8FFFFFFF  }
0x98: {  	s19 =	sld [smem:$0x3FDB];
	_ =	sdelay $0x1  }
0x99: {  	s4 =	simm.s32 $_scs_section_size  }
0x9a: {  	s5 =	simm.s32 $_size__tile_overlayer_lowered;
	s6 =	simm.s32 $_tile_overlayer_lowered  }
0x9b: {  	s22 =	simm.s32 $0x1BFF;
	s21 =	sshll.u32 s6, $0x1;
	s3 =	sadd.s32 s4, s19  }
0x9c: {  	s7 =	simm.s32 $0x0;
	s20 =	sshll.u32 s5, $0x1;
	s5 =	sadd.s32 s21, s3  }
0x9d: {  	[timem:s7], [sflag:s22] =	dma.local [hbm:s5], s20  }
0x9e: {  	_ =	swait.ge [sflag:s22], s20  }
0x9f: {  	s4 =	ssub.s32 $0x0, s20;
	[sflag:s22] =	ssyncset.done $0x0  }
0xa0: {  	[sflag:s22] =	ssyncadd.s32 s4;
	_ =	sdelay $0x1  }
0xa1: {  	s23 =	simm.s32 $0x1B8B  }
0xa2: {  	_ =	swait.ge [sflag:s23], $0x1  }
0xa3: {  	[sflag:s23] =	ssyncset.done $0x0  }
0xa4: {  	s25 =	simm.s32 $0x1B8E;
	s24 =	sld [smem:$0x3FFE];
	[sflag:s23] =	ssyncadd.s32 $0xFFFFFFFF  }
0xa5: {  	s26 =	simm.s32 $execute0_lowered;
	[smem:$0x3FD2] =	sst s25  }
0xa6: {  	s5 =	sshll.u32 s26, $0x1;
	_ =	strace $0x80000049;
	[dreg:$0x1] =	wrdreg $0xFFFFFFFF  }
0xa7: {  	s28 =	simm.s32 $_size_execute0_lowered;
	s3 =	sadd.s32 s3, s5;
	[dreg:$0x0] =	wrdreg $0x0  }
0xa8: {  	s5 =	sshll.u32 s28, $0x1;
	[dreg:$0x2] =	wrdreg s3  }
0xa9: {  	[dreg:$0x3] =	wrdreg s5  }
0xaa: {  	[dreg:$0x4] =	wrdreg $0xC0  }
0xab: {  	_ =	task [dreg:s7], $0x5FFFF  }
0xac: {  	[dreg:$0x1] =	wrdreg $0xFFFFFFFF  }
0xad: {  	[dreg:$0x0] =	wrdreg $0x60  }
0xae: {  	[dreg:$0x2] =	wrdreg s24  }
0xaf: {  	[dreg:$0x3] =	wrdreg s2  }
0xb0: {  	[dreg:$0x4] =	wrdreg $0x70000  }
0xb1: {  	[dreg:$0x5] =	wrdreg $0x9  }
0xb2: {  	_ =	task.clear_ibuf [dreg:s7], $0x6FFFF;
	_ =	strace $0x90000049  }
0xb3: {  	s29 =	simm.s32 $0x9;
	_ =	strace $0x8000004B  }
0xb4: {  	_ =	swait.ge [sflag:s29], $0x1  }
0xb5: {  	[sflag:s29] =	ssyncadd.s32 $0xFFFFFFFF  }
0xb6: {  	_ =	strace $0x9000004B  }
0xb7: {  	_ =	sfence  }
0xb8: {  	s30 =	sld [smem:$0x0];
	_ =	sdelay $0x2  }
0xb9: {  	s31 =	sshll.u32 s1, $0xD;
	s1 =	sshrl.u32 s1, $0x2  }
0xba: {  	s3 =	sand.u32 $0x4000, s31;
	s1 =	sadd.s32 s1, s30  }
0xbb: {  	s0 =	sor.u32 s3, s0;
	s1 =	sshll.u32 s1, $0x11  }
0xbc: {  	s0 =	sor.u32 s1, s0  }
0xbd: {  	s0 =	sadd.s32 $0x8F2B, s0  }
0xbe: {  	[sflag:s0] =	ssyncadd.remote.s32 $0x1  }
0xbf: {  	_ =	sfence.sel $0xFFFF  }
0xc0: {  	[dreg:$0x0] =	wrdreg $0xFFFFFFFF;
	(pc) =	sbr.abs _section_cstart, $3  }
0xc1: {  	[dreg:$0x1] =	wrdreg $0xFFFFFFFF  }
0xc2: {  	_ =	task.clear_ibuf [dreg:s7], $0x2FFFF;
	_ =	strace $0x9FFFFFFF  }
0xc3: {  	(tm) =	ssettm $0x7FFFFFFF  }
tec
execute0_lowered:
.L_overlay_start_1:
0x0: {  	(tag) =	ssettag $0x1  }
0x1: {  	s5 =	rddreg [dreg:$0x0]  }
0x2: {  	s17 =	rddreg [dreg:$0x1]  }
0x3: {  	s1 =	rddreg [dreg:$0x2]  }
0x4: {  	s2 =	srdreg.scid;
	s0 =	rddreg [dreg:$0x3];
	s3 =	simm.s32 $0x0  }
0x5: {  	s22 =	simm.s32 $0x1;
	s23 =	simm.s32 $0x2800;
	s24 =	simm.s32 $0x40  }
0x6: {  	s25 =	simm.s32 $0x0;
	s6 =	sand.u32 $0x1, s2;
	s2 =	stileid.u32  }
0x7: {  	[smem:$0x7FF] =	sst s3;
	s4 =	sadd.s32 $0x66000, s5;
	s7 =	smul.u32 $0x140000, s6  }
0x8: {  	s18 =	sadd.s32 $0x52000, s5;
	s8 =	smul.u32 $0x14000, s2;
	_ =	strace $0x8000004A  }
0x9: {  	s29 =	smul.u32 $0x50000, s2;
	s9 =	ssub.s32 $0x2, s6;
	s6 =	sshll.u32 s6, $0x4  }
0xa: {  	s30 =	sshrl.u32 s9, $0x1;
	s10 =	sor.u32 s2, s6;
	s7 =	sadd.s32 s8, s7  }
0xb: {  	s31 =	sshrl.u32 s29, $0x2;
	s15 =	smul.u32 $0x5000, s10;
	s7 =	sshrl.u32 s7, $0x3  }
0xc: {  	s20 =	ssub.s32 s9, s30;
	s19 =	sadd.s32 s7, s5;
	s5 =	sadd.s32 s31, s1  }
0xd: {  	s20 =	smax.u32 s20, $0x1;
	s21 =	sshrl.u32 s15, $0x3;
	s6 =	sadd.s32 $0x2000, s5  }
0xe: {  	s7 =	sadd.s32 $0x4000, s5;
	s8 =	sadd.s32 $0x6000, s5;
	s9 =	sadd.s32 $0x8000, s5  }
0xf: {  	s10 =	sadd.s32 $0xA000, s5;
	s11 =	sadd.s32 $0xC000, s5;
	s12 =	sadd.s32 $0xE000, s5  }
0x10: {  	s13 =	sadd.s32 $0x10000, s5;
	s14 =	sadd.s32 $0x12000, s5;
	s15 =	sadd.s32 s17, s21  }
0x11: {  	s16 =	sadd.s32 s18, s21;
	s21 =	sadd.s32 $0x500, s21;
	s19 =	sadd.s32 $0x8E000, s19  }
0x12: {  	v0 =	vimm.f32 $0.0e+00;
	s17 =	sadd.s32 s17, s21;
	s18 =	sadd.s32 s18, s21;
	s21 =	simm.s32 $0x5000  }
.LBB2_1:
0x13: {  	s26 =	sand.u32 $0x7E00, s3  }
0x14: {  	s28 =	sand.u32 $0x70, s3;
	s29 =	sshrl.u32 s26, $0x2  }
0x15: {  	s26 =	simm.s32 $0x40;
	s29 =	sor.u32 s28, s29;
	s28 =	simm.s32 $0x0  }
.LBB2_2:
0x16: {  	p0 =	sne.s32 s26, $0x7FC0  }
0x17: {  	[tilespmem:s29+$0x5000] =	vst v0;
	s28 =	sadd.s32 $0x10, s28;
	s29 =	smov.u32 s26;
	s26 =	sadd.s32 $0x40, s26  }
.Ltmp0:
0x18: {  	(pc) =	sbr.rel @p0 .LBB2_2-.Ltmp0, $4  }
0x19: {  	_ = 	snop  }
0x1a: {  	s29 =	sand.u32 $0x7E00, s29  }
0x1b: {  	s30 =	sand.u32 $0x70, s28;
	s29 =	sshrl.u32 s29, $0x2  }
0x1c: {  	s29 =	sor.u32 s30, s29  }
0x1d: {  	[tilespmem:s29+$0x5000] =	vst v0  }
0x1e: {  	[spmem:s5] =	stream.linear.scatter [tilespmem:s21], [sflag:$0x1], $0x2000, $0x38;
	[tilespmem:$0x1B000] =	vst v63  }
0x1f: {  	_ =	swait.ge [sflag:s22], $0x2000  }
0x20: {  	[sflag:s22] =	ssyncset.done $0x0  }
0x21: {  	[sflag:s22] =	ssyncadd.s32 $0xFFFFE000  }
0x22: {  	[spmem:s6] =	stream.linear.scatter [tilespmem:s21], [sflag:$0x1], $0x2000, $0x38;
	[tilespmem:$0x1B000] =	vst v63  }
0x23: {  	_ =	swait.ge [sflag:s22], $0x2000  }
0x24: {  	[sflag:s22] =	ssyncset.done $0x0  }
0x25: {  	[sflag:s22] =	ssyncadd.s32 $0xFFFFE000  }
0x26: {  	[spmem:s7] =	stream.linear.scatter [tilespmem:s21], [sflag:$0x1], $0x2000, $0x38;
	[tilespmem:$0x1B000] =	vst v63  }
0x27: {  	_ =	swait.ge [sflag:s22], $0x2000  }
0x28: {  	[sflag:s22] =	ssyncset.done $0x0  }
0x29: {  	[sflag:s22] =	ssyncadd.s32 $0xFFFFE000  }
0x2a: {  	[spmem:s8] =	stream.linear.scatter [tilespmem:s21], [sflag:$0x1], $0x2000, $0x38;
	[tilespmem:$0x1B000] =	vst v63  }
0x2b: {  	_ =	swait.ge [sflag:s22], $0x2000  }
0x2c: {  	[sflag:s22] =	ssyncset.done $0x0  }
0x2d: {  	[sflag:s22] =	ssyncadd.s32 $0xFFFFE000  }
0x2e: {  	[spmem:s9] =	stream.linear.scatter [tilespmem:s21], [sflag:$0x1], $0x2000, $0x38;
	[tilespmem:$0x1B000] =	vst v63  }
0x2f: {  	_ =	swait.ge [sflag:s22], $0x2000  }
0x30: {  	[sflag:s22] =	ssyncset.done $0x0  }
0x31: {  	[sflag:s22] =	ssyncadd.s32 $0xFFFFE000  }
0x32: {  	[spmem:s10] =	stream.linear.scatter [tilespmem:s21], [sflag:$0x1], $0x2000, $0x38;
	[tilespmem:$0x1B000] =	vst v63  }
0x33: {  	_ =	swait.ge [sflag:s22], $0x2000  }
0x34: {  	[sflag:s22] =	ssyncset.done $0x0  }
0x35: {  	[sflag:s22] =	ssyncadd.s32 $0xFFFFE000  }
0x36: {  	[spmem:s11] =	stream.linear.scatter [tilespmem:s21], [sflag:$0x1], $0x2000, $0x38;
	[tilespmem:$0x1B000] =	vst v63  }
0x37: {  	_ =	swait.ge [sflag:s22], $0x2000  }
0x38: {  	[sflag:s22] =	ssyncset.done $0x0  }
0x39: {  	[sflag:s22] =	ssyncadd.s32 $0xFFFFE000  }
0x3a: {  	[spmem:s12] =	stream.linear.scatter [tilespmem:s21], [sflag:$0x1], $0x2000, $0x38;
	[tilespmem:$0x1B000] =	vst v63  }
0x3b: {  	_ =	swait.ge [sflag:s22], $0x2000  }
0x3c: {  	[sflag:s22] =	ssyncset.done $0x0  }
0x3d: {  	[sflag:s22] =	ssyncadd.s32 $0xFFFFE000  }
0x3e: {  	[spmem:s13] =	stream.linear.scatter [tilespmem:s21], [sflag:$0x1], $0x2000, $0x38;
	[tilespmem:$0x1B000] =	vst v63  }
0x3f: {  	_ =	swait.ge [sflag:s22], $0x2000  }
0x40: {  	[sflag:s22] =	ssyncset.done $0x0  }
0x41: {  	[sflag:s22] =	ssyncadd.s32 $0xFFFFE000  }
0x42: {  	[spmem:s14] =	stream.linear.scatter [tilespmem:s21], [sflag:$0x1], $0x2000, $0x38;
	[tilespmem:$0x1B000] =	vst v63  }
0x43: {  	_ =	swait.ge [sflag:s22], $0x2000  }
0x44: {  	[sflag:s22] =	ssyncset.done $0x0  }
0x45: {  	s26 =	simm.s32 $0x0;
	[sflag:s22] =	ssyncadd.s32 $0xFFFFE000  }
0x46: {  	[tilespmem:s26], [sflag:$0x1] =	stream.linear.gather [hbm4b:s15+s26], $0x2800, $0x38;
	[tilespmem:$0x1B000] =	vst v63  }
0x47: {  	_ =	swait.ge [sflag:s22], $0x2800  }
0x48: {  	[sflag:s22] =	ssyncset.done $0x0  }
0x49: {  	[sflag:s22] =	ssyncadd.s32 $0xFFFFD800  }
0x4a: {  	[tilespmem:s23], [sflag:$0x1] =	stream.linear.gather [hbm4b:s16+s26], $0x2800, $0x38;
	[tilespmem:$0x1B000] =	vst v63  }
0x4b: {  	_ =	swait.ge [sflag:s22], $0x2800  }
0x4c: {  	[sflag:s22] =	ssyncset.done $0x0  }
0x4d: {  	[sflag:s22] =	ssyncadd.s32 $0xFFFFD800  }
0x4e: {  	s30 =	simm.s32 $0x0;
	[bflag:$0x0] =	sbarrier.arrive $0xFFFF  }
0x4f: {  	[tilespmem:s21], [sflag:$0x1] =	stream.indirect.gather [hbm4b:s4+s24], $0x80, s30, s24, $0xb8;
	[tilespmem:$0x1B000] =	vst v63  }
0x50: {  	_ =	swait.ge [sflag:s22], $0x2000  }
0x51: {  	[sflag:s22] =	ssyncset.done $0x0  }
0x52: {  	s31 =	simm.s32 $0x2800;
	[sflag:s22] =	ssyncadd.s32 $0xFFFFE000  }
0x53: {  	[spmem:s1] =	stream.indirect.scatter.add.f32 [tilespmem:s21], [sflag:$0x1], $0x80, s31, s24, $0xb8;
	[tilespmem:$0x1B000] =	vst v63  }
0x54: {  	_ =	swait.ge [sflag:s22], $0x2000  }
0x55: {  	s28 =	simm.s32 $0x400;
	s26 =	simm.s32 $0x200;
	[sflag:s22] =	ssyncset.done $0x0  }
.LBB2_4:
0x56: {  	s29 =	sshra.s32 s26, $0x2  }
0x57: {  	[sflag:s22] =	ssyncadd.s32 $0xFFFFE000;
	s26 =	smov.u32 s28;
	s30 =	sadd.s32 $0x200, s28  }
0x58: {  	[tilespmem:s21], [sflag:$0x1] =	stream.indirect.gather [hbm4b:s4+s24], $0x80, s29, s24, $0xb8;
	[tilespmem:$0x1B000] =	vst v63  }
0x59: {  	p0 =	sne.s32 s28, $0x9E00;
	_ =	swait.ge [sflag:s22], $0x2000  }
.Ltmp1:
0x5a: {  	[sflag:s22] =	ssyncset.done $0x0;
	(pc) =	sbr.rel @p0 .LBB2_4-.Ltmp1, $4  }
0x5b: {  	s28 =	sadd.s32 $0x2800, s29;
	[sflag:s22] =	ssyncadd.s32 $0xFFFFE000  }
0x5c: {  	[spmem:s1] =	stream.indirect.scatter.add.f32 [tilespmem:s21], [sflag:$0x1], $0x80, s28, s24, $0xb8;
	[tilespmem:$0x1B000] =	vst v63  }
0x5d: {  	_ =	swait.ge [sflag:s22], $0x2000  }
0x5e: {  	s28 =	smov.u32 s30;
	[sflag:s22] =	ssyncset.done $0x0  }
0x5f: {  	s26 =	sshra.s32 s26, $0x2;
	[sflag:s22] =	ssyncadd.s32 $0xFFFFE000  }
0x60: {  	[tilespmem:s21], [sflag:$0x1] =	stream.indirect.gather [hbm4b:s4+s24], $0x80, s26, s24, $0xb8;
	[tilespmem:$0x1B000] =	vst v63  }
0x61: {  	_ =	swait.ge [sflag:s22], $0x2000  }
0x62: {  	[sflag:s22] =	ssyncset.done $0x0  }
0x63: {  	s26 =	sadd.s32 $0x2800, s26;
	[sflag:s22] =	ssyncadd.s32 $0xFFFFE000  }
0x64: {  	[spmem:s1] =	stream.indirect.scatter.add.f32 [tilespmem:s21], [sflag:$0x1], $0x80, s26, s24, $0xb8;
	[tilespmem:$0x1B000] =	vst v63  }
0x65: {  	_ =	swait.ge [sflag:s22], $0x2000  }
0x66: {  	[sflag:s22] =	ssyncset.done $0x0  }
0x67: {  	s29 =	simm.s32 $0x0;
	[sflag:s22] =	ssyncadd.s32 $0xFFFFE000  }
0x68: {  	[tilespmem:s29], [sflag:$0x1] =	stream.linear.gather [hbm4b:s17+s29], $0x2800, $0x38;
	[tilespmem:$0x1B000] =	vst v63  }
0x69: {  	_ =	swait.ge [sflag:s22], $0x2800  }
0x6a: {  	[sflag:s22] =	ssyncset.done $0x0  }
0x6b: {  	[sflag:s22] =	ssyncadd.s32 $0xFFFFD800  }
0x6c: {  	[tilespmem:s23], [sflag:$0x1] =	stream.linear.gather [hbm4b:s18+s29], $0x2800, $0x38;
	[tilespmem:$0x1B000] =	vst v63  }
0x6d: {  	_ =	swait.ge [sflag:s22], $0x2800  }
0x6e: {  	[sflag:s22] =	ssyncset.done $0x0  }
0x6f: {  	s30 =	simm.s32 $0x0;
	[sflag:s22] =	ssyncadd.s32 $0xFFFFD800  }
0x70: {  	[tilespmem:s21], [sflag:$0x1] =	stream.indirect.gather [hbm4b:s4+s24], $0x80, s30, s24, $0xb8;
	[tilespmem:$0x1B000] =	vst v63  }
0x71: {  	_ =	swait.ge [sflag:s22], $0x2000  }
0x72: {  	[sflag:s22] =	ssyncset.done $0x0  }
0x73: {  	s31 =	simm.s32 $0x2800;
	[sflag:s22] =	ssyncadd.s32 $0xFFFFE000  }
0x74: {  	[spmem:s1] =	stream.indirect.scatter.add.f32 [tilespmem:s21], [sflag:$0x1], $0x80, s31, s24, $0xb8;
	[tilespmem:$0x1B000] =	vst v63  }
0x75: {  	_ =	swait.ge [sflag:s22], $0x2000  }
0x76: {  	s28 =	simm.s32 $0x400;
	s26 =	simm.s32 $0x200;
	[sflag:s22] =	ssyncset.done $0x0  }
.LBB2_6:
0x77: {  	s29 =	sshra.s32 s26, $0x2  }
0x78: {  	[sflag:s22] =	ssyncadd.s32 $0xFFFFE000;
	s26 =	smov.u32 s28;
	s30 =	sadd.s32 $0x200, s28  }
0x79: {  	[tilespmem:s21], [sflag:$0x1] =	stream.indirect.gather [hbm4b:s4+s24], $0x80, s29, s24, $0xb8;
	[tilespmem:$0x1B000] =	vst v63  }
0x7a: {  	p0 =	sne.s32 s28, $0x9E00;
	_ =	swait.ge [sflag:s22], $0x2000  }
.Ltmp2:
0x7b: {  	[sflag:s22] =	ssyncset.done $0x0;
	(pc) =	sbr.rel @p0 .LBB2_6-.Ltmp2, $4  }
0x7c: {  	s28 =	sadd.s32 $0x2800, s29;
	[sflag:s22] =	ssyncadd.s32 $0xFFFFE000  }
0x7d: {  	[spmem:s1] =	stream.indirect.scatter.add.f32 [tilespmem:s21], [sflag:$0x1], $0x80, s28, s24, $0xb8;
	[tilespmem:$0x1B000] =	vst v63  }
0x7e: {  	_ =	swait.ge [sflag:s22], $0x2000  }
0x7f: {  	s28 =	smov.u32 s30;
	[sflag:s22] =	ssyncset.done $0x0  }
0x80: {  	s26 =	sshra.s32 s26, $0x2;
	[sflag:s22] =	ssyncadd.s32 $0xFFFFE000  }
0x81: {  	[tilespmem:s21], [sflag:$0x1] =	stream.indirect.gather [hbm4b:s4+s24], $0x80, s26, s24, $0xb8;
	[tilespmem:$0x1B000] =	vst v63  }
0x82: {  	_ =	swait.ge [sflag:s22], $0x2000  }
0x83: {  	[sflag:s22] =	ssyncset.done $0x0  }
0x84: {  	s26 =	sadd.s32 $0x2800, s26;
	[sflag:s22] =	ssyncadd.s32 $0xFFFFE000  }
0x85: {  	[spmem:s1] =	stream.indirect.scatter.add.f32 [tilespmem:s21], [sflag:$0x1], $0x80, s26, s24, $0xb8;
	[tilespmem:$0x1B000] =	vst v63  }
0x86: {  	_ =	swait.ge [sflag:s22], $0x2000  }
0x87: {  	s31 =	sshll.u32 s2, $0x6;
	s25 =	sadd.s32 $0x1, s25;
	[sflag:s22] =	ssyncset.done $0x0  }
0x88: {  	s28 =	sshrl.u32 s5, $0x3;
	p0 =	sne.s32 s25, s20;
	[sflag:s22] =	ssyncadd.s32 $0xFFFFE000  }
.Ltmp3:
0x89: {  	s26 =	sor.u32 $0x1C01, s31;
	[bflag:$0x0] =	sbarrier.arrive $0xFFFF;
	(pc) =	sbr.rel @p0 .LBB2_1-.Ltmp3, $4  }
0x8a: {  	[hbm:s19], [sflag:s26] =	dma.local [spmem:s28], $0x2800  }
0x8b: {  	_ =	swait.ge [sflag:s22], $0x2800  }
0x8c: {  	[sflag:s22] =	ssyncset.done $0x0  }
0x8d: {  	[sflag:s22] =	ssyncadd.s32 $0xFFFFD800  }
0x8e: {  	_ =	sfence.sel $0x180000  }
0x8f: {  	[bflag:$0x0] =	sbarrier.arrive $0xFFFF  }
0x90: {  	p0 =	sne.s32 s2, $0x0;
	_ =	strace $0x9000004A  }
0x91: {  	s0 =	sadd.s32 @!p0 $0x100000, s0;
	[bflag:$0x2] =	sbarrier.arrive $0xFFFF  }
0x92: {  	[sflag:s0] =	ssyncadd.tile.s32 @!p0 $0x1;
	_ =	shalt  }
.Lfunc_end2:
_tile_overlayer_lowered:
.L_overlay_start_2:
0x93: {  	(tag) =	ssettag $0x2  }
0x94: {  	s0 =	rddreg [dreg:$0x0];
	s2 =	stileid.u32  }
0x95: {  	s1 =	rddreg [dreg:$0x1];
	p0 =	sne.s32 s2, $0x0  }
0x96: {  	s3 =	rddreg [dreg:$0x2];
	[bflag:$0x3] =	sbarrier.arrive $0xFFFF;
	s2 =	simm.s32 @!p0 $0x1C01  }
0x97: {  	[timem:s3], [sflag:s2] =	dma.local @!p0 [hbm:s0], s1  }
0x98: {  	s0 =	simm.s32 @!p0 $0x1  }
0x99: {  	_ =	swait.ge @!p0 [sflag:s0], s1  }
0x9a: {  	s1 =	ssub.s32 @!p0 $0x0, s1;
	[sflag:s0] =	ssyncset.done @!p0 $0x0  }
0x9b: {  	[sflag:s0] =	ssyncadd.s32 @!p0 s1  }
0x9c: {  	[bflag:$0x3] =	sbarrier.arrive $0xFFFF  }
0x9d: {  	_ =	shalt  }

// kernel: kernel.16.cloned.1.call-start
scs
__scs_entry_jumppad:
0x0: {  	(pc) =	sbr.rel $0x88, $3  }
0x1: {  	(tag) =	ssettag $0x0;
	lr =	simm.s32 $0x1  }
0x2: {  	[smem:$0x3F9C] =	sst lr;
	_ =	strace $0xD0000000  }
0x3: {  	_ = 	snop  }
0x4: {  	_ = 	snop  }
0x5: {  	_ = 	snop  }
0x6: {  	_ = 	snop  }
0x7: {  	_ = 	snop  }
__scs_overlays_trampoline_lowered:
0x8: {  	[smem:$0x3FAB] =	sst s0  }
0x9: {  	[smem:$0x3FAC] =	sst s1  }
0xa: {  	[smem:$0x3FAD] =	sst s2  }
0xb: {  	[smem:$0x3FAE] =	sst s3  }
0xc: {  	[smem:$0x3FAF] =	sst s4  }
0xd: {  	[smem:$0x3FB0] =	sst s5  }
0xe: {  	[smem:$0x3FB1] =	sst s6  }
0xf: {  	[smem:$0x3FB2] =	sst s7  }
0x10: {  	[smem:$0x3FB3] =	sst s8  }
0x11: {  	[smem:$0x3FB4] =	sst s9;
	s0 =	simm.s32 @!p0 $0x0  }
0x12: {  	s1 =	sld [smem:$0x3F9A];
	s0 =	simm.s32 @p0 $0x1  }
0x13: {  	[smem:$0x3FB5] =	sst s0;
	s0 =	simm.s32 @!p1 $0x0  }
0x14: {  	s2 =	sld [smem:$0x3F99];
	s0 =	simm.s32 @p1 $0x1  }
0x15: {  	[smem:$0x3FB6] =	sst s0;
	s0 =	simm.s32 @!p2 $0x0  }
0x16: {  	s3 =	sld [smem:$0x3FDB];
	s0 =	simm.s32 @p2 $0x1  }
0x17: {  	s4 =	simm.s32 $0x1BF5;
	[smem:$0x3FB8] =	sst s0  }
0x18: {  	s0 =	sld [smem:$0x3F9B];
	_ =	swait.ge [sflag:s4], $0x0  }
0x19: {  	s7 =	sld [smem:$0x3F9C]  }
0x1a: {  	s8 =	sadd.s32 $0xFFFFE003, lr  }
0x1b: {  	s9 =	sadd.s32 $0xFFFFFEF7, lr;
	s5 =	simm.s32 $0xFFFFFFFF;
	p2 =	slt.u32 s8, $0xFFFFF086  }
0x1c: {  	p1 =	slt.u32 s9, $0xF7A;
	s5 =	simm.s32 @!p2 $0x0  }
0x1d: {  	s5 =	simm.s32 @p1 $0x1;
	p0 =	seq.s32 s7, s2  }
0x1e: {  	s7 =	smul.u32 @!p0 $0xF7A, s2;
	p2 =	seq.s32 @!p0 s5, $0x0  }
0x1f: {  	s9 =	smul.u32 $0xF7A, s1;
	s8 =	simm.s32 @!p0 $0x1BF5;
	p2 =	por !p2, p0  }
0x20: {  	[sflag:s8] =	ssyncset.s32 @!p0 $0xFFFFF086;
	s6 =	sadd.s32 @!p0 s3, s7;
	s7 =	simm.s32 @!p0 $0x108  }
0x21: {  	s3 =	sadd.s32 s3, s9;
	s6 =	sadd.s32 @!p0 $0x88, s6;
	s7 =	simm.s32 @p2 $0x1082  }
0x22: {  	[simem:s7], [sflag:s8] =	dma.local @!p0 [hbm:s6], $0xF7A  }
0x23: {  	s9 =	sor.u32 $0xD0000000, s2;
	s6 =	simm.s32 $0x108;
	_ =	swait.ge @!p0 [sflag:s8], $0x0  }
0x24: {  	s3 =	sadd.s32 $0x88, s3;
	s6 =	simm.s32 @!p1 $0x1082;
	[sflag:s4] =	ssyncset.s32 $0xFFFFF086  }
0x25: {  	[simem:s6], [sflag:s4] =	dma.local [hbm:s3], $0xF7A  }
0x26: {  	[smem:$0x3F9C] =	sst s1;
	(tag) =	ssettag s2;
	_ =	strace s9  }
0x27: {  	s1 =	sld [smem:$0x3FAC]  }
0x28: {  	s2 =	sld [smem:$0x3FAD]  }
0x29: {  	s4 =	sld [smem:$0x3FAF]  }
0x2a: {  	p0 =	seq.s32 s5, $0x0;
	s5 =	sld [smem:$0x3FB0]  }
0x2b: {  	s6 =	sld [smem:$0x3FB1]  }
0x2c: {  	s7 =	sld [smem:$0x3FB2]  }
0x2d: {  	s3 =	simm.s32 $0x108;
	s8 =	sld [smem:$0x3FB3]  }
0x2e: {  	s3 =	simm.s32 @!p0 $0x1082;
	s9 =	sld [smem:$0x3FB4]  }
0x2f: {  	lr =	sadd.s32 s0, s3;
	s0 =	sld [smem:$0x3FAB]  }
0x30: {  	s3 =	sld [smem:$0x3FAE]  }
0x31: {  	[smem:$0x3FB7] =	sst s10  }
0x32: {  	s10 =	sld [smem:$0x3FB5];
	_ =	sdelay $0x3  }
0x33: {  	p0 =	seq.s32 s10, $0x1;
	s10 =	sld [smem:$0x3FB7];
	_ =	sdelay $0x3  }
0x34: {  	[smem:$0x3FB7] =	sst s10  }
0x35: {  	s10 =	sld [smem:$0x3FB6];
	_ =	sdelay $0x3  }
0x36: {  	p1 =	seq.s32 s10, $0x1;
	s10 =	sld [smem:$0x3FB7];
	_ =	sdelay $0x3  }
0x37: {  	[smem:$0x3FB7] =	sst s10  }
0x38: {  	s10 =	sld [smem:$0x3FB8]  }
0x39: {  	_ = 	snop;
	(pc) =	sbr.ind lr, $3  }
0x3a: {  	_ = 	snop  }
0x3b: {  	_ = 	snop  }
0x3c: {  	p2 =	seq.s32 s10, $0x1;
	s10 =	sld [smem:$0x3FB7]  }
0x3d: {  	_ =	shalt  }
0x3e: {  	_ =	shalt  }
0x3f: {  	_ =	shalt  }
0x40: {  	_ =	shalt  }
0x41: {  	_ =	shalt  }
0x42: {  	_ =	shalt  }
0x43: {  	_ =	shalt  }
0x44: {  	_ =	shalt  }
0x45: {  	_ =	shalt  }
0x46: {  	_ =	shalt  }
0x47: {  	_ =	shalt  }
0x48: {  	_ =	shalt  }
0x49: {  	_ =	shalt  }
0x4a: {  	_ =	shalt  }
0x4b: {  	_ =	shalt  }
0x4c: {  	_ =	shalt  }
0x4d: {  	_ =	shalt  }
0x4e: {  	_ =	shalt  }
0x4f: {  	_ =	shalt  }
0x50: {  	_ =	shalt  }
0x51: {  	_ =	shalt  }
0x52: {  	_ =	shalt  }
0x53: {  	_ =	shalt  }
0x54: {  	_ =	shalt  }
0x55: {  	_ =	shalt  }
0x56: {  	_ =	shalt  }
0x57: {  	_ =	shalt  }
0x58: {  	_ =	shalt  }
0x59: {  	_ =	shalt  }
0x5a: {  	_ =	shalt  }
0x5b: {  	_ =	shalt  }
0x5c: {  	_ =	shalt  }
0x5d: {  	_ =	shalt  }
0x5e: {  	_ =	shalt  }
0x5f: {  	_ =	shalt  }
0x60: {  	_ =	shalt  }
0x61: {  	_ =	shalt  }
0x62: {  	_ =	shalt  }
0x63: {  	_ =	shalt  }
0x64: {  	_ =	shalt  }
0x65: {  	_ =	shalt  }
0x66: {  	_ =	shalt  }
0x67: {  	_ =	shalt  }
0x68: {  	_ =	shalt  }
0x69: {  	_ =	shalt  }
0x6a: {  	_ =	shalt  }
0x6b: {  	_ =	shalt  }
0x6c: {  	_ =	shalt  }
0x6d: {  	_ =	shalt  }
0x6e: {  	_ =	shalt  }
0x6f: {  	_ =	shalt  }
0x70: {  	_ =	shalt  }
0x71: {  	_ =	shalt  }
0x72: {  	_ =	shalt  }
0x73: {  	_ =	shalt  }
0x74: {  	_ =	shalt  }
0x75: {  	_ =	shalt  }
0x76: {  	_ =	shalt  }
0x77: {  	_ =	shalt  }
0x78: {  	_ =	shalt  }
0x79: {  	_ =	shalt  }
0x7a: {  	_ =	shalt  }
0x7b: {  	_ =	shalt  }
0x7c: {  	_ =	shalt  }
0x7d: {  	_ =	shalt  }
0x7e: {  	_ =	shalt  }
0x7f: {  	_ =	shalt  }
0x80: {  	_ =	shalt  }
0x81: {  	_ =	shalt  }
0x82: {  	_ =	shalt  }
0x83: {  	_ =	shalt  }
0x84: {  	_ =	shalt  }
0x85: {  	_ =	shalt  }
0x86: {  	_ =	shalt  }
0x87: {  	_ =	shalt  }
.Lfunc_end0:
.L_simem_size_0:
called_computation.2_lowered:
.L_overlay_start_0:
0x88: {  	s2 =	sld [smem:$0x3FD9]  }
0x89: {  	s3 =	sld [smem:$0x3FFE];
	_ =	sdelay $0x1  }
0x8a: {  	s1 =	srdreg.scid  }
0x8b: {  	s0 =	sand.u32 $0x1, s1  }
0x8c: {  	s17 =	sshll.u32 s0, $0xA;
	s2 =	sadd.s32 s3, s2  }
0x8d: {  	s2 =	sadd.s32 s2, s17  }
0x8e: {  	[smem:$0x3FC3] =	sst s2  }
0x8f: {  	_ = 	snop  }
0x90: {  	s2 =	sld [smem:$0x3FD0];
	(tm) =	ssettm $0x1  }
0x91: {  	s18 =	sld [smem:$0x3FFB];
	_ =	sdelay $0x3  }
0x92: {  	_ =	strace s18  }
0x93: {  	s3 =	sld [smem:$0x3FFC];
	_ =	sdelay $0x3  }
0x94: {  	_ =	strace s3  }
0x95: {  	s3 =	sld [smem:$0x3FFD];
	_ =	sdelay $0x3  }
0x96: {  	_ =	strace s3  }
0x97: {  	_ =	strace $0x8FFFFFFF  }
0x98: {  	s19 =	sld [smem:$0x3FDB];
	_ =	sdelay $0x1  }
0x99: {  	s4 =	simm.s32 $_scs_section_size  }
0x9a: {  	s5 =	simm.s32 $_size__tile_overlayer_lowered;
	s6 =	simm.s32 $_tile_overlayer_lowered  }
0x9b: {  	s22 =	simm.s32 $0x1BFF;
	s21 =	sshll.u32 s6, $0x1;
	s3 =	sadd.s32 s4, s19  }
0x9c: {  	s7 =	simm.s32 $0x0;
	s20 =	sshll.u32 s5, $0x1;
	s5 =	sadd.s32 s21, s3  }
0x9d: {  	[timem:s7], [sflag:s22] =	dma.local [hbm:s5], s20  }
0x9e: {  	_ =	swait.ge [sflag:s22], s20  }
0x9f: {  	s4 =	ssub.s32 $0x0, s20;
	[sflag:s22] =	ssyncset.done $0x0  }
0xa0: {  	[sflag:s22] =	ssyncadd.s32 s4;
	_ =	sdelay $0x1  }
0xa1: {  	s23 =	simm.s32 $0x1B8B  }
0xa2: {  	_ =	swait.ge [sflag:s23], $0x1  }
0xa3: {  	[sflag:s23] =	ssyncset.done $0x0  }
0xa4: {  	s25 =	simm.s32 $0x1B8E;
	s24 =	sld [smem:$0x3FFE];
	[sflag:s23] =	ssyncadd.s32 $0xFFFFFFFF  }
0xa5: {  	s26 =	simm.s32 $execute0_lowered;
	[smem:$0x3FD2] =	sst s25  }
0xa6: {  	s5 =	sshll.u32 s26, $0x1;
	_ =	strace $0x8000004C;
	[dreg:$0x1] =	wrdreg $0xFFFFFFFF  }
0xa7: {  	s28 =	simm.s32 $_size_execute0_lowered;
	s3 =	sadd.s32 s3, s5;
	[dreg:$0x0] =	wrdreg $0x0  }
0xa8: {  	s5 =	sshll.u32 s28, $0x1;
	[dreg:$0x2] =	wrdreg s3  }
0xa9: {  	[dreg:$0x3] =	wrdreg s5  }
0xaa: {  	[dreg:$0x4] =	wrdreg $0xC0  }
0xab: {  	_ =	task [dreg:s7], $0x5FFFF  }
0xac: {  	[dreg:$0x1] =	wrdreg $0xFFFFFFFF  }
0xad: {  	[dreg:$0x0] =	wrdreg $0x60  }
0xae: {  	[dreg:$0x2] =	wrdreg s24  }
0xaf: {  	[dreg:$0x3] =	wrdreg s2  }
0xb0: {  	[dreg:$0x4] =	wrdreg $0x70000  }
0xb1: {  	[dreg:$0x5] =	wrdreg $0x9  }
0xb2: {  	_ =	task.clear_ibuf [dreg:s7], $0x6FFFF;
	_ =	strace $0x9000004C  }
0xb3: {  	s29 =	simm.s32 $0x9;
	_ =	strace $0x8000004E  }
0xb4: {  	_ =	swait.ge [sflag:s29], $0x1  }
0xb5: {  	[sflag:s29] =	ssyncadd.s32 $0xFFFFFFFF  }
0xb6: {  	_ =	strace $0x9000004E  }
0xb7: {  	_ =	sfence  }
0xb8: {  	s30 =	sld [smem:$0x0];
	_ =	sdelay $0x2  }
0xb9: {  	s31 =	sshll.u32 s1, $0xD;
	s1 =	sshrl.u32 s1, $0x2  }
0xba: {  	s3 =	sand.u32 $0x4000, s31;
	s1 =	sadd.s32 s1, s30  }
0xbb: {  	s0 =	sor.u32 s3, s0;
	s1 =	sshll.u32 s1, $0x11  }
0xbc: {  	s0 =	sor.u32 s1, s0  }
0xbd: {  	s0 =	sadd.s32 $0x8F2B, s0  }
0xbe: {  	[sflag:s0] =	ssyncadd.remote.s32 $0x1  }
0xbf: {  	_ =	sfence.sel $0xFFFF  }
0xc0: {  	[dreg:$0x0] =	wrdreg $0xFFFFFFFF;
	(pc) =	sbr.abs _section_cstart, $3  }
0xc1: {  	[dreg:$0x1] =	wrdreg $0xFFFFFFFF  }
0xc2: {  	_ =	task.clear_ibuf [dreg:s7], $0x2FFFF;
	_ =	strace $0x9FFFFFFF  }
0xc3: {  	(tm) =	ssettm $0x7FFFFFFF  }
tec
execute0_lowered:
.L_overlay_start_1:
0x0: {  	(tag) =	ssettag $0x1  }
0x1: {  	s5 =	rddreg [dreg:$0x0]  }
0x2: {  	s17 =	rddreg [dreg:$0x1]  }
0x3: {  	s1 =	rddreg [dreg:$0x2]  }
0x4: {  	s2 =	srdreg.scid;
	s0 =	rddreg [dreg:$0x3];
	s3 =	simm.s32 $0x0  }
0x5: {  	s22 =	simm.s32 $0x1;
	s23 =	simm.s32 $0x2800;
	s24 =	simm.s32 $0x40  }
0x6: {  	s25 =	simm.s32 $0x0;
	s6 =	sand.u32 $0x1, s2;
	s2 =	stileid.u32  }
0x7: {  	[smem:$0x7FF] =	sst s3;
	s4 =	sadd.s32 $0x66000, s5;
	s7 =	smul.u32 $0x140000, s6  }
0x8: {  	s18 =	sadd.s32 $0x52000, s5;
	s8 =	smul.u32 $0x14000, s2;
	_ =	strace $0x8000004D  }
0x9: {  	s29 =	smul.u32 $0x50000, s2;
	s9 =	ssub.s32 $0x2, s6;
	s6 =	sshll.u32 s6, $0x4  }
0xa: {  	s30 =	sshrl.u32 s9, $0x1;
	s10 =	sor.u32 s2, s6;
	s7 =	sadd.s32 s8, s7  }
0xb: {  	s31 =	sshrl.u32 s29, $0x2;
	s15 =	smul.u32 $0x5000, s10;
	s7 =	sshrl.u32 s7, $0x3  }
0xc: {  	s20 =	ssub.s32 s9, s30;
	s19 =	sadd.s32 s7, s5;
	s5 =	sadd.s32 s31, s1  }
0xd: {  	s20 =	smax.u32 s20, $0x1;
	s21 =	sshrl.u32 s15, $0x3;
	s6 =	sadd.s32 $0x2000, s5  }
0xe: {  	s7 =	sadd.s32 $0x4000, s5;
	s8 =	sadd.s32 $0x6000, s5;
	s9 =	sadd.s32 $0x8000, s5  }
0xf: {  	s10 =	sadd.s32 $0xA000, s5;
	s11 =	sadd.s32 $0xC000, s5;
	s12 =	sadd.s32 $0xE000, s5  }
0x10: {  	s13 =	sadd.s32 $0x10000, s5;
	s14 =	sadd.s32 $0x12000, s5;
	s15 =	sadd.s32 s17, s21  }
0x11: {  	s16 =	sadd.s32 s18, s21;
	s21 =	sadd.s32 $0x500, s21;
	s19 =	sadd.s32 $0x8E000, s19  }
0x12: {  	v0 =	vimm.f32 $0.0e+00;
	s17 =	sadd.s32 s17, s21;
	s18 =	sadd.s32 s18, s21;
	s21 =	simm.s32 $0x5000  }
.LBB2_1:
0x13: {  	s26 =	sand.u32 $0x7E00, s3  }
0x14: {  	s28 =	sand.u32 $0x70, s3;
	s29 =	sshrl.u32 s26, $0x2  }
0x15: {  	s26 =	simm.s32 $0x40;
	s29 =	sor.u32 s28, s29;
	s28 =	simm.s32 $0x0  }
.LBB2_2:
0x16: {  	p0 =	sne.s32 s26, $0x7FC0  }
0x17: {  	[tilespmem:s29+$0x5000] =	vst v0;
	s28 =	sadd.s32 $0x10, s28;
	s29 =	smov.u32 s26;
	s26 =	sadd.s32 $0x40, s26  }
.Ltmp0:
0x18: {  	(pc) =	sbr.rel @p0 .LBB2_2-.Ltmp0, $4  }
0x19: {  	_ = 	snop  }
0x1a: {  	s29 =	sand.u32 $0x7E00, s29  }
0x1b: {  	s30 =	sand.u32 $0x70, s28;
	s29 =	sshrl.u32 s29, $0x2  }
0x1c: {  	s29 =	sor.u32 s30, s29  }
0x1d: {  	[tilespmem:s29+$0x5000] =	vst v0  }
0x1e: {  	[spmem:s5] =	stream.linear.scatter [tilespmem:s21], [sflag:$0x1], $0x2000, $0x38;
	[tilespmem:$0x1B000] =	vst v63  }
0x1f: {  	_ =	swait.ge [sflag:s22], $0x2000  }
0x20: {  	[sflag:s22] =	ssyncset.done $0x0  }
0x21: {  	[sflag:s22] =	ssyncadd.s32 $0xFFFFE000  }
0x22: {  	[spmem:s6] =	stream.linear.scatter [tilespmem:s21], [sflag:$0x1], $0x2000, $0x38;
	[tilespmem:$0x1B000] =	vst v63  }
0x23: {  	_ =	swait.ge [sflag:s22], $0x2000  }
0x24: {  	[sflag:s22] =	ssyncset.done $0x0  }
0x25: {  	[sflag:s22] =	ssyncadd.s32 $0xFFFFE000  }
0x26: {  	[spmem:s7] =	stream.linear.scatter [tilespmem:s21], [sflag:$0x1], $0x2000, $0x38;
	[tilespmem:$0x1B000] =	vst v63  }
0x27: {  	_ =	swait.ge [sflag:s22], $0x2000  }
0x28: {  	[sflag:s22] =	ssyncset.done $0x0  }
0x29: {  	[sflag:s22] =	ssyncadd.s32 $0xFFFFE000  }
0x2a: {  	[spmem:s8] =	stream.linear.scatter [tilespmem:s21], [sflag:$0x1], $0x2000, $0x38;
	[tilespmem:$0x1B000] =	vst v63  }
0x2b: {  	_ =	swait.ge [sflag:s22], $0x2000  }
0x2c: {  	[sflag:s22] =	ssyncset.done $0x0  }
0x2d: {  	[sflag:s22] =	ssyncadd.s32 $0xFFFFE000  }
0x2e: {  	[spmem:s9] =	stream.linear.scatter [tilespmem:s21], [sflag:$0x1], $0x2000, $0x38;
	[tilespmem:$0x1B000] =	vst v63  }
0x2f: {  	_ =	swait.ge [sflag:s22], $0x2000  }
0x30: {  	[sflag:s22] =	ssyncset.done $0x0  }
0x31: {  	[sflag:s22] =	ssyncadd.s32 $0xFFFFE000  }
0x32: {  	[spmem:s10] =	stream.linear.scatter [tilespmem:s21], [sflag:$0x1], $0x2000, $0x38;
	[tilespmem:$0x1B000] =	vst v63  }
0x33: {  	_ =	swait.ge [sflag:s22], $0x2000  }
0x34: {  	[sflag:s22] =	ssyncset.done $0x0  }
0x35: {  	[sflag:s22] =	ssyncadd.s32 $0xFFFFE000  }
0x36: {  	[spmem:s11] =	stream.linear.scatter [tilespmem:s21], [sflag:$0x1], $0x2000, $0x38;
	[tilespmem:$0x1B000] =	vst v63  }
0x37: {  	_ =	swait.ge [sflag:s22], $0x2000  }
0x38: {  	[sflag:s22] =	ssyncset.done $0x0  }
0x39: {  	[sflag:s22] =	ssyncadd.s32 $0xFFFFE000  }
0x3a: {  	[spmem:s12] =	stream.linear.scatter [tilespmem:s21], [sflag:$0x1], $0x2000, $0x38;
	[tilespmem:$0x1B000] =	vst v63  }
0x3b: {  	_ =	swait.ge [sflag:s22], $0x2000  }
0x3c: {  	[sflag:s22] =	ssyncset.done $0x0  }
0x3d: {  	[sflag:s22] =	ssyncadd.s32 $0xFFFFE000  }
0x3e: {  	[spmem:s13] =	stream.linear.scatter [tilespmem:s21], [sflag:$0x1], $0x2000, $0x38;
	[tilespmem:$0x1B000] =	vst v63  }
0x3f: {  	_ =	swait.ge [sflag:s22], $0x2000  }
0x40: {  	[sflag:s22] =	ssyncset.done $0x0  }
0x41: {  	[sflag:s22] =	ssyncadd.s32 $0xFFFFE000  }
0x42: {  	[spmem:s14] =	stream.linear.scatter [tilespmem:s21], [sflag:$0x1], $0x2000, $0x38;
	[tilespmem:$0x1B000] =	vst v63  }
0x43: {  	_ =	swait.ge [sflag:s22], $0x2000  }
0x44: {  	[sflag:s22] =	ssyncset.done $0x0  }
0x45: {  	s26 =	simm.s32 $0x0;
	[sflag:s22] =	ssyncadd.s32 $0xFFFFE000  }
0x46: {  	[tilespmem:s26], [sflag:$0x1] =	stream.linear.gather [hbm4b:s15+s26], $0x2800, $0x38;
	[tilespmem:$0x1B000] =	vst v63  }
0x47: {  	_ =	swait.ge [sflag:s22], $0x2800  }
0x48: {  	[sflag:s22] =	ssyncset.done $0x0  }
0x49: {  	[sflag:s22] =	ssyncadd.s32 $0xFFFFD800  }
0x4a: {  	[tilespmem:s23], [sflag:$0x1] =	stream.linear.gather [hbm4b:s16+s26], $0x2800, $0x38;
	[tilespmem:$0x1B000] =	vst v63  }
0x4b: {  	_ =	swait.ge [sflag:s22], $0x2800  }
0x4c: {  	[sflag:s22] =	ssyncset.done $0x0  }
0x4d: {  	[sflag:s22] =	ssyncadd.s32 $0xFFFFD800  }
0x4e: {  	s30 =	simm.s32 $0x0;
	[bflag:$0x0] =	sbarrier.arrive $0xFFFF  }
0x4f: {  	[tilespmem:s21], [sflag:$0x1] =	stream.indirect.gather [hbm4b:s4+s24], $0x80, s30, s24, $0xb8;
	[tilespmem:$0x1B000] =	vst v63  }
0x50: {  	_ =	swait.ge [sflag:s22], $0x2000  }
0x51: {  	[sflag:s22] =	ssyncset.done $0x0  }
0x52: {  	s31 =	simm.s32 $0x2800;
	[sflag:s22] =	ssyncadd.s32 $0xFFFFE000  }
0x53: {  	[spmem:s1] =	stream.indirect.scatter.add.f32 [tilespmem:s21], [sflag:$0x1], $0x80, s31, s24, $0xb8;
	[tilespmem:$0x1B000] =	vst v63  }
0x54: {  	_ =	swait.ge [sflag:s22], $0x2000  }
0x55: {  	s28 =	simm.s32 $0x400;
	s26 =	simm.s32 $0x200;
	[sflag:s22] =	ssyncset.done $0x0  }
.LBB2_4:
0x56: {  	s29 =	sshra.s32 s26, $0x2  }
0x57: {  	[sflag:s22] =	ssyncadd.s32 $0xFFFFE000;
	s26 =	smov.u32 s28;
	s30 =	sadd.s32 $0x200, s28  }
0x58: {  	[tilespmem:s21], [sflag:$0x1] =	stream.indirect.gather [hbm4b:s4+s24], $0x80, s29, s24, $0xb8;
	[tilespmem:$0x1B000] =	vst v63  }
0x59: {  	p0 =	sne.s32 s28, $0x9E00;
	_ =	swait.ge [sflag:s22], $0x2000  }
.Ltmp1:
0x5a: {  	[sflag:s22] =	ssyncset.done $0x0;
	(pc) =	sbr.rel @p0 .LBB2_4-.Ltmp1, $4  }
0x5b: {  	s28 =	sadd.s32 $0x2800, s29;
	[sflag:s22] =	ssyncadd.s32 $0xFFFFE000  }
0x5c: {  	[spmem:s1] =	stream.indirect.scatter.add.f32 [tilespmem:s21], [sflag:$0x1], $0x80, s28, s24, $0xb8;
	[tilespmem:$0x1B000] =	vst v63  }
0x5d: {  	_ =	swait.ge [sflag:s22], $0x2000  }
0x5e: {  	s28 =	smov.u32 s30;
	[sflag:s22] =	ssyncset.done $0x0  }
0x5f: {  	s26 =	sshra.s32 s26, $0x2;
	[sflag:s22] =	ssyncadd.s32 $0xFFFFE000  }
0x60: {  	[tilespmem:s21], [sflag:$0x1] =	stream.indirect.gather [hbm4b:s4+s24], $0x80, s26, s24, $0xb8;
	[tilespmem:$0x1B000] =	vst v63  }
0x61: {  	_ =	swait.ge [sflag:s22], $0x2000  }
0x62: {  	[sflag:s22] =	ssyncset.done $0x0  }
0x63: {  	s26 =	sadd.s32 $0x2800, s26;
	[sflag:s22] =	ssyncadd.s32 $0xFFFFE000  }
0x64: {  	[spmem:s1] =	stream.indirect.scatter.add.f32 [tilespmem:s21], [sflag:$0x1], $0x80, s26, s24, $0xb8;
	[tilespmem:$0x1B000] =	vst v63  }
0x65: {  	_ =	swait.ge [sflag:s22], $0x2000  }
0x66: {  	[sflag:s22] =	ssyncset.done $0x0  }
0x67: {  	s29 =	simm.s32 $0x0;
	[sflag:s22] =	ssyncadd.s32 $0xFFFFE000  }
0x68: {  	[tilespmem:s29], [sflag:$0x1] =	stream.linear.gather [hbm4b:s17+s29], $0x2800, $0x38;
	[tilespmem:$0x1B000] =	vst v63  }
0x69: {  	_ =	swait.ge [sflag:s22], $0x2800  }
0x6a: {  	[sflag:s22] =	ssyncset.done $0x0  }
0x6b: {  	[sflag:s22] =	ssyncadd.s32 $0xFFFFD800  }
0x6c: {  	[tilespmem:s23], [sflag:$0x1] =	stream.linear.gather [hbm4b:s18+s29], $0x2800, $0x38;
	[tilespmem:$0x1B000] =	vst v63  }
0x6d: {  	_ =	swait.ge [sflag:s22], $0x2800  }
0x6e: {  	[sflag:s22] =	ssyncset.done $0x0  }
0x6f: {  	s30 =	simm.s32 $0x0;
	[sflag:s22] =	ssyncadd.s32 $0xFFFFD800  }
0x70: {  	[tilespmem:s21], [sflag:$0x1] =	stream.indirect.gather [hbm4b:s4+s24], $0x80, s30, s24, $0xb8;
	[tilespmem:$0x1B000] =	vst v63  }
0x71: {  	_ =	swait.ge [sflag:s22], $0x2000  }
0x72: {  	[sflag:s22] =	ssyncset.done $0x0  }
0x73: {  	s31 =	simm.s32 $0x2800;
	[sflag:s22] =	ssyncadd.s32 $0xFFFFE000  }
0x74: {  	[spmem:s1] =	stream.indirect.scatter.add.f32 [tilespmem:s21], [sflag:$0x1], $0x80, s31, s24, $0xb8;
	[tilespmem:$0x1B000] =	vst v63  }
0x75: {  	_ =	swait.ge [sflag:s22], $0x2000  }
0x76: {  	s28 =	simm.s32 $0x400;
	s26 =	simm.s32 $0x200;
	[sflag:s22] =	ssyncset.done $0x0  }
.LBB2_6:
0x77: {  	s29 =	sshra.s32 s26, $0x2  }
0x78: {  	[sflag:s22] =	ssyncadd.s32 $0xFFFFE000;
	s26 =	smov.u32 s28;
	s30 =	sadd.s32 $0x200, s28  }
0x79: {  	[tilespmem:s21], [sflag:$0x1] =	stream.indirect.gather [hbm4b:s4+s24], $0x80, s29, s24, $0xb8;
	[tilespmem:$0x1B000] =	vst v63  }
0x7a: {  	p0 =	sne.s32 s28, $0x9E00;
	_ =	swait.ge [sflag:s22], $0x2000  }
.Ltmp2:
0x7b: {  	[sflag:s22] =	ssyncset.done $0x0;
	(pc) =	sbr.rel @p0 .LBB2_6-.Ltmp2, $4  }
0x7c: {  	s28 =	sadd.s32 $0x2800, s29;
	[sflag:s22] =	ssyncadd.s32 $0xFFFFE000  }
0x7d: {  	[spmem:s1] =	stream.indirect.scatter.add.f32 [tilespmem:s21], [sflag:$0x1], $0x80, s28, s24, $0xb8;
	[tilespmem:$0x1B000] =	vst v63  }
0x7e: {  	_ =	swait.ge [sflag:s22], $0x2000  }
0x7f: {  	s28 =	smov.u32 s30;
	[sflag:s22] =	ssyncset.done $0x0  }
0x80: {  	s26 =	sshra.s32 s26, $0x2;
	[sflag:s22] =	ssyncadd.s32 $0xFFFFE000  }
0x81: {  	[tilespmem:s21], [sflag:$0x1] =	stream.indirect.gather [hbm4b:s4+s24], $0x80, s26, s24, $0xb8;
	[tilespmem:$0x1B000] =	vst v63  }
0x82: {  	_ =	swait.ge [sflag:s22], $0x2000  }
0x83: {  	[sflag:s22] =	ssyncset.done $0x0  }
0x84: {  	s26 =	sadd.s32 $0x2800, s26;
	[sflag:s22] =	ssyncadd.s32 $0xFFFFE000  }
0x85: {  	[spmem:s1] =	stream.indirect.scatter.add.f32 [tilespmem:s21], [sflag:$0x1], $0x80, s26, s24, $0xb8;
	[tilespmem:$0x1B000] =	vst v63  }
0x86: {  	_ =	swait.ge [sflag:s22], $0x2000  }
0x87: {  	s31 =	sshll.u32 s2, $0x6;
	s25 =	sadd.s32 $0x1, s25;
	[sflag:s22] =	ssyncset.done $0x0  }
0x88: {  	s28 =	sshrl.u32 s5, $0x3;
	p0 =	sne.s32 s25, s20;
	[sflag:s22] =	ssyncadd.s32 $0xFFFFE000  }
.Ltmp3:
0x89: {  	s26 =	sor.u32 $0x1C01, s31;
	[bflag:$0x0] =	sbarrier.arrive $0xFFFF;
	(pc) =	sbr.rel @p0 .LBB2_1-.Ltmp3, $4  }
0x8a: {  	[hbm:s19], [sflag:s26] =	dma.local [spmem:s28], $0x2800  }
0x8b: {  	_ =	swait.ge [sflag:s22], $0x2800  }
0x8c: {  	[sflag:s22] =	ssyncset.done $0x0  }
0x8d: {  	[sflag:s22] =	ssyncadd.s32 $0xFFFFD800  }
0x8e: {  	_ =	sfence.sel $0x180000  }
0x8f: {  	[bflag:$0x0] =	sbarrier.arrive $0xFFFF  }
0x90: {  	p0 =	sne.s32 s2, $0x0;
	_ =	strace $0x9000004D  }
0x91: {  	s0 =	sadd.s32 @!p0 $0x100000, s0;
	[bflag:$0x2] =	sbarrier.arrive $0xFFFF  }
0x92: {  	[sflag:s0] =	ssyncadd.tile.s32 @!p0 $0x1;
	_ =	shalt  }
.Lfunc_end2:
_tile_overlayer_lowered:
.L_overlay_start_2:
0x93: {  	(tag) =	ssettag $0x2  }
0x94: {  	s0 =	rddreg [dreg:$0x0];
	s2 =	stileid.u32  }
0x95: {  	s1 =	rddreg [dreg:$0x1];
	p0 =	sne.s32 s2, $0x0  }
0x96: {  	s3 =	rddreg [dreg:$0x2];
	[bflag:$0x3] =	sbarrier.arrive $0xFFFF;
	s2 =	simm.s32 @!p0 $0x1C01  }
0x97: {  	[timem:s3], [sflag:s2] =	dma.local @!p0 [hbm:s0], s1  }
0x98: {  	s0 =	simm.s32 @!p0 $0x1  }
0x99: {  	_ =	swait.ge @!p0 [sflag:s0], s1  }
0x9a: {  	s1 =	ssub.s32 @!p0 $0x0, s1;
	[sflag:s0] =	ssyncset.done @!p0 $0x0  }
0x9b: {  	[sflag:s0] =	ssyncadd.s32 @!p0 s1  }
0x9c: {  	[bflag:$0x3] =	sbarrier.arrive $0xFFFF  }
0x9d: {  	_ =	shalt  }

// kernel: kernel.19.cloned.1.call-start
scs
__scs_entry_jumppad:
0x0: {  	(pc) =	sbr.rel $0x88, $3  }
0x1: {  	(tag) =	ssettag $0x0;
	lr =	simm.s32 $0x1  }
0x2: {  	[smem:$0x3F9C] =	sst lr;
	_ =	strace $0xD0000000  }
0x3: {  	_ = 	snop  }
0x4: {  	_ = 	snop  }
0x5: {  	_ = 	snop  }
0x6: {  	_ = 	snop  }
0x7: {  	_ = 	snop  }
__scs_overlays_trampoline_lowered:
0x8: {  	[smem:$0x3FAB] =	sst s0  }
0x9: {  	[smem:$0x3FAC] =	sst s1  }
0xa: {  	[smem:$0x3FAD] =	sst s2  }
0xb: {  	[smem:$0x3FAE] =	sst s3  }
0xc: {  	[smem:$0x3FAF] =	sst s4  }
0xd: {  	[smem:$0x3FB0] =	sst s5  }
0xe: {  	[smem:$0x3FB1] =	sst s6  }
0xf: {  	[smem:$0x3FB2] =	sst s7  }
0x10: {  	[smem:$0x3FB3] =	sst s8  }
0x11: {  	[smem:$0x3FB4] =	sst s9;
	s0 =	simm.s32 @!p0 $0x0  }
0x12: {  	s1 =	sld [smem:$0x3F9A];
	s0 =	simm.s32 @p0 $0x1  }
0x13: {  	[smem:$0x3FB5] =	sst s0;
	s0 =	simm.s32 @!p1 $0x0  }
0x14: {  	s2 =	sld [smem:$0x3F99];
	s0 =	simm.s32 @p1 $0x1  }
0x15: {  	[smem:$0x3FB6] =	sst s0;
	s0 =	simm.s32 @!p2 $0x0  }
0x16: {  	s3 =	sld [smem:$0x3FDB];
	s0 =	simm.s32 @p2 $0x1  }
0x17: {  	s4 =	simm.s32 $0x1BF5;
	[smem:$0x3FB8] =	sst s0  }
0x18: {  	s0 =	sld [smem:$0x3F9B];
	_ =	swait.ge [sflag:s4], $0x0  }
0x19: {  	s7 =	sld [smem:$0x3F9C]  }
0x1a: {  	s8 =	sadd.s32 $0xFFFFE003, lr  }
0x1b: {  	s9 =	sadd.s32 $0xFFFFFEF7, lr;
	s5 =	simm.s32 $0xFFFFFFFF;
	p2 =	slt.u32 s8, $0xFFFFF086  }
0x1c: {  	p1 =	slt.u32 s9, $0xF7A;
	s5 =	simm.s32 @!p2 $0x0  }
0x1d: {  	s5 =	simm.s32 @p1 $0x1;
	p0 =	seq.s32 s7, s2  }
0x1e: {  	s7 =	smul.u32 @!p0 $0xF7A, s2;
	p2 =	seq.s32 @!p0 s5, $0x0  }
0x1f: {  	s9 =	smul.u32 $0xF7A, s1;
	s8 =	simm.s32 @!p0 $0x1BF5;
	p2 =	por !p2, p0  }
0x20: {  	[sflag:s8] =	ssyncset.s32 @!p0 $0xFFFFF086;
	s6 =	sadd.s32 @!p0 s3, s7;
	s7 =	simm.s32 @!p0 $0x108  }
0x21: {  	s3 =	sadd.s32 s3, s9;
	s6 =	sadd.s32 @!p0 $0x88, s6;
	s7 =	simm.s32 @p2 $0x1082  }
0x22: {  	[simem:s7], [sflag:s8] =	dma.local @!p0 [hbm:s6], $0xF7A  }
0x23: {  	s9 =	sor.u32 $0xD0000000, s2;
	s6 =	simm.s32 $0x108;
	_ =	swait.ge @!p0 [sflag:s8], $0x0  }
0x24: {  	s3 =	sadd.s32 $0x88, s3;
	s6 =	simm.s32 @!p1 $0x1082;
	[sflag:s4] =	ssyncset.s32 $0xFFFFF086  }
0x25: {  	[simem:s6], [sflag:s4] =	dma.local [hbm:s3], $0xF7A  }
0x26: {  	[smem:$0x3F9C] =	sst s1;
	(tag) =	ssettag s2;
	_ =	strace s9  }
0x27: {  	s1 =	sld [smem:$0x3FAC]  }
0x28: {  	s2 =	sld [smem:$0x3FAD]  }
0x29: {  	s4 =	sld [smem:$0x3FAF]  }
0x2a: {  	p0 =	seq.s32 s5, $0x0;
	s5 =	sld [smem:$0x3FB0]  }
0x2b: {  	s6 =	sld [smem:$0x3FB1]  }
0x2c: {  	s7 =	sld [smem:$0x3FB2]  }
0x2d: {  	s3 =	simm.s32 $0x108;
	s8 =	sld [smem:$0x3FB3]  }
0x2e: {  	s3 =	simm.s32 @!p0 $0x1082;
	s9 =	sld [smem:$0x3FB4]  }
0x2f: {  	lr =	sadd.s32 s0, s3;
	s0 =	sld [smem:$0x3FAB]  }
0x30: {  	s3 =	sld [smem:$0x3FAE]  }
0x31: {  	[smem:$0x3FB7] =	sst s10  }
0x32: {  	s10 =	sld [smem:$0x3FB5];
	_ =	sdelay $0x3  }
0x33: {  	p0 =	seq.s32 s10, $0x1;
	s10 =	sld [smem:$0x3FB7];
	_ =	sdelay $0x3  }
0x34: {  	[smem:$0x3FB7] =	sst s10  }
0x35: {  	s10 =	sld [smem:$0x3FB6];
	_ =	sdelay $0x3  }
0x36: {  	p1 =	seq.s32 s10, $0x1;
	s10 =	sld [smem:$0x3FB7];
	_ =	sdelay $0x3  }
0x37: {  	[smem:$0x3FB7] =	sst s10  }
0x38: {  	s10 =	sld [smem:$0x3FB8]  }
0x39: {  	_ = 	snop;
	(pc) =	sbr.ind lr, $3  }
0x3a: {  	_ = 	snop  }
0x3b: {  	_ = 	snop  }
0x3c: {  	p2 =	seq.s32 s10, $0x1;
	s10 =	sld [smem:$0x3FB7]  }
0x3d: {  	_ =	shalt  }
0x3e: {  	_ =	shalt  }
0x3f: {  	_ =	shalt  }
0x40: {  	_ =	shalt  }
0x41: {  	_ =	shalt  }
0x42: {  	_ =	shalt  }
0x43: {  	_ =	shalt  }
0x44: {  	_ =	shalt  }
0x45: {  	_ =	shalt  }
0x46: {  	_ =	shalt  }
0x47: {  	_ =	shalt  }
0x48: {  	_ =	shalt  }
0x49: {  	_ =	shalt  }
0x4a: {  	_ =	shalt  }
0x4b: {  	_ =	shalt  }
0x4c: {  	_ =	shalt  }
0x4d: {  	_ =	shalt  }
0x4e: {  	_ =	shalt  }
0x4f: {  	_ =	shalt  }
0x50: {  	_ =	shalt  }
0x51: {  	_ =	shalt  }
0x52: {  	_ =	shalt  }
0x53: {  	_ =	shalt  }
0x54: {  	_ =	shalt  }
0x55: {  	_ =	shalt  }
0x56: {  	_ =	shalt  }
0x57: {  	_ =	shalt  }
0x58: {  	_ =	shalt  }
0x59: {  	_ =	shalt  }
0x5a: {  	_ =	shalt  }
0x5b: {  	_ =	shalt  }
0x5c: {  	_ =	shalt  }
0x5d: {  	_ =	shalt  }
0x5e: {  	_ =	shalt  }
0x5f: {  	_ =	shalt  }
0x60: {  	_ =	shalt  }
0x61: {  	_ =	shalt  }
0x62: {  	_ =	shalt  }
0x63: {  	_ =	shalt  }
0x64: {  	_ =	shalt  }
0x65: {  	_ =	shalt  }
0x66: {  	_ =	shalt  }
0x67: {  	_ =	shalt  }
0x68: {  	_ =	shalt  }
0x69: {  	_ =	shalt  }
0x6a: {  	_ =	shalt  }
0x6b: {  	_ =	shalt  }
0x6c: {  	_ =	shalt  }
0x6d: {  	_ =	shalt  }
0x6e: {  	_ =	shalt  }
0x6f: {  	_ =	shalt  }
0x70: {  	_ =	shalt  }
0x71: {  	_ =	shalt  }
0x72: {  	_ =	shalt  }
0x73: {  	_ =	shalt  }
0x74: {  	_ =	shalt  }
0x75: {  	_ =	shalt  }
0x76: {  	_ =	shalt  }
0x77: {  	_ =	shalt  }
0x78: {  	_ =	shalt  }
0x79: {  	_ =	shalt  }
0x7a: {  	_ =	shalt  }
0x7b: {  	_ =	shalt  }
0x7c: {  	_ =	shalt  }
0x7d: {  	_ =	shalt  }
0x7e: {  	_ =	shalt  }
0x7f: {  	_ =	shalt  }
0x80: {  	_ =	shalt  }
0x81: {  	_ =	shalt  }
0x82: {  	_ =	shalt  }
0x83: {  	_ =	shalt  }
0x84: {  	_ =	shalt  }
0x85: {  	_ =	shalt  }
0x86: {  	_ =	shalt  }
0x87: {  	_ =	shalt  }
.Lfunc_end0:
.L_simem_size_0:
called_computation.3_lowered:
.L_overlay_start_0:
0x88: {  	s2 =	sld [smem:$0x3FD9]  }
0x89: {  	s3 =	sld [smem:$0x3FFE];
	_ =	sdelay $0x1  }
0x8a: {  	s1 =	srdreg.scid  }
0x8b: {  	s0 =	sand.u32 $0x1, s1  }
0x8c: {  	s17 =	sshll.u32 s0, $0xA;
	s2 =	sadd.s32 s3, s2  }
0x8d: {  	s2 =	sadd.s32 s2, s17  }
0x8e: {  	[smem:$0x3FC3] =	sst s2  }
0x8f: {  	_ = 	snop  }
0x90: {  	s2 =	sld [smem:$0x3FD0];
	(tm) =	ssettm $0x1  }
0x91: {  	s18 =	sld [smem:$0x3FFB];
	_ =	sdelay $0x3  }
0x92: {  	_ =	strace s18  }
0x93: {  	s3 =	sld [smem:$0x3FFC];
	_ =	sdelay $0x3  }
0x94: {  	_ =	strace s3  }
0x95: {  	s3 =	sld [smem:$0x3FFD];
	_ =	sdelay $0x3  }
0x96: {  	_ =	strace s3  }
0x97: {  	_ =	strace $0x8FFFFFFF  }
0x98: {  	s19 =	sld [smem:$0x3FDB];
	_ =	sdelay $0x1  }
0x99: {  	s4 =	simm.s32 $_scs_section_size  }
0x9a: {  	s5 =	simm.s32 $_size__tile_overlayer_lowered;
	s6 =	simm.s32 $_tile_overlayer_lowered  }
0x9b: {  	s22 =	simm.s32 $0x1BFF;
	s21 =	sshll.u32 s6, $0x1;
	s3 =	sadd.s32 s4, s19  }
0x9c: {  	s7 =	simm.s32 $0x0;
	s20 =	sshll.u32 s5, $0x1;
	s5 =	sadd.s32 s21, s3  }
0x9d: {  	[timem:s7], [sflag:s22] =	dma.local [hbm:s5], s20  }
0x9e: {  	_ =	swait.ge [sflag:s22], s20  }
0x9f: {  	s4 =	ssub.s32 $0x0, s20;
	[sflag:s22] =	ssyncset.done $0x0  }
0xa0: {  	[sflag:s22] =	ssyncadd.s32 s4;
	_ =	sdelay $0x1  }
0xa1: {  	s23 =	simm.s32 $0x1B8B  }
0xa2: {  	_ =	swait.ge [sflag:s23], $0x1  }
0xa3: {  	[sflag:s23] =	ssyncset.done $0x0  }
0xa4: {  	s25 =	simm.s32 $0x1B8E;
	s24 =	sld [smem:$0x3FFE];
	[sflag:s23] =	ssyncadd.s32 $0xFFFFFFFF  }
0xa5: {  	s26 =	simm.s32 $execute0_lowered;
	[smem:$0x3FD2] =	sst s25  }
0xa6: {  	s5 =	sshll.u32 s26, $0x1;
	_ =	strace $0x8000004F;
	[dreg:$0x1] =	wrdreg $0xFFFFFFFF  }
0xa7: {  	s28 =	simm.s32 $_size_execute0_lowered;
	s3 =	sadd.s32 s3, s5;
	[dreg:$0x0] =	wrdreg $0x0  }
0xa8: {  	s5 =	sshll.u32 s28, $0x1;
	[dreg:$0x2] =	wrdreg s3  }
0xa9: {  	[dreg:$0x3] =	wrdreg s5  }
0xaa: {  	[dreg:$0x4] =	wrdreg $0xC0  }
0xab: {  	_ =	task [dreg:s7], $0x5FFFF  }
0xac: {  	[dreg:$0x1] =	wrdreg $0xFFFFFFFF  }
0xad: {  	[dreg:$0x0] =	wrdreg $0x60  }
0xae: {  	[dreg:$0x2] =	wrdreg s24  }
0xaf: {  	[dreg:$0x3] =	wrdreg s2  }
0xb0: {  	[dreg:$0x4] =	wrdreg $0x70000  }
0xb1: {  	[dreg:$0x5] =	wrdreg $0x9  }
0xb2: {  	_ =	task.clear_ibuf [dreg:s7], $0x6FFFF;
	_ =	strace $0x9000004F  }
0xb3: {  	s29 =	simm.s32 $0x9;
	_ =	strace $0x80000051  }
0xb4: {  	_ =	swait.ge [sflag:s29], $0x1  }
0xb5: {  	[sflag:s29] =	ssyncadd.s32 $0xFFFFFFFF  }
0xb6: {  	_ =	strace $0x90000051  }
0xb7: {  	_ =	sfence  }
0xb8: {  	s30 =	sld [smem:$0x0];
	_ =	sdelay $0x2  }
0xb9: {  	s31 =	sshll.u32 s1, $0xD;
	s1 =	sshrl.u32 s1, $0x2  }
0xba: {  	s3 =	sand.u32 $0x4000, s31;
	s1 =	sadd.s32 s1, s30  }
0xbb: {  	s0 =	sor.u32 s3, s0;
	s1 =	sshll.u32 s1, $0x11  }
0xbc: {  	s0 =	sor.u32 s1, s0  }
0xbd: {  	s0 =	sadd.s32 $0x8F2B, s0  }
0xbe: {  	[sflag:s0] =	ssyncadd.remote.s32 $0x1  }
0xbf: {  	_ =	sfence.sel $0xFFFF  }
0xc0: {  	[dreg:$0x0] =	wrdreg $0xFFFFFFFF;
	(pc) =	sbr.abs _section_cstart, $3  }
0xc1: {  	[dreg:$0x1] =	wrdreg $0xFFFFFFFF  }
0xc2: {  	_ =	task.clear_ibuf [dreg:s7], $0x2FFFF;
	_ =	strace $0x9FFFFFFF  }
0xc3: {  	(tm) =	ssettm $0x7FFFFFFF  }
tec
execute0_lowered:
.L_overlay_start_1:
0x0: {  	(tag) =	ssettag $0x1  }
0x1: {  	s5 =	rddreg [dreg:$0x0]  }
0x2: {  	s17 =	rddreg [dreg:$0x1]  }
0x3: {  	s1 =	rddreg [dreg:$0x2]  }
0x4: {  	s2 =	srdreg.scid;
	s0 =	rddreg [dreg:$0x3];
	s3 =	simm.s32 $0x0  }
0x5: {  	s22 =	simm.s32 $0x1;
	s23 =	simm.s32 $0x2800;
	s24 =	simm.s32 $0x40  }
0x6: {  	s25 =	simm.s32 $0x0;
	s6 =	sand.u32 $0x1, s2;
	s2 =	stileid.u32  }
0x7: {  	[smem:$0x7FF] =	sst s3;
	s4 =	sadd.s32 $0x2000, s5;
	s7 =	smul.u32 $0x140000, s6  }
0x8: {  	s18 =	sadd.s32 $0x52000, s5;
	s8 =	smul.u32 $0x14000, s2;
	_ =	strace $0x80000050  }
0x9: {  	s29 =	smul.u32 $0x50000, s2;
	s9 =	ssub.s32 $0x2, s6;
	s6 =	sshll.u32 s6, $0x4  }
0xa: {  	s30 =	sshrl.u32 s9, $0x1;
	s10 =	sor.u32 s2, s6;
	s7 =	sadd.s32 s8, s7  }
0xb: {  	s31 =	sshrl.u32 s29, $0x2;
	s15 =	smul.u32 $0x5000, s10;
	s7 =	sshrl.u32 s7, $0x3  }
0xc: {  	s20 =	ssub.s32 s9, s30;
	s19 =	sadd.s32 s7, s5;
	s5 =	sadd.s32 s31, s1  }
0xd: {  	s20 =	smax.u32 s20, $0x1;
	s21 =	sshrl.u32 s15, $0x3;
	s6 =	sadd.s32 $0x2000, s5  }
0xe: {  	s7 =	sadd.s32 $0x4000, s5;
	s8 =	sadd.s32 $0x6000, s5;
	s9 =	sadd.s32 $0x8000, s5  }
0xf: {  	s10 =	sadd.s32 $0xA000, s5;
	s11 =	sadd.s32 $0xC000, s5;
	s12 =	sadd.s32 $0xE000, s5  }
0x10: {  	s13 =	sadd.s32 $0x10000, s5;
	s14 =	sadd.s32 $0x12000, s5;
	s15 =	sadd.s32 s17, s21  }
0x11: {  	s16 =	sadd.s32 s18, s21;
	s21 =	sadd.s32 $0x500, s21;
	s19 =	sadd.s32 $0x66000, s19  }
0x12: {  	v0 =	vimm.f32 $0.0e+00;
	s17 =	sadd.s32 s17, s21;
	s18 =	sadd.s32 s18, s21;
	s21 =	simm.s32 $0x5000  }
.LBB2_1:
0x13: {  	s26 =	sand.u32 $0x7E00, s3  }
0x14: {  	s28 =	sand.u32 $0x70, s3;
	s29 =	sshrl.u32 s26, $0x2  }
0x15: {  	s26 =	simm.s32 $0x40;
	s29 =	sor.u32 s28, s29;
	s28 =	simm.s32 $0x0  }
.LBB2_2:
0x16: {  	p0 =	sne.s32 s26, $0x7FC0  }
0x17: {  	[tilespmem:s29+$0x5000] =	vst v0;
	s28 =	sadd.s32 $0x10, s28;
	s29 =	smov.u32 s26;
	s26 =	sadd.s32 $0x40, s26  }
.Ltmp0:
0x18: {  	(pc) =	sbr.rel @p0 .LBB2_2-.Ltmp0, $4  }
0x19: {  	_ = 	snop  }
0x1a: {  	s29 =	sand.u32 $0x7E00, s29  }
0x1b: {  	s30 =	sand.u32 $0x70, s28;
	s29 =	sshrl.u32 s29, $0x2  }
0x1c: {  	s29 =	sor.u32 s30, s29  }
0x1d: {  	[tilespmem:s29+$0x5000] =	vst v0  }
0x1e: {  	[spmem:s5] =	stream.linear.scatter [tilespmem:s21], [sflag:$0x1], $0x2000, $0x38;
	[tilespmem:$0x1B000] =	vst v63  }
0x1f: {  	_ =	swait.ge [sflag:s22], $0x2000  }
0x20: {  	[sflag:s22] =	ssyncset.done $0x0  }
0x21: {  	[sflag:s22] =	ssyncadd.s32 $0xFFFFE000  }
0x22: {  	[spmem:s6] =	stream.linear.scatter [tilespmem:s21], [sflag:$0x1], $0x2000, $0x38;
	[tilespmem:$0x1B000] =	vst v63  }
0x23: {  	_ =	swait.ge [sflag:s22], $0x2000  }
0x24: {  	[sflag:s22] =	ssyncset.done $0x0  }
0x25: {  	[sflag:s22] =	ssyncadd.s32 $0xFFFFE000  }
0x26: {  	[spmem:s7] =	stream.linear.scatter [tilespmem:s21], [sflag:$0x1], $0x2000, $0x38;
	[tilespmem:$0x1B000] =	vst v63  }
0x27: {  	_ =	swait.ge [sflag:s22], $0x2000  }
0x28: {  	[sflag:s22] =	ssyncset.done $0x0  }
0x29: {  	[sflag:s22] =	ssyncadd.s32 $0xFFFFE000  }
0x2a: {  	[spmem:s8] =	stream.linear.scatter [tilespmem:s21], [sflag:$0x1], $0x2000, $0x38;
	[tilespmem:$0x1B000] =	vst v63  }
0x2b: {  	_ =	swait.ge [sflag:s22], $0x2000  }
0x2c: {  	[sflag:s22] =	ssyncset.done $0x0  }
0x2d: {  	[sflag:s22] =	ssyncadd.s32 $0xFFFFE000  }
0x2e: {  	[spmem:s9] =	stream.linear.scatter [tilespmem:s21], [sflag:$0x1], $0x2000, $0x38;
	[tilespmem:$0x1B000] =	vst v63  }
0x2f: {  	_ =	swait.ge [sflag:s22], $0x2000  }
0x30: {  	[sflag:s22] =	ssyncset.done $0x0  }
0x31: {  	[sflag:s22] =	ssyncadd.s32 $0xFFFFE000  }
0x32: {  	[spmem:s10] =	stream.linear.scatter [tilespmem:s21], [sflag:$0x1], $0x2000, $0x38;
	[tilespmem:$0x1B000] =	vst v63  }
0x33: {  	_ =	swait.ge [sflag:s22], $0x2000  }
0x34: {  	[sflag:s22] =	ssyncset.done $0x0  }
0x35: {  	[sflag:s22] =	ssyncadd.s32 $0xFFFFE000  }
0x36: {  	[spmem:s11] =	stream.linear.scatter [tilespmem:s21], [sflag:$0x1], $0x2000, $0x38;
	[tilespmem:$0x1B000] =	vst v63  }
0x37: {  	_ =	swait.ge [sflag:s22], $0x2000  }
0x38: {  	[sflag:s22] =	ssyncset.done $0x0  }
0x39: {  	[sflag:s22] =	ssyncadd.s32 $0xFFFFE000  }
0x3a: {  	[spmem:s12] =	stream.linear.scatter [tilespmem:s21], [sflag:$0x1], $0x2000, $0x38;
	[tilespmem:$0x1B000] =	vst v63  }
0x3b: {  	_ =	swait.ge [sflag:s22], $0x2000  }
0x3c: {  	[sflag:s22] =	ssyncset.done $0x0  }
0x3d: {  	[sflag:s22] =	ssyncadd.s32 $0xFFFFE000  }
0x3e: {  	[spmem:s13] =	stream.linear.scatter [tilespmem:s21], [sflag:$0x1], $0x2000, $0x38;
	[tilespmem:$0x1B000] =	vst v63  }
0x3f: {  	_ =	swait.ge [sflag:s22], $0x2000  }
0x40: {  	[sflag:s22] =	ssyncset.done $0x0  }
0x41: {  	[sflag:s22] =	ssyncadd.s32 $0xFFFFE000  }
0x42: {  	[spmem:s14] =	stream.linear.scatter [tilespmem:s21], [sflag:$0x1], $0x2000, $0x38;
	[tilespmem:$0x1B000] =	vst v63  }
0x43: {  	_ =	swait.ge [sflag:s22], $0x2000  }
0x44: {  	[sflag:s22] =	ssyncset.done $0x0  }
0x45: {  	s26 =	simm.s32 $0x0;
	[sflag:s22] =	ssyncadd.s32 $0xFFFFE000  }
0x46: {  	[tilespmem:s26], [sflag:$0x1] =	stream.linear.gather [hbm4b:s15+s26], $0x2800, $0x38;
	[tilespmem:$0x1B000] =	vst v63  }
0x47: {  	_ =	swait.ge [sflag:s22], $0x2800  }
0x48: {  	[sflag:s22] =	ssyncset.done $0x0  }
0x49: {  	[sflag:s22] =	ssyncadd.s32 $0xFFFFD800  }
0x4a: {  	[tilespmem:s23], [sflag:$0x1] =	stream.linear.gather [hbm4b:s16+s26], $0x2800, $0x38;
	[tilespmem:$0x1B000] =	vst v63  }
0x4b: {  	_ =	swait.ge [sflag:s22], $0x2800  }
0x4c: {  	[sflag:s22] =	ssyncset.done $0x0  }
0x4d: {  	[sflag:s22] =	ssyncadd.s32 $0xFFFFD800  }
0x4e: {  	s30 =	simm.s32 $0x0;
	[bflag:$0x0] =	sbarrier.arrive $0xFFFF  }
0x4f: {  	[tilespmem:s21], [sflag:$0x1] =	stream.indirect.gather [hbm4b:s4+s24], $0x80, s30, s24, $0xb8;
	[tilespmem:$0x1B000] =	vst v63  }
0x50: {  	_ =	swait.ge [sflag:s22], $0x2000  }
0x51: {  	[sflag:s22] =	ssyncset.done $0x0  }
0x52: {  	s31 =	simm.s32 $0x2800;
	[sflag:s22] =	ssyncadd.s32 $0xFFFFE000  }
0x53: {  	[spmem:s1] =	stream.indirect.scatter.add.f32 [tilespmem:s21], [sflag:$0x1], $0x80, s31, s24, $0xb8;
	[tilespmem:$0x1B000] =	vst v63  }
0x54: {  	_ =	swait.ge [sflag:s22], $0x2000  }
0x55: {  	s28 =	simm.s32 $0x400;
	s26 =	simm.s32 $0x200;
	[sflag:s22] =	ssyncset.done $0x0  }
.LBB2_4:
0x56: {  	s29 =	sshra.s32 s26, $0x2  }
0x57: {  	[sflag:s22] =	ssyncadd.s32 $0xFFFFE000;
	s26 =	smov.u32 s28;
	s30 =	sadd.s32 $0x200, s28  }
0x58: {  	[tilespmem:s21], [sflag:$0x1] =	stream.indirect.gather [hbm4b:s4+s24], $0x80, s29, s24, $0xb8;
	[tilespmem:$0x1B000] =	vst v63  }
0x59: {  	p0 =	sne.s32 s28, $0x9E00;
	_ =	swait.ge [sflag:s22], $0x2000  }
.Ltmp1:
0x5a: {  	[sflag:s22] =	ssyncset.done $0x0;
	(pc) =	sbr.rel @p0 .LBB2_4-.Ltmp1, $4  }
0x5b: {  	s28 =	sadd.s32 $0x2800, s29;
	[sflag:s22] =	ssyncadd.s32 $0xFFFFE000  }
0x5c: {  	[spmem:s1] =	stream.indirect.scatter.add.f32 [tilespmem:s21], [sflag:$0x1], $0x80, s28, s24, $0xb8;
	[tilespmem:$0x1B000] =	vst v63  }
0x5d: {  	_ =	swait.ge [sflag:s22], $0x2000  }
0x5e: {  	s28 =	smov.u32 s30;
	[sflag:s22] =	ssyncset.done $0x0  }
0x5f: {  	s26 =	sshra.s32 s26, $0x2;
	[sflag:s22] =	ssyncadd.s32 $0xFFFFE000  }
0x60: {  	[tilespmem:s21], [sflag:$0x1] =	stream.indirect.gather [hbm4b:s4+s24], $0x80, s26, s24, $0xb8;
	[tilespmem:$0x1B000] =	vst v63  }
0x61: {  	_ =	swait.ge [sflag:s22], $0x2000  }
0x62: {  	[sflag:s22] =	ssyncset.done $0x0  }
0x63: {  	s26 =	sadd.s32 $0x2800, s26;
	[sflag:s22] =	ssyncadd.s32 $0xFFFFE000  }
0x64: {  	[spmem:s1] =	stream.indirect.scatter.add.f32 [tilespmem:s21], [sflag:$0x1], $0x80, s26, s24, $0xb8;
	[tilespmem:$0x1B000] =	vst v63  }
0x65: {  	_ =	swait.ge [sflag:s22], $0x2000  }
0x66: {  	[sflag:s22] =	ssyncset.done $0x0  }
0x67: {  	s29 =	simm.s32 $0x0;
	[sflag:s22] =	ssyncadd.s32 $0xFFFFE000  }
0x68: {  	[tilespmem:s29], [sflag:$0x1] =	stream.linear.gather [hbm4b:s17+s29], $0x2800, $0x38;
	[tilespmem:$0x1B000] =	vst v63  }
0x69: {  	_ =	swait.ge [sflag:s22], $0x2800  }
0x6a: {  	[sflag:s22] =	ssyncset.done $0x0  }
0x6b: {  	[sflag:s22] =	ssyncadd.s32 $0xFFFFD800  }
0x6c: {  	[tilespmem:s23], [sflag:$0x1] =	stream.linear.gather [hbm4b:s18+s29], $0x2800, $0x38;
	[tilespmem:$0x1B000] =	vst v63  }
0x6d: {  	_ =	swait.ge [sflag:s22], $0x2800  }
0x6e: {  	[sflag:s22] =	ssyncset.done $0x0  }
0x6f: {  	s30 =	simm.s32 $0x0;
	[sflag:s22] =	ssyncadd.s32 $0xFFFFD800  }
0x70: {  	[tilespmem:s21], [sflag:$0x1] =	stream.indirect.gather [hbm4b:s4+s24], $0x80, s30, s24, $0xb8;
	[tilespmem:$0x1B000] =	vst v63  }
0x71: {  	_ =	swait.ge [sflag:s22], $0x2000  }
0x72: {  	[sflag:s22] =	ssyncset.done $0x0  }
0x73: {  	s31 =	simm.s32 $0x2800;
	[sflag:s22] =	ssyncadd.s32 $0xFFFFE000  }
0x74: {  	[spmem:s1] =	stream.indirect.scatter.add.f32 [tilespmem:s21], [sflag:$0x1], $0x80, s31, s24, $0xb8;
	[tilespmem:$0x1B000] =	vst v63  }
0x75: {  	_ =	swait.ge [sflag:s22], $0x2000  }
0x76: {  	s28 =	simm.s32 $0x400;
	s26 =	simm.s32 $0x200;
	[sflag:s22] =	ssyncset.done $0x0  }
.LBB2_6:
0x77: {  	s29 =	sshra.s32 s26, $0x2  }
0x78: {  	[sflag:s22] =	ssyncadd.s32 $0xFFFFE000;
	s26 =	smov.u32 s28;
	s30 =	sadd.s32 $0x200, s28  }
0x79: {  	[tilespmem:s21], [sflag:$0x1] =	stream.indirect.gather [hbm4b:s4+s24], $0x80, s29, s24, $0xb8;
	[tilespmem:$0x1B000] =	vst v63  }
0x7a: {  	p0 =	sne.s32 s28, $0x9E00;
	_ =	swait.ge [sflag:s22], $0x2000  }
.Ltmp2:
0x7b: {  	[sflag:s22] =	ssyncset.done $0x0;
	(pc) =	sbr.rel @p0 .LBB2_6-.Ltmp2, $4  }
0x7c: {  	s28 =	sadd.s32 $0x2800, s29;
	[sflag:s22] =	ssyncadd.s32 $0xFFFFE000  }
0x7d: {  	[spmem:s1] =	stream.indirect.scatter.add.f32 [tilespmem:s21], [sflag:$0x1], $0x80, s28, s24, $0xb8;
	[tilespmem:$0x1B000] =	vst v63  }
0x7e: {  	_ =	swait.ge [sflag:s22], $0x2000  }
0x7f: {  	s28 =	smov.u32 s30;
	[sflag:s22] =	ssyncset.done $0x0  }
0x80: {  	s26 =	sshra.s32 s26, $0x2;
	[sflag:s22] =	ssyncadd.s32 $0xFFFFE000  }
0x81: {  	[tilespmem:s21], [sflag:$0x1] =	stream.indirect.gather [hbm4b:s4+s24], $0x80, s26, s24, $0xb8;
	[tilespmem:$0x1B000] =	vst v63  }
0x82: {  	_ =	swait.ge [sflag:s22], $0x2000  }
0x83: {  	[sflag:s22] =	ssyncset.done $0x0  }
0x84: {  	s26 =	sadd.s32 $0x2800, s26;
	[sflag:s22] =	ssyncadd.s32 $0xFFFFE000  }
0x85: {  	[spmem:s1] =	stream.indirect.scatter.add.f32 [tilespmem:s21], [sflag:$0x1], $0x80, s26, s24, $0xb8;
	[tilespmem:$0x1B000] =	vst v63  }
0x86: {  	_ =	swait.ge [sflag:s22], $0x2000  }
0x87: {  	s31 =	sshll.u32 s2, $0x6;
	s25 =	sadd.s32 $0x1, s25;
	[sflag:s22] =	ssyncset.done $0x0  }
0x88: {  	s28 =	sshrl.u32 s5, $0x3;
	p0 =	sne.s32 s25, s20;
	[sflag:s22] =	ssyncadd.s32 $0xFFFFE000  }
.Ltmp3:
0x89: {  	s26 =	sor.u32 $0x1C01, s31;
	[bflag:$0x0] =	sbarrier.arrive $0xFFFF;
	(pc) =	sbr.rel @p0 .LBB2_1-.Ltmp3, $4  }
0x8a: {  	[hbm:s19], [sflag:s26] =	dma.local [spmem:s28], $0x2800  }
0x8b: {  	_ =	swait.ge [sflag:s22], $0x2800  }
0x8c: {  	[sflag:s22] =	ssyncset.done $0x0  }
0x8d: {  	[sflag:s22] =	ssyncadd.s32 $0xFFFFD800  }
0x8e: {  	_ =	sfence.sel $0x180000  }
0x8f: {  	[bflag:$0x0] =	sbarrier.arrive $0xFFFF  }
0x90: {  	p0 =	sne.s32 s2, $0x0;
	_ =	strace $0x90000050  }
0x91: {  	s0 =	sadd.s32 @!p0 $0x100000, s0;
	[bflag:$0x2] =	sbarrier.arrive $0xFFFF  }
0x92: {  	[sflag:s0] =	ssyncadd.tile.s32 @!p0 $0x1;
	_ =	shalt  }
.Lfunc_end2:
_tile_overlayer_lowered:
.L_overlay_start_2:
0x93: {  	(tag) =	ssettag $0x2  }
0x94: {  	s0 =	rddreg [dreg:$0x0];
	s2 =	stileid.u32  }
0x95: {  	s1 =	rddreg [dreg:$0x1];
	p0 =	sne.s32 s2, $0x0  }
0x96: {  	s3 =	rddreg [dreg:$0x2];
	[bflag:$0x3] =	sbarrier.arrive $0xFFFF;
	s2 =	simm.s32 @!p0 $0x1C01  }
0x97: {  	[timem:s3], [sflag:s2] =	dma.local @!p0 [hbm:s0], s1  }
0x98: {  	s0 =	simm.s32 @!p0 $0x1  }
0x99: {  	_ =	swait.ge @!p0 [sflag:s0], s1  }
0x9a: {  	s1 =	ssub.s32 @!p0 $0x0, s1;
	[sflag:s0] =	ssyncset.done @!p0 $0x0  }
0x9b: {  	[sflag:s0] =	ssyncadd.s32 @!p0 s1  }
0x9c: {  	[bflag:$0x3] =	sbarrier.arrive $0xFFFF  }
0x9d: {  	_ =	shalt  }

</sc_bundles>
